<compile_context>
chip_gen: v7x
topology: tpu7x:2x2x1
jax: 0.10.2.dev20260603
libtpu: 0.0.44.dev20260713+nightly
codegen_flags: <defaults>
</compile_context>

<pallas_src>
import functools

import jax
import jax.numpy as jnp
from jax import lax
from jax.experimental import pallas as pl
from jax.experimental.pallas import tpu as pltpu
from jax.experimental.pallas import tpu_sc as plsc

N_COLS = 26
VOCAB = 100000
B = 16384
D = 100
DP = 128
OUT = 16
AGG = N_COLS * OUT
TOTAL = N_COLS * B
GROWS = N_COLS * DP

NW = 32
BCHUNK = 8192
NB = B // BCHUNK


def _sc_gather_body(emb_t, ids_flat, out_hbm, slab_v, idx_v, out_v, sem):
    nc = plsc.get_sparse_core_info().num_cores
    wid = lax.axis_index("s") * nc + lax.axis_index("c")
    zeros16 = jnp.zeros((16,), jnp.int32)

    UNROLL = 16

    def col_body(c, carry0):
        pltpu.sync_copy(ids_flat.at[pl.ds(c * B, B)], idx_v)

        def k_body(k, carry1):
            d = k * NW + wid

            @pl.when(d < D)
            def _():
                pltpu.sync_copy(emb_t.at[c].at[pl.ds(d, 1)], slab_v)
                row = c * DP + d
                for bc in range(NB):

                    def select(m, carry):
                        for u in range(UNROLL):
                            off = (m * UNROLL + u) * 16
                            ids16 = idx_v[pl.ds(bc * BCHUNK + off, 16)]
                            vals = plsc.load_gather(slab_v, [zeros16, ids16])
                            out_v[pl.ds(off, 16)] = vals
                        return carry

                    lax.fori_loop(0, BCHUNK // 16 // UNROLL, select, 0)
                    pltpu.sync_copy(
                        out_v,
                        out_hbm.at[row].at[pl.ds(bc * BCHUNK, BCHUNK)])

            return carry1

        lax.fori_loop(0, 4, k_body, 0)
        return carry0

    lax.fori_loop(0, N_COLS, col_body, 0)


@functools.cache
def _make_sc_gather():
    return functools.partial(
        pl.kernel,
        mesh=plsc.VectorSubcoreMesh(core_axis_name="c", subcore_axis_name="s"),
        compiler_params=pltpu.CompilerParams(needs_layout_passes=False),
        out_type=jax.ShapeDtypeStruct((GROWS, B), jnp.float32),
        scratch_types=[
            pltpu.VMEM((1, VOCAB), jnp.float32),
            pltpu.VMEM((B,), jnp.int32),
            pltpu.VMEM((BCHUNK,), jnp.float32),
            pltpu.SemaphoreType.DMA,
        ],
    )(_sc_gather_body)


BLK = 1024
_SQRT_HALF = 0.7071067811865476


def _gelu(x):
    return 0.5 * x * (1.0 + lax.erf(x * _SQRT_HALF))


def _mlp_body(x_ref, w_ref, cb_ref, p_ref,
              asc_ref, abi_ref, w1_ref, b1_ref, w2_ref, b2_ref, hw_ref, hb_ref,
              logits_ref, feats_ref):
    cb = cb_ref[...]
    acc = jnp.zeros((BLK, AGG), jnp.float32)
    dn = (((0,), (0,)), ((), ()))
    for c in range(N_COLS):
        xc = x_ref[pl.ds(c * DP, D), :]
        s1 = jnp.sum(xc, axis=0, keepdims=True)
        s2 = jnp.sum(xc * xc, axis=0, keepdims=True)
        mean = s1 * (1.0 / D)
        var = s2 * (1.0 / D) - mean * mean
        xn = (xc - mean) * lax.rsqrt(var + 1e-5)
        g = lax.dot_general(xn, w_ref[c], dn,
                            preferred_element_type=jnp.float32)
        g = _gelu(g + lax.slice(cb, (c, 0), (c + 1, OUT)))
        acc = acc + jnp.dot(g.astype(jnp.bfloat16), p_ref[c],
                            preferred_element_type=jnp.float32)
    m2 = jnp.mean(acc, axis=1, keepdims=True)
    v2 = jnp.mean(acc * acc, axis=1, keepdims=True) - m2 * m2
    h = (acc - m2) * lax.rsqrt(v2 + 1e-5) * asc_ref[...] + abi_ref[...]
    h1 = jnp.dot(h.astype(jnp.bfloat16), w1_ref[...],
                 preferred_element_type=jnp.float32) + b1_ref[...]
    h1 = _gelu(h1)
    feats = jnp.dot(h1, w2_ref[...], preferred_element_type=jnp.float32) + b2_ref[...]
    logits = jnp.dot(feats, hw_ref[...], preferred_element_type=jnp.float32) + hb_ref[...]
    feats_ref[...] = feats
    logits_ref[...] = logits


def _full(shape):
    return pl.BlockSpec(shape, lambda i: (0,) * len(shape))


_mlp = pl.pallas_call(
    _mlp_body,
    grid=(B // BLK,),
    in_specs=[
        pl.BlockSpec((GROWS, BLK), lambda i: (0, i)),
        _full((N_COLS, D, OUT)),
        _full((N_COLS, OUT)),
        _full((N_COLS, OUT, AGG)),
        _full((1, AGG)),
        _full((1, AGG)),
        _full((AGG, AGG)),
        _full((1, AGG)),
        _full((AGG, OUT)),
        _full((1, OUT)),
        _full((OUT, 2)),
        _full((1, 2)),
    ],
    out_specs=[
        pl.BlockSpec((BLK, 2), lambda i: (i, 0)),
        pl.BlockSpec((BLK, OUT), lambda i: (i, 0)),
    ],
    out_shape=[
        jax.ShapeDtypeStruct((B, 2), jnp.float32),
        jax.ShapeDtypeStruct((B, OUT), jnp.float32),
    ],
    compiler_params=pltpu.CompilerParams(vmem_limit_bytes=100 * 1024 * 1024),
)


def kernel(categorical_ids, emb, col_ln_scale, col_ln_bias, col_W, col_b,
           agg_ln_scale, agg_ln_bias, agg_W1, agg_b1, agg_W2, agg_b2,
           head_W, head_b):
    emb_t = jnp.transpose(emb, (0, 2, 1))
    ids_flat = categorical_ids.reshape(TOTAL)
    gathered = _make_sc_gather()(emb_t, ids_flat)

    w_fold = col_ln_scale[:, :, None] * col_W
    cb_fold = jnp.einsum("cd,cdo->co", col_ln_bias, col_W) + col_b
    p = (jnp.eye(N_COLS, dtype=jnp.bfloat16)[:, None, :, None]
         * jnp.eye(OUT, dtype=jnp.bfloat16)[None, :, None, :]).reshape(
             N_COLS, OUT, AGG)

    logits, feats = _mlp(
        gathered, w_fold, cb_fold, p,
        agg_ln_scale.reshape(1, AGG), agg_ln_bias.reshape(1, AGG),
        agg_W1.astype(jnp.bfloat16), agg_b1.reshape(1, AGG),
        agg_W2, agg_b2.reshape(1, OUT),
        head_W, head_b.reshape(1, 2),
    )
    return (logits, feats)

# --- scband reference (transcript-rebuilt; emitter-appended) ---
"""Pipeline reference for scband-categorical-mlp-10050223472739 (READ-ONLY COPY).

The authoritative reference and input builder live on the scoring server;
editing this copy changes nothing except your own understanding.
"""

import jax, jax.numpy as jnp
import numpy as np

N_COLS = 26
VOCAB = 100000
B = 16384
EMB_DIM = int(max(2, min(100, 1.6 * VOCAB ** 0.56)))  # = 100
OUT = 16
AGG = N_COLS * OUT  # 416
NUM_CLASSES = 2


def _layer_norm(x, scale, bias, eps=1e-5):
    mu = jnp.mean(x, axis=-1, keepdims=True)
    var = jnp.var(x, axis=-1, keepdims=True)
    return (x - mu) / jnp.sqrt(var + eps) * scale + bias


def setup_inputs(seed: int = 0):
    key = jax.random.key(seed)
    ks = jax.random.split(key, 8)
    inp = {}
    inp["categorical_ids"] = jax.random.randint(ks[0], (N_COLS, B), 0, VOCAB, dtype=jnp.int32)
    inp["emb"] = jax.random.normal(ks[1], (N_COLS, VOCAB, EMB_DIM), dtype=jnp.float32) * 0.02
    inp["col_ln_scale"] = jnp.ones((N_COLS, EMB_DIM), dtype=jnp.float32)
    inp["col_ln_bias"] = jnp.zeros((N_COLS, EMB_DIM), dtype=jnp.float32)
    inp["col_W"] = jax.random.normal(ks[2], (N_COLS, EMB_DIM, OUT), dtype=jnp.float32) * 0.02
    inp["col_b"] = jnp.zeros((N_COLS, OUT), dtype=jnp.float32)
    inp["agg_ln_scale"] = jnp.ones((AGG,), dtype=jnp.float32)
    inp["agg_ln_bias"] = jnp.zeros((AGG,), dtype=jnp.float32)
    inp["agg_W1"] = jax.random.normal(ks[3], (AGG, AGG), dtype=jnp.float32) * 0.02
    inp["agg_b1"] = jnp.zeros((AGG,), dtype=jnp.float32)
    inp["agg_W2"] = jax.random.normal(ks[4], (AGG, OUT), dtype=jnp.float32) * 0.02
    inp["agg_b2"] = jnp.zeros((OUT,), dtype=jnp.float32)
    inp["head_W"] = jax.random.normal(ks[5], (OUT, NUM_CLASSES), dtype=jnp.float32) * 0.02
    inp["head_b"] = jnp.zeros((NUM_CLASSES,), dtype=jnp.float32)
    return inp


def reference(categorical_ids, emb, col_ln_scale, col_ln_bias, col_W, col_b, agg_ln_scale, agg_ln_bias, agg_W1, agg_b1, agg_W2, agg_b2, head_W, head_b):
    # Per-column embedding lookup: [C, B, EMB_DIM]
    gathered = jax.vmap(lambda t, i: jnp.take(t, i, axis=0))(emb, categorical_ids)
    # Per-column MLP Unit (eval mode, dropout = identity): LN -> Linear -> GELU
    x = _layer_norm(gathered, col_ln_scale[:, None, :], col_ln_bias[:, None, :])
    x = jnp.einsum('cbd,cdo->cbo', x, col_W) + col_b[:, None, :]
    x = jax.nn.gelu(x, approximate=False)
    # torch.cat(features, dim=1) in column order -> [B, C*OUT]
    cat_features = jnp.transpose(x, (1, 0, 2)).reshape(B, AGG)
    # Aggregator MLP: LN -> Linear(AGG,AGG) -> GELU -> Linear(AGG,OUT)
    h = _layer_norm(cat_features, agg_ln_scale, agg_ln_bias)
    h = jnp.dot(h, agg_W1) + agg_b1
    h = jax.nn.gelu(h, approximate=False)
    features = jnp.dot(h, agg_W2) + agg_b2
    logits = jnp.dot(features, head_W) + head_b
    return (logits, features)

if __name__ == "__main__":
    import jax
    _d = setup_inputs()
    print(jax.jit(kernel)(*tuple(_d.values())))

</pallas_src>

<mosaic_0001>
#map = affine_map<(d0, d1) -> (0, 0, 0)>
#map1 = affine_map<(d0, d1) -> (0)>
#map2 = affine_map<(d0, d1) -> (0, 0)>
module attributes {stable_mosaic.version = 14 : i64} {
  func.func @_sc_gather_body(%arg0: i32, %arg1: i32, %arg2: memref<26x100x100000xf32, #tpu.memory_space<hbm>>, %arg3: memref<425984xi32, #tpu.memory_space<hbm>>, %arg4: memref<3328x16384xf32, #tpu.memory_space<hbm>>, %arg5: memref<1x100000xf32, #tpu.memory_space<vmem>>, %arg6: memref<16384xi32, #tpu.memory_space<vmem>>, %arg7: memref<8192xf32, #tpu.memory_space<vmem>>, %arg8: memref<!tpu.dma_semaphore, #tpu.memory_space<semaphore_mem>>) attributes {dimension_semantics = [#tpu.dimension_semantics<core_parallel>, #tpu.dimension_semantics<subcore_parallel>], iteration_bounds = array<i64: 2, 16>, scalar_prefetch = 0 : i64, scratch_operands = 4 : i64, tpu.core_type = #tpu.core_type<sc_vector_subcore>, window_params = [{transform_indices = #map}, {transform_indices = #map1}, {transform_indices = #map2}]} {
    %mul3A = arith.constant 2 : i32
    %mul3A_0 = arith.muli %arg1, %mul3A : i32
    %add3A = arith.addi %mul3A_0, %arg0 : i32
    %broadcast_in_dim3A = arith.constant 0 : i32
    %broadcast_in_dim3A_1 = vector.broadcast %broadcast_in_dim3A : i32 to vector<16xi32>
    %scan3A = arith.constant 0 : i32
    %scan3A_2 = arith.constant 0 : i32
    %scan3A_3 = arith.constant 26 : i32
    %scan3A_4 = arith.addi %scan3A_2, %scan3A_3 : i32
    %scan3A_5 = arith.constant 1 : i32
    scf.for %scan3A_7 = %scan3A_2 to %scan3A_4 step %scan3A_5  : i32 {
      %mul3A_8 = arith.constant 16384 : i32
      %mul3A_9 = arith.muli %scan3A_7, %mul3A_8 : i32
      "tpu.region"() ({
        %run_scoped3A = tpu.sem_alloc : memref<!tpu.dma_semaphore, #tpu.memory_space<semaphore_mem>>
        %dma_start3A = tpu.memref_slice %arg3[%mul3A_9] : memref<425984xi32, #tpu.memory_space<hbm>> -> memref<16384xi32, #tpu.memory_space<hbm>>
        %dma_start3A_16 = tpu.memref_slice %arg3[%mul3A_9] : memref<425984xi32, #tpu.memory_space<hbm>> -> memref<16384xi32, #tpu.memory_space<hbm>>
        tpu.enqueue_dma source(%dma_start3A_16 : memref<16384xi32, #tpu.memory_space<hbm>>) target(%arg6 : memref<16384xi32, #tpu.memory_space<vmem>>) target_semaphore(%run_scoped3A : memref<!tpu.dma_semaphore, #tpu.memory_space<semaphore_mem>>)
        %dma_wait3A = tpu.memref_slice %arg3[%mul3A_9] : memref<425984xi32, #tpu.memory_space<hbm>> -> memref<16384xi32, #tpu.memory_space<hbm>>
        %dma_wait3A_17 = tpu.memref_slice %arg3[%mul3A_9] : memref<425984xi32, #tpu.memory_space<hbm>> -> memref<16384xi32, #tpu.memory_space<hbm>>
        tpu.wait_dma2 semaphore(%run_scoped3A : memref<!tpu.dma_semaphore, #tpu.memory_space<semaphore_mem>>) src(%dma_wait3A_17 : memref<16384xi32, #tpu.memory_space<hbm>>) dst(%arg6 : memref<16384xi32, #tpu.memory_space<vmem>>)
        tpu.yield
      }) : () -> ()
      %scan3A_10 = arith.constant 0 : i32
      %scan3A_11 = arith.constant 0 : i32
      %scan3A_12 = arith.constant 4 : i32
      %scan3A_13 = arith.addi %scan3A_11, %scan3A_12 : i32
      %scan3A_14 = arith.constant 1 : i32
      scf.for %scan3A_16 = %scan3A_11 to %scan3A_13 step %scan3A_14  : i32 {
        %mul3A_17 = arith.constant 32 : i32
        %mul3A_18 = arith.muli %scan3A_16, %mul3A_17 : i32
        %add3A_19 = arith.addi %mul3A_18, %add3A : i32
        %lt3A = arith.constant 100 : i32
        %lt3A_20 = arith.cmpi slt, %add3A_19, %lt3A : i32
        %convert_element_type3A = arith.extui %lt3A_20 : i1 to i32
        %cond3A = arith.constant 0 : i32
        %cond3A_21 = arith.cmpi ne, %convert_element_type3A, %cond3A : i32
        scf.if %cond3A_21 {
          "tpu.region"() ({
            %run_scoped3A = tpu.sem_alloc : memref<!tpu.dma_semaphore, #tpu.memory_space<semaphore_mem>>
            %dma_start3A = arith.constant 0 : i32
            %dma_start3A_37 = arith.constant 0 : i32
            %dma_start3A_38 = tpu.memref_slice %arg2[%scan3A_7, %dma_start3A, %dma_start3A_37] : memref<26x100x100000xf32, #tpu.memory_space<hbm>> -> memref<1x100x100000xf32, #tpu.memory_space<hbm>>
            %dma_start3A_39 = tpu.memref_squeeze %dma_start3A_38 : memref<1x100x100000xf32, #tpu.memory_space<hbm>> -> memref<100x100000xf32, #tpu.memory_space<hbm>>
            %dma_start3A_40 = arith.constant 0 : i32
            %dma_start3A_41 = tpu.memref_slice %dma_start3A_39[%add3A_19, %dma_start3A_40] : memref<100x100000xf32, #tpu.memory_space<hbm>> -> memref<1x100000xf32, #tpu.memory_space<hbm>>
            %dma_start3A_42 = arith.constant 0 : i32
            %dma_start3A_43 = arith.constant 0 : i32
            %dma_start3A_44 = tpu.memref_slice %arg2[%scan3A_7, %dma_start3A_42, %dma_start3A_43] : memref<26x100x100000xf32, #tpu.memory_space<hbm>> -> memref<1x100x100000xf32, #tpu.memory_space<hbm>>
            %dma_start3A_45 = tpu.memref_squeeze %dma_start3A_44 : memref<1x100x100000xf32, #tpu.memory_space<hbm>> -> memref<100x100000xf32, #tpu.memory_space<hbm>>
            %dma_start3A_46 = arith.constant 0 : i32
            %dma_start3A_47 = tpu.memref_slice %dma_start3A_45[%add3A_19, %dma_start3A_46] : memref<100x100000xf32, #tpu.memory_space<hbm>> -> memref<1x100000xf32, #tpu.memory_space<hbm>>
            tpu.enqueue_dma source(%dma_start3A_47 : memref<1x100000xf32, #tpu.memory_space<hbm>>) target(%arg5 : memref<1x100000xf32, #tpu.memory_space<vmem>>) target_semaphore(%run_scoped3A : memref<!tpu.dma_semaphore, #tpu.memory_space<semaphore_mem>>)
            %dma_wait3A = arith.constant 0 : i32
            %dma_wait3A_48 = arith.constant 0 : i32
            %dma_wait3A_49 = tpu.memref_slice %arg2[%scan3A_7, %dma_wait3A, %dma_wait3A_48] : memref<26x100x100000xf32, #tpu.memory_space<hbm>> -> memref<1x100x100000xf32, #tpu.memory_space<hbm>>
            %dma_wait3A_50 = tpu.memref_squeeze %dma_wait3A_49 : memref<1x100x100000xf32, #tpu.memory_space<hbm>> -> memref<100x100000xf32, #tpu.memory_space<hbm>>
            %dma_wait3A_51 = arith.constant 0 : i32
            %dma_wait3A_52 = tpu.memref_slice %dma_wait3A_50[%add3A_19, %dma_wait3A_51] : memref<100x100000xf32, #tpu.memory_space<hbm>> -> memref<1x100000xf32, #tpu.memory_space<hbm>>
            %dma_wait3A_53 = arith.constant 0 : i32
            %dma_wait3A_54 = arith.constant 0 : i32
            %dma_wait3A_55 = tpu.memref_slice %arg2[%scan3A_7, %dma_wait3A_53, %dma_wait3A_54] : memref<26x100x100000xf32, #tpu.memory_space<hbm>> -> memref<1x100x100000xf32, #tpu.memory_space<hbm>>
            %dma_wait3A_56 = tpu.memref_squeeze %dma_wait3A_55 : memref<1x100x100000xf32, #tpu.memory_space<hbm>> -> memref<100x100000xf32, #tpu.memory_space<hbm>>
            %dma_wait3A_57 = arith.constant 0 : i32
            %dma_wait3A_58 = tpu.memref_slice %dma_wait3A_56[%add3A_19, %dma_wait3A_57] : memref<100x100000xf32, #tpu.memory_space<hbm>> -> memref<1x100000xf32, #tpu.memory_space<hbm>>
            tpu.wait_dma2 semaphore(%run_scoped3A : memref<!tpu.dma_semaphore, #tpu.memory_space<semaphore_mem>>) src(%dma_wait3A_58 : memref<1x100000xf32, #tpu.memory_space<hbm>>) dst(%arg5 : memref<1x100000xf32, #tpu.memory_space<vmem>>)
            tpu.yield
          }) : () -> ()
          %mul3A_22 = arith.constant 128 : i32
          %mul3A_23 = arith.muli %scan3A_7, %mul3A_22 : i32
          %add3A_24 = arith.addi %mul3A_23, %add3A_19 : i32
          %scan3A_25 = arith.constant 0 : i32
          %scan3A_26 = arith.constant 0 : i32
          %scan3A_27 = arith.constant 32 : i32
          %scan3A_28 = arith.addi %scan3A_26, %scan3A_27 : i32
          %scan3A_29 = arith.constant 1 : i32
          scf.for %scan3A_37 = %scan3A_26 to %scan3A_28 step %scan3A_29  : i32 {
            %mul3A_38 = arith.constant 16 : i32
            %mul3A_39 = arith.muli %scan3A_37, %mul3A_38 : i32
            %add3A_40 = arith.constant 0 : i32
            %add3A_41 = arith.addi %mul3A_39, %add3A_40 : i32
            %mul3A_42 = arith.constant 16 : i32
            %mul3A_43 = arith.muli %add3A_41, %mul3A_42 : i32
            %add3A_44 = arith.constant 0 : i32
            %add3A_45 = arith.addi %add3A_44, %mul3A_43 : i32
            %get3A = arith.index_cast %add3A_45 : i32 to index
            %get3A_46 = tpu.vector_load %arg6[%get3A] {strides = array<i32>} : memref<16384xi32, #tpu.memory_space<vmem>>, vector<16xi32>,
            %gather3A = tpu.vector_load_idx %arg5[%broadcast_in_dim3A_1, %get3A_46] : memref<1x100000xf32, #tpu.memory_space<vmem>>[vector<16xi32>, vector<16xi32>], vector<16xf32>,
            %swap3A = arith.index_cast %mul3A_43 : i32 to index
            %swap3A_47 = tpu.vector_load %arg7[%swap3A] {strides = array<i32>} : memref<8192xf32, #tpu.memory_space<vmem>>, vector<16xf32>,
            tpu.vector_store %arg7[%swap3A], %gather3A {strides = array<i32>} : memref<8192xf32, #tpu.memory_space<vmem>>, vector<16xf32>,
            %mul3A_48 = arith.constant 16 : i32
            %mul3A_49 = arith.muli %scan3A_37, %mul3A_48 : i32
            %add3A_50 = arith.constant 1 : i32
            %add3A_51 = arith.addi %mul3A_49, %add3A_50 : i32
            %mul3A_52 = arith.constant 16 : i32
            %mul3A_53 = arith.muli %add3A_51, %mul3A_52 : i32
            %add3A_54 = arith.constant 0 : i32
            %add3A_55 = arith.addi %add3A_54, %mul3A_53 : i32
            %get3A_56 = arith.index_cast %add3A_55 : i32 to index
            %get3A_57 = tpu.vector_load %arg6[%get3A_56] {strides = array<i32>} : memref<16384xi32, #tpu.memory_space<vmem>>, vector<16xi32>,
            %gather3A_58 = tpu.vector_load_idx %arg5[%broadcast_in_dim3A_1, %get3A_57] : memref<1x100000xf32, #tpu.memory_space<vmem>>[vector<16xi32>, vector<16xi32>], vector<16xf32>,
            %swap3A_59 = arith.index_cast %mul3A_53 : i32 to index
            %swap3A_60 = tpu.vector_load %arg7[%swap3A_59] {strides = array<i32>} : memref<8192xf32, #tpu.memory_space<vmem>>, vector<16xf32>,
            tpu.vector_store %arg7[%swap3A_59], %gather3A_58 {strides = array<i32>} : memref<8192xf32, #tpu.memory_space<vmem>>, vector<16xf32>,
            %mul3A_61 = arith.constant 16 : i32
            %mul3A_62 = arith.muli %scan3A_37, %mul3A_61 : i32
            %add3A_63 = arith.constant 2 : i32
            %add3A_64 = arith.addi %mul3A_62, %add3A_63 : i32
            %mul3A_65 = arith.constant 16 : i32
            %mul3A_66 = arith.muli %add3A_64, %mul3A_65 : i32
            %add3A_67 = arith.constant 0 : i32
            %add3A_68 = arith.addi %add3A_67, %mul3A_66 : i32
            %get3A_69 = arith.index_cast %add3A_68 : i32 to index
            %get3A_70 = tpu.vector_load %arg6[%get3A_69] {strides = array<i32>} : memref<16384xi32, #tpu.memory_space<vmem>>, vector<16xi32>,
            %gather3A_71 = tpu.vector_load_idx %arg5[%broadcast_in_dim3A_1, %get3A_70] : memref<1x100000xf32, #tpu.memory_space<vmem>>[vector<16xi32>, vector<16xi32>], vector<16xf32>,
            %swap3A_72 = arith.index_cast %mul3A_66 : i32 to index
            %swap3A_73 = tpu.vector_load %arg7[%swap3A_72] {strides = array<i32>} : memref<8192xf32, #tpu.memory_space<vmem>>, vector<16xf32>,
            tpu.vector_store %arg7[%swap3A_72], %gather3A_71 {strides = array<i32>} : memref<8192xf32, #tpu.memory_space<vmem>>, vector<16xf32>,
            %mul3A_74 = arith.constant 16 : i32
            %mul3A_75 = arith.muli %scan3A_37, %mul3A_74 : i32
            %add3A_76 = arith.constant 3 : i32
            %add3A_77 = arith.addi %mul3A_75, %add3A_76 : i32
            %mul3A_78 = arith.constant 16 : i32
            %mul3A_79 = arith.muli %add3A_77, %mul3A_78 : i32
            %add3A_80 = arith.constant 0 : i32
            %add3A_81 = arith.addi %add3A_80, %mul3A_79 : i32
            %get3A_82 = arith.index_cast %add3A_81 : i32 to index
            %get3A_83 = tpu.vector_load %arg6[%get3A_82] {strides = array<i32>} : memref<16384xi32, #tpu.memory_space<vmem>>, vector<16xi32>,
            %gather3A_84 = tpu.vector_load_idx %arg5[%broadcast_in_dim3A_1, %get3A_83] : memref<1x100000xf32, #tpu.memory_space<vmem>>[vector<16xi32>, vector<16xi32>], vector<16xf32>,
            %swap3A_85 = arith.index_cast %mul3A_79 : i32 to index
            %swap3A_86 = tpu.vector_load %arg7[%swap3A_85] {strides = array<i32>} : memref<8192xf32, #tpu.memory_space<vmem>>, vector<16xf32>,
            tpu.vector_store %arg7[%swap3A_85], %gather3A_84 {strides = array<i32>} : memref<8192xf32, #tpu.memory_space<vmem>>, vector<16xf32>,
            %mul3A_87 = arith.constant 16 : i32
            %mul3A_88 = arith.muli %scan3A_37, %mul3A_87 : i32
            %add3A_89 = arith.constant 4 : i32
            %add3A_90 = arith.addi %mul3A_88, %add3A_89 : i32
            %mul3A_91 = arith.constant 16 : i32
            %mul3A_92 = arith.muli %add3A_90, %mul3A_91 : i32
            %add3A_93 = arith.constant 0 : i32
            %add3A_94 = arith.addi %add3A_93, %mul3A_92 : i32
            %get3A_95 = arith.index_cast %add3A_94 : i32 to index
            %get3A_96 = tpu.vector_load %arg6[%get3A_95] {strides = array<i32>} : memref<16384xi32, #tpu.memory_space<vmem>>, vector<16xi32>,
            %gather3A_97 = tpu.vector_load_idx %arg5[%broadcast_in_dim3A_1, %get3A_96] : memref<1x100000xf32, #tpu.memory_space<vmem>>[vector<16xi32>, vector<16xi32>], vector<16xf32>,
            %swap3A_98 = arith.index_cast %mul3A_92 : i32 to index
            %swap3A_99 = tpu.vector_load %arg7[%swap3A_98] {strides = array<i32>} : memref<8192xf32, #tpu.memory_space<vmem>>, vector<16xf32>,
            tpu.vector_store %arg7[%swap3A_98], %gather3A_97 {strides = array<i32>} : memref<8192xf32, #tpu.memory_space<vmem>>, vector<16xf32>,
            %mul3A_100 = arith.constant 16 : i32
            %mul3A_101 = arith.muli %scan3A_37, %mul3A_100 : i32
            %add3A_102 = arith.constant 5 : i32
            %add3A_103 = arith.addi %mul3A_101, %add3A_102 : i32
            %mul3A_104 = arith.constant 16 : i32
            %mul3A_105 = arith.muli %add3A_103, %mul3A_104 : i32
            %add3A_106 = arith.constant 0 : i32
            %add3A_107 = arith.addi %add3A_106, %mul3A_105 : i32
            %get3A_108 = arith.index_cast %add3A_107 : i32 to index
            %get3A_109 = tpu.vector_load %arg6[%get3A_108] {strides = array<i32>} : memref<16384xi32, #tpu.memory_space<vmem>>, vector<16xi32>,
            %gather3A_110 = tpu.vector_load_idx %arg5[%broadcast_in_dim3A_1, %get3A_109] : memref<1x100000xf32, #tpu.memory_space<vmem>>[vector<16xi32>, vector<16xi32>], vector<16xf32>,
            %swap3A_111 = arith.index_cast %mul3A_105 : i32 to index
            %swap3A_112 = tpu.vector_load %arg7[%swap3A_111] {strides = array<i32>} : memref<8192xf32, #tpu.memory_space<vmem>>, vector<16xf32>,
            tpu.vector_store %arg7[%swap3A_111], %gather3A_110 {strides = array<i32>} : memref<8192xf32, #tpu.memory_space<vmem>>, vector<16xf32>,
            %mul3A_113 = arith.constant 16 : i32
            %mul3A_114 = arith.muli %scan3A_37, %mul3A_113 : i32
            %add3A_115 = arith.constant 6 : i32
            %add3A_116 = arith.addi %mul3A_114, %add3A_115 : i32
            %mul3A_117 = arith.constant 16 : i32
            %mul3A_118 = arith.muli %add3A_116, %mul3A_117 : i32
            %add3A_119 = arith.constant 0 : i32
            %add3A_120 = arith.addi %add3A_119, %mul3A_118 : i32
            %get3A_121 = arith.index_cast %add3A_120 : i32 to index
            %get3A_122 = tpu.vector_load %arg6[%get3A_121] {strides = array<i32>} : memref<16384xi32, #tpu.memory_space<vmem>>, vector<16xi32>,
            %gather3A_123 = tpu.vector_load_idx %arg5[%broadcast_in_dim3A_1, %get3A_122] : memref<1x100000xf32, #tpu.memory_space<vmem>>[vector<16xi32>, vector<16xi32>], vector<16xf32>,
            %swap3A_124 = arith.index_cast %mul3A_118 : i32 to index
            %swap3A_125 = tpu.vector_load %arg7[%swap3A_124] {strides = array<i32>} : memref<8192xf32, #tpu.memory_space<vmem>>, vector<16xf32>,
            tpu.vector_store %arg7[%swap3A_124], %gather3A_123 {strides = array<i32>} : memref<8192xf32, #tpu.memory_space<vmem>>, vector<16xf32>,
            %mul3A_126 = arith.constant 16 : i32
            %mul3A_127 = arith.muli %scan3A_37, %mul3A_126 : i32
            %add3A_128 = arith.constant 7 : i32
            %add3A_129 = arith.addi %mul3A_127, %add3A_128 : i32
            %mul3A_130 = arith.constant 16 : i32
            %mul3A_131 = arith.muli %add3A_129, %mul3A_130 : i32
            %add3A_132 = arith.constant 0 : i32
            %add3A_133 = arith.addi %add3A_132, %mul3A_131 : i32
            %get3A_134 = arith.index_cast %add3A_133 : i32 to index
            %get3A_135 = tpu.vector_load %arg6[%get3A_134] {strides = array<i32>} : memref<16384xi32, #tpu.memory_space<vmem>>, vector<16xi32>,
            %gather3A_136 = tpu.vector_load_idx %arg5[%broadcast_in_dim3A_1, %get3A_135] : memref<1x100000xf32, #tpu.memory_space<vmem>>[vector<16xi32>, vector<16xi32>], vector<16xf32>,
            %swap3A_137 = arith.index_cast %mul3A_131 : i32 to index
            %swap3A_138 = tpu.vector_load %arg7[%swap3A_137] {strides = array<i32>} : memref<8192xf32, #tpu.memory_space<vmem>>, vector<16xf32>,
            tpu.vector_store %arg7[%swap3A_137], %gather3A_136 {strides = array<i32>} : memref<8192xf32, #tpu.memory_space<vmem>>, vector<16xf32>,
            %mul3A_139 = arith.constant 16 : i32
            %mul3A_140 = arith.muli %scan3A_37, %mul3A_139 : i32
            %add3A_141 = arith.constant 8 : i32
            %add3A_142 = arith.addi %mul3A_140, %add3A_141 : i32
            %mul3A_143 = arith.constant 16 : i32
            %mul3A_144 = arith.muli %add3A_142, %mul3A_143 : i32
            %add3A_145 = arith.constant 0 : i32
            %add3A_146 = arith.addi %add3A_145, %mul3A_144 : i32
            %get3A_147 = arith.index_cast %add3A_146 : i32 to index
            %get3A_148 = tpu.vector_load %arg6[%get3A_147] {strides = array<i32>} : memref<16384xi32, #tpu.memory_space<vmem>>, vector<16xi32>,
            %gather3A_149 = tpu.vector_load_idx %arg5[%broadcast_in_dim3A_1, %get3A_148] : memref<1x100000xf32, #tpu.memory_space<vmem>>[vector<16xi32>, vector<16xi32>], vector<16xf32>,
            %swap3A_150 = arith.index_cast %mul3A_144 : i32 to index
            %swap3A_151 = tpu.vector_load %arg7[%swap3A_150] {strides = array<i32>} : memref<8192xf32, #tpu.memory_space<vmem>>, vector<16xf32>,
            tpu.vector_store %arg7[%swap3A_150], %gather3A_149 {strides = array<i32>} : memref<8192xf32, #tpu.memory_space<vmem>>, vector<16xf32>,
            %mul3A_152 = arith.constant 16 : i32
            %mul3A_153 = arith.muli %scan3A_37, %mul3A_152 : i32
            %add3A_154 = arith.constant 9 : i32
            %add3A_155 = arith.addi %mul3A_153, %add3A_154 : i32
            %mul3A_156 = arith.constant 16 : i32
            %mul3A_157 = arith.muli %add3A_155, %mul3A_156 : i32
            %add3A_158 = arith.constant 0 : i32
            %add3A_159 = arith.addi %add3A_158, %mul3A_157 : i32
            %get3A_160 = arith.index_cast %add3A_159 : i32 to index
            %get3A_161 = tpu.vector_load %arg6[%get3A_160] {strides = array<i32>} : memref<16384xi32, #tpu.memory_space<vmem>>, vector<16xi32>,
            %gather3A_162 = tpu.vector_load_idx %arg5[%broadcast_in_dim3A_1, %get3A_161] : memref<1x100000xf32, #tpu.memory_space<vmem>>[vector<16xi32>, vector<16xi32>], vector<16xf32>,
            %swap3A_163 = arith.index_cast %mul3A_157 : i32 to index
            %swap3A_164 = tpu.vector_load %arg7[%swap3A_163] {strides = array<i32>} : memref<8192xf32, #tpu.memory_space<vmem>>, vector<16xf32>,
            tpu.vector_store %arg7[%swap3A_163], %gather3A_162 {strides = array<i32>} : memref<8192xf32, #tpu.memory_space<vmem>>, vector<16xf32>,
            %mul3A_165 = arith.constant 16 : i32
            %mul3A_166 = arith.muli %scan3A_37, %mul3A_165 : i32
            %add3A_167 = arith.constant 10 : i32
            %add3A_168 = arith.addi %mul3A_166, %add3A_167 : i32
            %mul3A_169 = arith.constant 16 : i32
            %mul3A_170 = arith.muli %add3A_168, %mul3A_169 : i32
            %add3A_171 = arith.constant 0 : i32
            %add3A_172 = arith.addi %add3A_171, %mul3A_170 : i32
            %get3A_173 = arith.index_cast %add3A_172 : i32 to index
            %get3A_174 = tpu.vector_load %arg6[%get3A_173] {strides = array<i32>} : memref<16384xi32, #tpu.memory_space<vmem>>, vector<16xi32>,
            %gather3A_175 = tpu.vector_load_idx %arg5[%broadcast_in_dim3A_1, %get3A_174] : memref<1x100000xf32, #tpu.memory_space<vmem>>[vector<16xi32>, vector<16xi32>], vector<16xf32>,
            %swap3A_176 = arith.index_cast %mul3A_170 : i32 to index
            %swap3A_177 = tpu.vector_load %arg7[%swap3A_176] {strides = array<i32>} : memref<8192xf32, #tpu.memory_space<vmem>>, vector<16xf32>,
            tpu.vector_store %arg7[%swap3A_176], %gather3A_175 {strides = array<i32>} : memref<8192xf32, #tpu.memory_space<vmem>>, vector<16xf32>,
            %mul3A_178 = arith.constant 16 : i32
            %mul3A_179 = arith.muli %scan3A_37, %mul3A_178 : i32
            %add3A_180 = arith.constant 11 : i32
            %add3A_181 = arith.addi %mul3A_179, %add3A_180 : i32
            %mul3A_182 = arith.constant 16 : i32
            %mul3A_183 = arith.muli %add3A_181, %mul3A_182 : i32
            %add3A_184 = arith.constant 0 : i32
            %add3A_185 = arith.addi %add3A_184, %mul3A_183 : i32
            %get3A_186 = arith.index_cast %add3A_185 : i32 to index
            %get3A_187 = tpu.vector_load %arg6[%get3A_186] {strides = array<i32>} : memref<16384xi32, #tpu.memory_space<vmem>>, vector<16xi32>,
            %gather3A_188 = tpu.vector_load_idx %arg5[%broadcast_in_dim3A_1, %get3A_187] : memref<1x100000xf32, #tpu.memory_space<vmem>>[vector<16xi32>, vector<16xi32>], vector<16xf32>,
            %swap3A_189 = arith.index_cast %mul3A_183 : i32 to index
            %swap3A_190 = tpu.vector_load %arg7[%swap3A_189] {strides = array<i32>} : memref<8192xf32, #tpu.memory_space<vmem>>, vector<16xf32>,
            tpu.vector_store %arg7[%swap3A_189], %gather3A_188 {strides = array<i32>} : memref<8192xf32, #tpu.memory_space<vmem>>, vector<16xf32>,
            %mul3A_191 = arith.constant 16 : i32
            %mul3A_192 = arith.muli %scan3A_37, %mul3A_191 : i32
            %add3A_193 = arith.constant 12 : i32
            %add3A_194 = arith.addi %mul3A_192, %add3A_193 : i32
            %mul3A_195 = arith.constant 16 : i32
            %mul3A_196 = arith.muli %add3A_194, %mul3A_195 : i32
            %add3A_197 = arith.constant 0 : i32
            %add3A_198 = arith.addi %add3A_197, %mul3A_196 : i32
            %get3A_199 = arith.index_cast %add3A_198 : i32 to index
            %get3A_200 = tpu.vector_load %arg6[%get3A_199] {strides = array<i32>} : memref<16384xi32, #tpu.memory_space<vmem>>, vector<16xi32>,
            %gather3A_201 = tpu.vector_load_idx %arg5[%broadcast_in_dim3A_1, %get3A_200] : memref<1x100000xf32, #tpu.memory_space<vmem>>[vector<16xi32>, vector<16xi32>], vector<16xf32>,
            %swap3A_202 = arith.index_cast %mul3A_196 : i32 to index
            %swap3A_203 = tpu.vector_load %arg7[%swap3A_202] {strides = array<i32>} : memref<8192xf32, #tpu.memory_space<vmem>>, vector<16xf32>,
            tpu.vector_store %arg7[%swap3A_202], %gather3A_201 {strides = array<i32>} : memref<8192xf32, #tpu.memory_space<vmem>>, vector<16xf32>,
            %mul3A_204 = arith.constant 16 : i32
            %mul3A_205 = arith.muli %scan3A_37, %mul3A_204 : i32
            %add3A_206 = arith.constant 13 : i32
            %add3A_207 = arith.addi %mul3A_205, %add3A_206 : i32
            %mul3A_208 = arith.constant 16 : i32
            %mul3A_209 = arith.muli %add3A_207, %mul3A_208 : i32
            %add3A_210 = arith.constant 0 : i32
            %add3A_211 = arith.addi %add3A_210, %mul3A_209 : i32
            %get3A_212 = arith.index_cast %add3A_211 : i32 to index
            %get3A_213 = tpu.vector_load %arg6[%get3A_212] {strides = array<i32>} : memref<16384xi32, #tpu.memory_space<vmem>>, vector<16xi32>,
            %gather3A_214 = tpu.vector_load_idx %arg5[%broadcast_in_dim3A_1, %get3A_213] : memref<1x100000xf32, #tpu.memory_space<vmem>>[vector<16xi32>, vector<16xi32>], vector<16xf32>,
            %swap3A_215 = arith.index_cast %mul3A_209 : i32 to index
            %swap3A_216 = tpu.vector_load %arg7[%swap3A_215] {strides = array<i32>} : memref<8192xf32, #tpu.memory_space<vmem>>, vector<16xf32>,
            tpu.vector_store %arg7[%swap3A_215], %gather3A_214 {strides = array<i32>} : memref<8192xf32, #tpu.memory_space<vmem>>, vector<16xf32>,
            %mul3A_217 = arith.constant 16 : i32
            %mul3A_218 = arith.muli %scan3A_37, %mul3A_217 : i32
            %add3A_219 = arith.constant 14 : i32
            %add3A_220 = arith.addi %mul3A_218, %add3A_219 : i32
            %mul3A_221 = arith.constant 16 : i32
            %mul3A_222 = arith.muli %add3A_220, %mul3A_221 : i32
            %add3A_223 = arith.constant 0 : i32
            %add3A_224 = arith.addi %add3A_223, %mul3A_222 : i32
            %get3A_225 = arith.index_cast %add3A_224 : i32 to index
            %get3A_226 = tpu.vector_load %arg6[%get3A_225] {strides = array<i32>} : memref<16384xi32, #tpu.memory_space<vmem>>, vector<16xi32>,
            %gather3A_227 = tpu.vector_load_idx %arg5[%broadcast_in_dim3A_1, %get3A_226] : memref<1x100000xf32, #tpu.memory_space<vmem>>[vector<16xi32>, vector<16xi32>], vector<16xf32>,
            %swap3A_228 = arith.index_cast %mul3A_222 : i32 to index
            %swap3A_229 = tpu.vector_load %arg7[%swap3A_228] {strides = array<i32>} : memref<8192xf32, #tpu.memory_space<vmem>>, vector<16xf32>,
            tpu.vector_store %arg7[%swap3A_228], %gather3A_227 {strides = array<i32>} : memref<8192xf32, #tpu.memory_space<vmem>>, vector<16xf32>,
            %mul3A_230 = arith.constant 16 : i32
            %mul3A_231 = arith.muli %scan3A_37, %mul3A_230 : i32
            %add3A_232 = arith.constant 15 : i32
            %add3A_233 = arith.addi %mul3A_231, %add3A_232 : i32
            %mul3A_234 = arith.constant 16 : i32
            %mul3A_235 = arith.muli %add3A_233, %mul3A_234 : i32
            %add3A_236 = arith.constant 0 : i32
            %add3A_237 = arith.addi %add3A_236, %mul3A_235 : i32
            %get3A_238 = arith.index_cast %add3A_237 : i32 to index
            %get3A_239 = tpu.vector_load %arg6[%get3A_238] {strides = array<i32>} : memref<16384xi32, #tpu.memory_space<vmem>>, vector<16xi32>,
            %gather3A_240 = tpu.vector_load_idx %arg5[%broadcast_in_dim3A_1, %get3A_239] : memref<1x100000xf32, #tpu.memory_space<vmem>>[vector<16xi32>, vector<16xi32>], vector<16xf32>,
            %swap3A_241 = arith.index_cast %mul3A_235 : i32 to index
            %swap3A_242 = tpu.vector_load %arg7[%swap3A_241] {strides = array<i32>} : memref<8192xf32, #tpu.memory_space<vmem>>, vector<16xf32>,
            tpu.vector_store %arg7[%swap3A_241], %gather3A_240 {strides = array<i32>} : memref<8192xf32, #tpu.memory_space<vmem>>, vector<16xf32>,
          }
          %scan3A_30 = arith.constant 32 : i32
          "tpu.region"() ({
            %run_scoped3A = tpu.sem_alloc : memref<!tpu.dma_semaphore, #tpu.memory_space<semaphore_mem>>
            %dma_start3A = arith.constant 0 : i32
            %dma_start3A_37 = tpu.memref_slice %arg4[%add3A_24, %dma_start3A] : memref<3328x16384xf32, #tpu.memory_space<hbm>> -> memref<1x16384xf32, #tpu.memory_space<hbm>>
            %dma_start3A_38 = tpu.memref_squeeze %dma_start3A_37 : memref<1x16384xf32, #tpu.memory_space<hbm>> -> memref<16384xf32, #tpu.memory_space<hbm>>
            %dma_start3A_39 = arith.constant 0 : i32
            %dma_start3A_40 = tpu.memref_slice %dma_start3A_38[%dma_start3A_39] : memref<16384xf32, #tpu.memory_space<hbm>> -> memref<8192xf32, #tpu.memory_space<hbm>>
            %dma_start3A_41 = arith.constant 0 : i32
            %dma_start3A_42 = tpu.memref_slice %arg4[%add3A_24, %dma_start3A_41] : memref<3328x16384xf32, #tpu.memory_space<hbm>> -> memref<1x16384xf32, #tpu.memory_space<hbm>>
            %dma_start3A_43 = tpu.memref_squeeze %dma_start3A_42 : memref<1x16384xf32, #tpu.memory_space<hbm>> -> memref<16384xf32, #tpu.memory_space<hbm>>
            %dma_start3A_44 = arith.constant 0 : i32
            %dma_start3A_45 = tpu.memref_slice %dma_start3A_43[%dma_start3A_44] : memref<16384xf32, #tpu.memory_space<hbm>> -> memref<8192xf32, #tpu.memory_space<hbm>>
            tpu.enqueue_dma source(%arg7 : memref<8192xf32, #tpu.memory_space<vmem>>) target(%dma_start3A_45 : memref<8192xf32, #tpu.memory_space<hbm>>) target_semaphore(%run_scoped3A : memref<!tpu.dma_semaphore, #tpu.memory_space<semaphore_mem>>)
            %dma_wait3A = arith.constant 0 : i32
            %dma_wait3A_46 = tpu.memref_slice %arg4[%add3A_24, %dma_wait3A] : memref<3328x16384xf32, #tpu.memory_space<hbm>> -> memref<1x16384xf32, #tpu.memory_space<hbm>>
            %dma_wait3A_47 = tpu.memref_squeeze %dma_wait3A_46 : memref<1x16384xf32, #tpu.memory_space<hbm>> -> memref<16384xf32, #tpu.memory_space<hbm>>
            %dma_wait3A_48 = arith.constant 0 : i32
            %dma_wait3A_49 = tpu.memref_slice %dma_wait3A_47[%dma_wait3A_48] : memref<16384xf32, #tpu.memory_space<hbm>> -> memref<8192xf32, #tpu.memory_space<hbm>>
            %dma_wait3A_50 = arith.constant 0 : i32
            %dma_wait3A_51 = tpu.memref_slice %arg4[%add3A_24, %dma_wait3A_50] : memref<3328x16384xf32, #tpu.memory_space<hbm>> -> memref<1x16384xf32, #tpu.memory_space<hbm>>
            %dma_wait3A_52 = tpu.memref_squeeze %dma_wait3A_51 : memref<1x16384xf32, #tpu.memory_space<hbm>> -> memref<16384xf32, #tpu.memory_space<hbm>>
            %dma_wait3A_53 = arith.constant 0 : i32
            %dma_wait3A_54 = tpu.memref_slice %dma_wait3A_52[%dma_wait3A_53] : memref<16384xf32, #tpu.memory_space<hbm>> -> memref<8192xf32, #tpu.memory_space<hbm>>
            tpu.wait_dma2 semaphore(%run_scoped3A : memref<!tpu.dma_semaphore, #tpu.memory_space<semaphore_mem>>) src(%arg7 : memref<8192xf32, #tpu.memory_space<vmem>>) dst(%dma_wait3A_54 : memref<8192xf32, #tpu.memory_space<hbm>>)
            tpu.yield
          }) : () -> ()
          %scan3A_31 = arith.constant 0 : i32
          %scan3A_32 = arith.constant 0 : i32
          %scan3A_33 = arith.constant 32 : i32
          %scan3A_34 = arith.addi %scan3A_32, %scan3A_33 : i32
          %scan3A_35 = arith.constant 1 : i32
          scf.for %scan3A_37 = %scan3A_32 to %scan3A_34 step %scan3A_35  : i32 {
            %mul3A_38 = arith.constant 16 : i32
            %mul3A_39 = arith.muli %scan3A_37, %mul3A_38 : i32
            %add3A_40 = arith.constant 0 : i32
            %add3A_41 = arith.addi %mul3A_39, %add3A_40 : i32
            %mul3A_42 = arith.constant 16 : i32
            %mul3A_43 = arith.muli %add3A_41, %mul3A_42 : i32
            %add3A_44 = arith.constant 8192 : i32
            %add3A_45 = arith.addi %add3A_44, %mul3A_43 : i32
            %get3A = arith.index_cast %add3A_45 : i32 to index
            %get3A_46 = tpu.vector_load %arg6[%get3A] {strides = array<i32>} : memref<16384xi32, #tpu.memory_space<vmem>>, vector<16xi32>,
            %gather3A = tpu.vector_load_idx %arg5[%broadcast_in_dim3A_1, %get3A_46] : memref<1x100000xf32, #tpu.memory_space<vmem>>[vector<16xi32>, vector<16xi32>], vector<16xf32>,
            %swap3A = arith.index_cast %mul3A_43 : i32 to index
            %swap3A_47 = tpu.vector_load %arg7[%swap3A] {strides = array<i32>} : memref<8192xf32, #tpu.memory_space<vmem>>, vector<16xf32>,
            tpu.vector_store %arg7[%swap3A], %gather3A {strides = array<i32>} : memref<8192xf32, #tpu.memory_space<vmem>>, vector<16xf32>,
            %mul3A_48 = arith.constant 16 : i32
            %mul3A_49 = arith.muli %scan3A_37, %mul3A_48 : i32
            %add3A_50 = arith.constant 1 : i32
            %add3A_51 = arith.addi %mul3A_49, %add3A_50 : i32
            %mul3A_52 = arith.constant 16 : i32
            %mul3A_53 = arith.muli %add3A_51, %mul3A_52 : i32
            %add3A_54 = arith.constant 8192 : i32
            %add3A_55 = arith.addi %add3A_54, %mul3A_53 : i32
            %get3A_56 = arith.index_cast %add3A_55 : i32 to index
            %get3A_57 = tpu.vector_load %arg6[%get3A_56] {strides = array<i32>} : memref<16384xi32, #tpu.memory_space<vmem>>, vector<16xi32>,
            %gather3A_58 = tpu.vector_load_idx %arg5[%broadcast_in_dim3A_1, %get3A_57] : memref<1x100000xf32, #tpu.memory_space<vmem>>[vector<16xi32>, vector<16xi32>], vector<16xf32>,
            %swap3A_59 = arith.index_cast %mul3A_53 : i32 to index
            %swap3A_60 = tpu.vector_load %arg7[%swap3A_59] {strides = array<i32>} : memref<8192xf32, #tpu.memory_space<vmem>>, vector<16xf32>,
            tpu.vector_store %arg7[%swap3A_59], %gather3A_58 {strides = array<i32>} : memref<8192xf32, #tpu.memory_space<vmem>>, vector<16xf32>,
            %mul3A_61 = arith.constant 16 : i32
            %mul3A_62 = arith.muli %scan3A_37, %mul3A_61 : i32
            %add3A_63 = arith.constant 2 : i32
            %add3A_64 = arith.addi %mul3A_62, %add3A_63 : i32
            %mul3A_65 = arith.constant 16 : i32
            %mul3A_66 = arith.muli %add3A_64, %mul3A_65 : i32
            %add3A_67 = arith.constant 8192 : i32
            %add3A_68 = arith.addi %add3A_67, %mul3A_66 : i32
            %get3A_69 = arith.index_cast %add3A_68 : i32 to index
            %get3A_70 = tpu.vector_load %arg6[%get3A_69] {strides = array<i32>} : memref<16384xi32, #tpu.memory_space<vmem>>, vector<16xi32>,
            %gather3A_71 = tpu.vector_load_idx %arg5[%broadcast_in_dim3A_1, %get3A_70] : memref<1x100000xf32, #tpu.memory_space<vmem>>[vector<16xi32>, vector<16xi32>], vector<16xf32>,
            %swap3A_72 = arith.index_cast %mul3A_66 : i32 to index
            %swap3A_73 = tpu.vector_load %arg7[%swap3A_72] {strides = array<i32>} : memref<8192xf32, #tpu.memory_space<vmem>>, vector<16xf32>,
            tpu.vector_store %arg7[%swap3A_72], %gather3A_71 {strides = array<i32>} : memref<8192xf32, #tpu.memory_space<vmem>>, vector<16xf32>,
            %mul3A_74 = arith.constant 16 : i32
            %mul3A_75 = arith.muli %scan3A_37, %mul3A_74 : i32
            %add3A_76 = arith.constant 3 : i32
            %add3A_77 = arith.addi %mul3A_75, %add3A_76 : i32
            %mul3A_78 = arith.constant 16 : i32
            %mul3A_79 = arith.muli %add3A_77, %mul3A_78 : i32
            %add3A_80 = arith.constant 8192 : i32
            %add3A_81 = arith.addi %add3A_80, %mul3A_79 : i32
            %get3A_82 = arith.index_cast %add3A_81 : i32 to index
            %get3A_83 = tpu.vector_load %arg6[%get3A_82] {strides = array<i32>} : memref<16384xi32, #tpu.memory_space<vmem>>, vector<16xi32>,
            %gather3A_84 = tpu.vector_load_idx %arg5[%broadcast_in_dim3A_1, %get3A_83] : memref<1x100000xf32, #tpu.memory_space<vmem>>[vector<16xi32>, vector<16xi32>], vector<16xf32>,
            %swap3A_85 = arith.index_cast %mul3A_79 : i32 to index
            %swap3A_86 = tpu.vector_load %arg7[%swap3A_85] {strides = array<i32>} : memref<8192xf32, #tpu.memory_space<vmem>>, vector<16xf32>,
            tpu.vector_store %arg7[%swap3A_85], %gather3A_84 {strides = array<i32>} : memref<8192xf32, #tpu.memory_space<vmem>>, vector<16xf32>,
            %mul3A_87 = arith.constant 16 : i32
            %mul3A_88 = arith.muli %scan3A_37, %mul3A_87 : i32
            %add3A_89 = arith.constant 4 : i32
            %add3A_90 = arith.addi %mul3A_88, %add3A_89 : i32
            %mul3A_91 = arith.constant 16 : i32
            %mul3A_92 = arith.muli %add3A_90, %mul3A_91 : i32
            %add3A_93 = arith.constant 8192 : i32
            %add3A_94 = arith.addi %add3A_93, %mul3A_92 : i32
            %get3A_95 = arith.index_cast %add3A_94 : i32 to index
            %get3A_96 = tpu.vector_load %arg6[%get3A_95] {strides = array<i32>} : memref<16384xi32, #tpu.memory_space<vmem>>, vector<16xi32>,
            %gather3A_97 = tpu.vector_load_idx %arg5[%broadcast_in_dim3A_1, %get3A_96] : memref<1x100000xf32, #tpu.memory_space<vmem>>[vector<16xi32>, vector<16xi32>], vector<16xf32>,
            %swap3A_98 = arith.index_cast %mul3A_92 : i32 to index
            %swap3A_99 = tpu.vector_load %arg7[%swap3A_98] {strides = array<i32>} : memref<8192xf32, #tpu.memory_space<vmem>>, vector<16xf32>,
            tpu.vector_store %arg7[%swap3A_98], %gather3A_97 {strides = array<i32>} : memref<8192xf32, #tpu.memory_space<vmem>>, vector<16xf32>,
            %mul3A_100 = arith.constant 16 : i32
            %mul3A_101 = arith.muli %scan3A_37, %mul3A_100 : i32
            %add3A_102 = arith.constant 5 : i32
            %add3A_103 = arith.addi %mul3A_101, %add3A_102 : i32
            %mul3A_104 = arith.constant 16 : i32
            %mul3A_105 = arith.muli %add3A_103, %mul3A_104 : i32
            %add3A_106 = arith.constant 8192 : i32
            %add3A_107 = arith.addi %add3A_106, %mul3A_105 : i32
            %get3A_108 = arith.index_cast %add3A_107 : i32 to index
            %get3A_109 = tpu.vector_load %arg6[%get3A_108] {strides = array<i32>} : memref<16384xi32, #tpu.memory_space<vmem>>, vector<16xi32>,
            %gather3A_110 = tpu.vector_load_idx %arg5[%broadcast_in_dim3A_1, %get3A_109] : memref<1x100000xf32, #tpu.memory_space<vmem>>[vector<16xi32>, vector<16xi32>], vector<16xf32>,
            %swap3A_111 = arith.index_cast %mul3A_105 : i32 to index
            %swap3A_112 = tpu.vector_load %arg7[%swap3A_111] {strides = array<i32>} : memref<8192xf32, #tpu.memory_space<vmem>>, vector<16xf32>,
            tpu.vector_store %arg7[%swap3A_111], %gather3A_110 {strides = array<i32>} : memref<8192xf32, #tpu.memory_space<vmem>>, vector<16xf32>,
            %mul3A_113 = arith.constant 16 : i32
            %mul3A_114 = arith.muli %scan3A_37, %mul3A_113 : i32
            %add3A_115 = arith.constant 6 : i32
            %add3A_116 = arith.addi %mul3A_114, %add3A_115 : i32
            %mul3A_117 = arith.constant 16 : i32
            %mul3A_118 = arith.muli %add3A_116, %mul3A_117 : i32
            %add3A_119 = arith.constant 8192 : i32
            %add3A_120 = arith.addi %add3A_119, %mul3A_118 : i32
            %get3A_121 = arith.index_cast %add3A_120 : i32 to index
            %get3A_122 = tpu.vector_load %arg6[%get3A_121] {strides = array<i32>} : memref<16384xi32, #tpu.memory_space<vmem>>, vector<16xi32>,
            %gather3A_123 = tpu.vector_load_idx %arg5[%broadcast_in_dim3A_1, %get3A_122] : memref<1x100000xf32, #tpu.memory_space<vmem>>[vector<16xi32>, vector<16xi32>], vector<16xf32>,
            %swap3A_124 = arith.index_cast %mul3A_118 : i32 to index
            %swap3A_125 = tpu.vector_load %arg7[%swap3A_124] {strides = array<i32>} : memref<8192xf32, #tpu.memory_space<vmem>>, vector<16xf32>,
            tpu.vector_store %arg7[%swap3A_124], %gather3A_123 {strides = array<i32>} : memref<8192xf32, #tpu.memory_space<vmem>>, vector<16xf32>,
            %mul3A_126 = arith.constant 16 : i32
            %mul3A_127 = arith.muli %scan3A_37, %mul3A_126 : i32
            %add3A_128 = arith.constant 7 : i32
            %add3A_129 = arith.addi %mul3A_127, %add3A_128 : i32
            %mul3A_130 = arith.constant 16 : i32
            %mul3A_131 = arith.muli %add3A_129, %mul3A_130 : i32
            %add3A_132 = arith.constant 8192 : i32
            %add3A_133 = arith.addi %add3A_132, %mul3A_131 : i32
            %get3A_134 = arith.index_cast %add3A_133 : i32 to index
            %get3A_135 = tpu.vector_load %arg6[%get3A_134] {strides = array<i32>} : memref<16384xi32, #tpu.memory_space<vmem>>, vector<16xi32>,
            %gather3A_136 = tpu.vector_load_idx %arg5[%broadcast_in_dim3A_1, %get3A_135] : memref<1x100000xf32, #tpu.memory_space<vmem>>[vector<16xi32>, vector<16xi32>], vector<16xf32>,
            %swap3A_137 = arith.index_cast %mul3A_131 : i32 to index
            %swap3A_138 = tpu.vector_load %arg7[%swap3A_137] {strides = array<i32>} : memref<8192xf32, #tpu.memory_space<vmem>>, vector<16xf32>,
            tpu.vector_store %arg7[%swap3A_137], %gather3A_136 {strides = array<i32>} : memref<8192xf32, #tpu.memory_space<vmem>>, vector<16xf32>,
            %mul3A_139 = arith.constant 16 : i32
            %mul3A_140 = arith.muli %scan3A_37, %mul3A_139 : i32
            %add3A_141 = arith.constant 8 : i32
            %add3A_142 = arith.addi %mul3A_140, %add3A_141 : i32
            %mul3A_143 = arith.constant 16 : i32
            %mul3A_144 = arith.muli %add3A_142, %mul3A_143 : i32
            %add3A_145 = arith.constant 8192 : i32
            %add3A_146 = arith.addi %add3A_145, %mul3A_144 : i32
            %get3A_147 = arith.index_cast %add3A_146 : i32 to index
            %get3A_148 = tpu.vector_load %arg6[%get3A_147] {strides = array<i32>} : memref<16384xi32, #tpu.memory_space<vmem>>, vector<16xi32>,
            %gather3A_149 = tpu.vector_load_idx %arg5[%broadcast_in_dim3A_1, %get3A_148] : memref<1x100000xf32, #tpu.memory_space<vmem>>[vector<16xi32>, vector<16xi32>], vector<16xf32>,
            %swap3A_150 = arith.index_cast %mul3A_144 : i32 to index
            %swap3A_151 = tpu.vector_load %arg7[%swap3A_150] {strides = array<i32>} : memref<8192xf32, #tpu.memory_space<vmem>>, vector<16xf32>,
            tpu.vector_store %arg7[%swap3A_150], %gather3A_149 {strides = array<i32>} : memref<8192xf32, #tpu.memory_space<vmem>>, vector<16xf32>,
            %mul3A_152 = arith.constant 16 : i32
            %mul3A_153 = arith.muli %scan3A_37, %mul3A_152 : i32
            %add3A_154 = arith.constant 9 : i32
            %add3A_155 = arith.addi %mul3A_153, %add3A_154 : i32
            %mul3A_156 = arith.constant 16 : i32
            %mul3A_157 = arith.muli %add3A_155, %mul3A_156 : i32
            %add3A_158 = arith.constant 8192 : i32
            %add3A_159 = arith.addi %add3A_158, %mul3A_157 : i32
            %get3A_160 = arith.index_cast %add3A_159 : i32 to index
            %get3A_161 = tpu.vector_load %arg6[%get3A_160] {strides = array<i32>} : memref<16384xi32, #tpu.memory_space<vmem>>, vector<16xi32>,
            %gather3A_162 = tpu.vector_load_idx %arg5[%broadcast_in_dim3A_1, %get3A_161] : memref<1x100000xf32, #tpu.memory_space<vmem>>[vector<16xi32>, vector<16xi32>], vector<16xf32>,
            %swap3A_163 = arith.index_cast %mul3A_157 : i32 to index
            %swap3A_164 = tpu.vector_load %arg7[%swap3A_163] {strides = array<i32>} : memref<8192xf32, #tpu.memory_space<vmem>>, vector<16xf32>,
            tpu.vector_store %arg7[%swap3A_163], %gather3A_162 {strides = array<i32>} : memref<8192xf32, #tpu.memory_space<vmem>>, vector<16xf32>,
            %mul3A_165 = arith.constant 16 : i32
            %mul3A_166 = arith.muli %scan3A_37, %mul3A_165 : i32
            %add3A_167 = arith.constant 10 : i32
            %add3A_168 = arith.addi %mul3A_166, %add3A_167 : i32
            %mul3A_169 = arith.constant 16 : i32
            %mul3A_170 = arith.muli %add3A_168, %mul3A_169 : i32
            %add3A_171 = arith.constant 8192 : i32
            %add3A_172 = arith.addi %add3A_171, %mul3A_170 : i32
            %get3A_173 = arith.index_cast %add3A_172 : i32 to index
            %get3A_174 = tpu.vector_load %arg6[%get3A_173] {strides = array<i32>} : memref<16384xi32, #tpu.memory_space<vmem>>, vector<16xi32>,
            %gather3A_175 = tpu.vector_load_idx %arg5[%broadcast_in_dim3A_1, %get3A_174] : memref<1x100000xf32, #tpu.memory_space<vmem>>[vector<16xi32>, vector<16xi32>], vector<16xf32>,
            %swap3A_176 = arith.index_cast %mul3A_170 : i32 to index
            %swap3A_177 = tpu.vector_load %arg7[%swap3A_176] {strides = array<i32>} : memref<8192xf32, #tpu.memory_space<vmem>>, vector<16xf32>,
            tpu.vector_store %arg7[%swap3A_176], %gather3A_175 {strides = array<i32>} : memref<8192xf32, #tpu.memory_space<vmem>>, vector<16xf32>,
            %mul3A_178 = arith.constant 16 : i32
            %mul3A_179 = arith.muli %scan3A_37, %mul3A_178 : i32
            %add3A_180 = arith.constant 11 : i32
            %add3A_181 = arith.addi %mul3A_179, %add3A_180 : i32
            %mul3A_182 = arith.constant 16 : i32
            %mul3A_183 = arith.muli %add3A_181, %mul3A_182 : i32
            %add3A_184 = arith.constant 8192 : i32
            %add3A_185 = arith.addi %add3A_184, %mul3A_183 : i32
            %get3A_186 = arith.index_cast %add3A_185 : i32 to index
            %get3A_187 = tpu.vector_load %arg6[%get3A_186] {strides = array<i32>} : memref<16384xi32, #tpu.memory_space<vmem>>, vector<16xi32>,
            %gather3A_188 = tpu.vector_load_idx %arg5[%broadcast_in_dim3A_1, %get3A_187] : memref<1x100000xf32, #tpu.memory_space<vmem>>[vector<16xi32>, vector<16xi32>], vector<16xf32>,
            %swap3A_189 = arith.index_cast %mul3A_183 : i32 to index
            %swap3A_190 = tpu.vector_load %arg7[%swap3A_189] {strides = array<i32>} : memref<8192xf32, #tpu.memory_space<vmem>>, vector<16xf32>,
            tpu.vector_store %arg7[%swap3A_189], %gather3A_188 {strides = array<i32>} : memref<8192xf32, #tpu.memory_space<vmem>>, vector<16xf32>,
            %mul3A_191 = arith.constant 16 : i32
            %mul3A_192 = arith.muli %scan3A_37, %mul3A_191 : i32
            %add3A_193 = arith.constant 12 : i32
            %add3A_194 = arith.addi %mul3A_192, %add3A_193 : i32
            %mul3A_195 = arith.constant 16 : i32
            %mul3A_196 = arith.muli %add3A_194, %mul3A_195 : i32
            %add3A_197 = arith.constant 8192 : i32
            %add3A_198 = arith.addi %add3A_197, %mul3A_196 : i32
            %get3A_199 = arith.index_cast %add3A_198 : i32 to index
            %get3A_200 = tpu.vector_load %arg6[%get3A_199] {strides = array<i32>} : memref<16384xi32, #tpu.memory_space<vmem>>, vector<16xi32>,
            %gather3A_201 = tpu.vector_load_idx %arg5[%broadcast_in_dim3A_1, %get3A_200] : memref<1x100000xf32, #tpu.memory_space<vmem>>[vector<16xi32>, vector<16xi32>], vector<16xf32>,
            %swap3A_202 = arith.index_cast %mul3A_196 : i32 to index
            %swap3A_203 = tpu.vector_load %arg7[%swap3A_202] {strides = array<i32>} : memref<8192xf32, #tpu.memory_space<vmem>>, vector<16xf32>,
            tpu.vector_store %arg7[%swap3A_202], %gather3A_201 {strides = array<i32>} : memref<8192xf32, #tpu.memory_space<vmem>>, vector<16xf32>,
            %mul3A_204 = arith.constant 16 : i32
            %mul3A_205 = arith.muli %scan3A_37, %mul3A_204 : i32
            %add3A_206 = arith.constant 13 : i32
            %add3A_207 = arith.addi %mul3A_205, %add3A_206 : i32
            %mul3A_208 = arith.constant 16 : i32
            %mul3A_209 = arith.muli %add3A_207, %mul3A_208 : i32
            %add3A_210 = arith.constant 8192 : i32
            %add3A_211 = arith.addi %add3A_210, %mul3A_209 : i32
            %get3A_212 = arith.index_cast %add3A_211 : i32 to index
            %get3A_213 = tpu.vector_load %arg6[%get3A_212] {strides = array<i32>} : memref<16384xi32, #tpu.memory_space<vmem>>, vector<16xi32>,
            %gather3A_214 = tpu.vector_load_idx %arg5[%broadcast_in_dim3A_1, %get3A_213] : memref<1x100000xf32, #tpu.memory_space<vmem>>[vector<16xi32>, vector<16xi32>], vector<16xf32>,
            %swap3A_215 = arith.index_cast %mul3A_209 : i32 to index
            %swap3A_216 = tpu.vector_load %arg7[%swap3A_215] {strides = array<i32>} : memref<8192xf32, #tpu.memory_space<vmem>>, vector<16xf32>,
            tpu.vector_store %arg7[%swap3A_215], %gather3A_214 {strides = array<i32>} : memref<8192xf32, #tpu.memory_space<vmem>>, vector<16xf32>,
            %mul3A_217 = arith.constant 16 : i32
            %mul3A_218 = arith.muli %scan3A_37, %mul3A_217 : i32
            %add3A_219 = arith.constant 14 : i32
            %add3A_220 = arith.addi %mul3A_218, %add3A_219 : i32
            %mul3A_221 = arith.constant 16 : i32
            %mul3A_222 = arith.muli %add3A_220, %mul3A_221 : i32
            %add3A_223 = arith.constant 8192 : i32
            %add3A_224 = arith.addi %add3A_223, %mul3A_222 : i32
            %get3A_225 = arith.index_cast %add3A_224 : i32 to index
            %get3A_226 = tpu.vector_load %arg6[%get3A_225] {strides = array<i32>} : memref<16384xi32, #tpu.memory_space<vmem>>, vector<16xi32>,
            %gather3A_227 = tpu.vector_load_idx %arg5[%broadcast_in_dim3A_1, %get3A_226] : memref<1x100000xf32, #tpu.memory_space<vmem>>[vector<16xi32>, vector<16xi32>], vector<16xf32>,
            %swap3A_228 = arith.index_cast %mul3A_222 : i32 to index
            %swap3A_229 = tpu.vector_load %arg7[%swap3A_228] {strides = array<i32>} : memref<8192xf32, #tpu.memory_space<vmem>>, vector<16xf32>,
            tpu.vector_store %arg7[%swap3A_228], %gather3A_227 {strides = array<i32>} : memref<8192xf32, #tpu.memory_space<vmem>>, vector<16xf32>,
            %mul3A_230 = arith.constant 16 : i32
            %mul3A_231 = arith.muli %scan3A_37, %mul3A_230 : i32
            %add3A_232 = arith.constant 15 : i32
            %add3A_233 = arith.addi %mul3A_231, %add3A_232 : i32
            %mul3A_234 = arith.constant 16 : i32
            %mul3A_235 = arith.muli %add3A_233, %mul3A_234 : i32
            %add3A_236 = arith.constant 8192 : i32
            %add3A_237 = arith.addi %add3A_236, %mul3A_235 : i32
            %get3A_238 = arith.index_cast %add3A_237 : i32 to index
            %get3A_239 = tpu.vector_load %arg6[%get3A_238] {strides = array<i32>} : memref<16384xi32, #tpu.memory_space<vmem>>, vector<16xi32>,
            %gather3A_240 = tpu.vector_load_idx %arg5[%broadcast_in_dim3A_1, %get3A_239] : memref<1x100000xf32, #tpu.memory_space<vmem>>[vector<16xi32>, vector<16xi32>], vector<16xf32>,
            %swap3A_241 = arith.index_cast %mul3A_235 : i32 to index
            %swap3A_242 = tpu.vector_load %arg7[%swap3A_241] {strides = array<i32>} : memref<8192xf32, #tpu.memory_space<vmem>>, vector<16xf32>,
            tpu.vector_store %arg7[%swap3A_241], %gather3A_240 {strides = array<i32>} : memref<8192xf32, #tpu.memory_space<vmem>>, vector<16xf32>,
          }
          %scan3A_36 = arith.constant 32 : i32
          "tpu.region"() ({
            %run_scoped3A = tpu.sem_alloc : memref<!tpu.dma_semaphore, #tpu.memory_space<semaphore_mem>>
            %dma_start3A = arith.constant 0 : i32
            %dma_start3A_37 = tpu.memref_slice %arg4[%add3A_24, %dma_start3A] : memref<3328x16384xf32, #tpu.memory_space<hbm>> -> memref<1x16384xf32, #tpu.memory_space<hbm>>
            %dma_start3A_38 = tpu.memref_squeeze %dma_start3A_37 : memref<1x16384xf32, #tpu.memory_space<hbm>> -> memref<16384xf32, #tpu.memory_space<hbm>>
            %dma_start3A_39 = arith.constant 8192 : i32
            %dma_start3A_40 = tpu.memref_slice %dma_start3A_38[%dma_start3A_39] : memref<16384xf32, #tpu.memory_space<hbm>> -> memref<8192xf32, #tpu.memory_space<hbm>>
            %dma_start3A_41 = arith.constant 0 : i32
            %dma_start3A_42 = tpu.memref_slice %arg4[%add3A_24, %dma_start3A_41] : memref<3328x16384xf32, #tpu.memory_space<hbm>> -> memref<1x16384xf32, #tpu.memory_space<hbm>>
            %dma_start3A_43 = tpu.memref_squeeze %dma_start3A_42 : memref<1x16384xf32, #tpu.memory_space<hbm>> -> memref<16384xf32, #tpu.memory_space<hbm>>
            %dma_start3A_44 = arith.constant 8192 : i32
            %dma_start3A_45 = tpu.memref_slice %dma_start3A_43[%dma_start3A_44] : memref<16384xf32, #tpu.memory_space<hbm>> -> memref<8192xf32, #tpu.memory_space<hbm>>
            tpu.enqueue_dma source(%arg7 : memref<8192xf32, #tpu.memory_space<vmem>>) target(%dma_start3A_45 : memref<8192xf32, #tpu.memory_space<hbm>>) target_semaphore(%run_scoped3A : memref<!tpu.dma_semaphore, #tpu.memory_space<semaphore_mem>>)
            %dma_wait3A = arith.constant 0 : i32
            %dma_wait3A_46 = tpu.memref_slice %arg4[%add3A_24, %dma_wait3A] : memref<3328x16384xf32, #tpu.memory_space<hbm>> -> memref<1x16384xf32, #tpu.memory_space<hbm>>
            %dma_wait3A_47 = tpu.memref_squeeze %dma_wait3A_46 : memref<1x16384xf32, #tpu.memory_space<hbm>> -> memref<16384xf32, #tpu.memory_space<hbm>>
            %dma_wait3A_48 = arith.constant 8192 : i32
            %dma_wait3A_49 = tpu.memref_slice %dma_wait3A_47[%dma_wait3A_48] : memref<16384xf32, #tpu.memory_space<hbm>> -> memref<8192xf32, #tpu.memory_space<hbm>>
            %dma_wait3A_50 = arith.constant 0 : i32
            %dma_wait3A_51 = tpu.memref_slice %arg4[%add3A_24, %dma_wait3A_50] : memref<3328x16384xf32, #tpu.memory_space<hbm>> -> memref<1x16384xf32, #tpu.memory_space<hbm>>
            %dma_wait3A_52 = tpu.memref_squeeze %dma_wait3A_51 : memref<1x16384xf32, #tpu.memory_space<hbm>> -> memref<16384xf32, #tpu.memory_space<hbm>>
            %dma_wait3A_53 = arith.constant 8192 : i32
            %dma_wait3A_54 = tpu.memref_slice %dma_wait3A_52[%dma_wait3A_53] : memref<16384xf32, #tpu.memory_space<hbm>> -> memref<8192xf32, #tpu.memory_space<hbm>>
            tpu.wait_dma2 semaphore(%run_scoped3A : memref<!tpu.dma_semaphore, #tpu.memory_space<semaphore_mem>>) src(%arg7 : memref<8192xf32, #tpu.memory_space<vmem>>) dst(%dma_wait3A_54 : memref<8192xf32, #tpu.memory_space<hbm>>)
            tpu.yield
          }) : () -> ()
        } else {
        }
      }
      %scan3A_15 = arith.constant 4 : i32
    }
    %scan3A_6 = arith.constant 26 : i32
    return
  }
}

module attributes {stable_mosaic.version = 14 : i64} {
  func.func @_mlp_body(%arg0: i32, %arg1: memref<3328x1024xf32, #tpu.memory_space<vmem>>, %arg2: memref<26x100x16xf32, #tpu.memory_space<vmem>>, %arg3: memref<26x16xf32, #tpu.memory_space<vmem>>, %arg4: memref<26x16x416xbf16, #tpu.memory_space<vmem>>, %arg5: memref<1x416xf32, #tpu.memory_space<vmem>>, %arg6: memref<1x416xf32, #tpu.memory_space<vmem>>, %arg7: memref<416x416xbf16, #tpu.memory_space<vmem>>, %arg8: memref<1x416xf32, #tpu.memory_space<vmem>>, %arg9: memref<416x16xf32, #tpu.memory_space<vmem>>, %arg10: memref<1x16xf32, #tpu.memory_space<vmem>>, %arg11: memref<16x2xf32, #tpu.memory_space<vmem>>, %arg12: memref<1x2xf32, #tpu.memory_space<vmem>>, %arg13: memref<1024x2xf32, #tpu.memory_space<vmem>>, %arg14: memref<1024x16xf32, #tpu.memory_space<vmem>>) attributes {dimension_semantics = [#tpu.dimension_semantics<arbitrary>], iteration_bounds = array<i64: 16>, scalar_prefetch = 0 : i64, scratch_operands = 0 : i64, tpu.core_type = #tpu.core_type<tc>, window_params = [{transform_indices = @transform_0, window_bounds = array<i64: 3328, 1024>}, {pipeline_mode = #tpu.pipeline_mode<synchronous>, transform_indices = @transform_1, window_bounds = array<i64: 26, 100, 16>}, {pipeline_mode = #tpu.pipeline_mode<synchronous>, transform_indices = @transform_2, window_bounds = array<i64: 26, 16>}, {pipeline_mode = #tpu.pipeline_mode<synchronous>, transform_indices = @transform_3, window_bounds = array<i64: 26, 16, 416>}, {pipeline_mode = #tpu.pipeline_mode<synchronous>, transform_indices = @transform_4, window_bounds = array<i64: 1, 416>}, {pipeline_mode = #tpu.pipeline_mode<synchronous>, transform_indices = @transform_5, window_bounds = array<i64: 1, 416>}, {pipeline_mode = #tpu.pipeline_mode<synchronous>, transform_indices = @transform_6, window_bounds = array<i64: 416, 416>}, {pipeline_mode = #tpu.pipeline_mode<synchronous>, transform_indices = @transform_7, window_bounds = array<i64: 1, 416>}, {pipeline_mode = #tpu.pipeline_mode<synchronous>, transform_indices = @transform_8, window_bounds = array<i64: 416, 16>}, {pipeline_mode = #tpu.pipeline_mode<synchronous>, transform_indices = @transform_9, window_bounds = array<i64: 1, 16>}, {pipeline_mode = #tpu.pipeline_mode<synchronous>, transform_indices = @transform_10, window_bounds = array<i64: 16, 2>}, {pipeline_mode = #tpu.pipeline_mode<synchronous>, transform_indices = @transform_11, window_bounds = array<i64: 1, 2>}, {transform_indices = @transform_12, window_bounds = array<i64: 1024, 2>}, {transform_indices = @transform_13, window_bounds = array<i64: 1024, 16>}]} {
    %get3A = arith.constant 0 : index
    %get3A_0 = arith.constant 0 : index
    %get3A_1 = vector.load %arg3[%get3A, %get3A_0] : memref<26x16xf32, #tpu.memory_space<vmem>>, vector<26x16xf32>
    %broadcast_in_dim3A = arith.constant 0.000000e+00 : f32
    %broadcast_in_dim3A_2 = vector.broadcast %broadcast_in_dim3A : f32 to vector<1024x416xf32>
    %get3A_3 = arith.constant 0 : index
    %get3A_4 = arith.constant 0 : index
    %get3A_5 = vector.load %arg1[%get3A_3, %get3A_4] : memref<3328x1024xf32, #tpu.memory_space<vmem>>, vector<100x1024xf32>
    %reduce_sum3A = arith.constant dense<0.000000e+00> : vector<1024xf32>
    %reduce_sum3A_6 = vector.multi_reduction <add>, %get3A_5, %reduce_sum3A [0] : vector<100x1024xf32> to vector<1024xf32>
    %broadcast_in_dim3A_7 = vector.shape_cast %reduce_sum3A_6 : vector<1024xf32> to vector<1x1024xf32>
    %mul3A = arith.mulf %get3A_5, %get3A_5 : vector<100x1024xf32>
    %reduce_sum3A_8 = arith.constant dense<0.000000e+00> : vector<1024xf32>
    %reduce_sum3A_9 = vector.multi_reduction <add>, %mul3A, %reduce_sum3A_8 [0] : vector<100x1024xf32> to vector<1024xf32>
    %broadcast_in_dim3A_10 = vector.shape_cast %reduce_sum3A_9 : vector<1024xf32> to vector<1x1024xf32>
    %mul3A_11 = arith.constant 0.00999999977 : f32
    %mul3A_12 = vector.broadcast %mul3A_11 : f32 to vector<1x1024xf32>
    %mul3A_13 = arith.mulf %broadcast_in_dim3A_7, %mul3A_12 : vector<1x1024xf32>
    %mul3A_14 = arith.constant 0.00999999977 : f32
    %mul3A_15 = vector.broadcast %mul3A_14 : f32 to vector<1x1024xf32>
    %mul3A_16 = arith.mulf %broadcast_in_dim3A_10, %mul3A_15 : vector<1x1024xf32>
    %mul3A_17 = arith.mulf %mul3A_13, %mul3A_13 : vector<1x1024xf32>
    %sub3A = arith.subf %mul3A_16, %mul3A_17 : vector<1x1024xf32>
    %sub3A_18 = vector.broadcast %mul3A_13 : vector<1x1024xf32> to vector<100x1024xf32>
    %sub3A_19 = arith.subf %get3A_5, %sub3A_18 : vector<100x1024xf32>
    %add3A = arith.constant 9.99999974E-6 : f32
    %add3A_20 = vector.broadcast %add3A : f32 to vector<1x1024xf32>
    %add3A_21 = arith.addf %sub3A, %add3A_20 : vector<1x1024xf32>
    %rsqrt3A = math.rsqrt %add3A_21 : vector<1x1024xf32>
    %mul3A_22 = vector.broadcast %rsqrt3A : vector<1x1024xf32> to vector<100x1024xf32>
    %mul3A_23 = arith.mulf %sub3A_19, %mul3A_22 : vector<100x1024xf32>
    %get3A_24 = arith.constant 0 : index
    %get3A_25 = arith.constant 0 : index
    %get3A_26 = arith.constant 0 : index
    %get3A_27 = vector.load %arg2[%get3A_24, %get3A_25, %get3A_26] : memref<26x100x16xf32, #tpu.memory_space<vmem>>, vector<1x100x16xf32>
    %get3A_28 = vector.shape_cast %get3A_27 : vector<1x100x16xf32> to vector<100x16xf32>
    %dot_general3A = arith.constant dense<0.000000e+00> : vector<1024x16xf32>
    %dot_general3A_29 = tpu.matmul %mul3A_23, %get3A_28, %dot_general3A {dimension_numbers = #tpu.dot_dimension_numbers<[0], [0], [1], [1], [0, 1, 1, 1], [], []>, transpose_lhs_hint = false} : vector<100x1024xf32>, vector<100x16xf32>, vector<1024x16xf32> -> vector<1024x16xf32>
    %slice3A = vector.extract_strided_slice %get3A_1 {offsets = [0, 0], sizes = [1, 16], strides = [1, 1]} : vector<26x16xf32> to vector<1x16xf32>
    %add3A_30 = vector.broadcast %slice3A : vector<1x16xf32> to vector<1024x16xf32>
    %add3A_31 = arith.addf %dot_general3A_29, %add3A_30 : vector<1024x16xf32>
    %mul3A_32 = arith.constant 5.000000e-01 : f32
    %mul3A_33 = vector.broadcast %mul3A_32 : f32 to vector<1024x16xf32>
    %mul3A_34 = arith.mulf %mul3A_33, %add3A_31 : vector<1024x16xf32>
    %mul3A_35 = arith.constant 0.707106769 : f32
    %mul3A_36 = vector.broadcast %mul3A_35 : f32 to vector<1024x16xf32>
    %mul3A_37 = arith.mulf %add3A_31, %mul3A_36 : vector<1024x16xf32>
    %erf3A = math.erf %mul3A_37 : vector<1024x16xf32>
    %add3A_38 = arith.constant 1.000000e+00 : f32
    %add3A_39 = vector.broadcast %add3A_38 : f32 to vector<1024x16xf32>
    %add3A_40 = arith.addf %add3A_39, %erf3A : vector<1024x16xf32>
    %mul3A_41 = arith.mulf %mul3A_34, %add3A_40 : vector<1024x16xf32>
    %convert_element_type3A = arith.truncf %mul3A_41 : vector<1024x16xf32> to vector<1024x16xbf16>
    %get3A_42 = arith.constant 0 : index
    %get3A_43 = arith.constant 0 : index
    %get3A_44 = arith.constant 0 : index
    %get3A_45 = vector.load %arg4[%get3A_42, %get3A_43, %get3A_44] : memref<26x16x416xbf16, #tpu.memory_space<vmem>>, vector<1x16x416xbf16>
    %get3A_46 = vector.shape_cast %get3A_45 : vector<1x16x416xbf16> to vector<16x416xbf16>
    %dot_general3A_47 = arith.constant dense<0.000000e+00> : vector<1024x416xf32>
    %dot_general3A_48 = tpu.matmul %convert_element_type3A, %get3A_46, %dot_general3A_47 {dimension_numbers = #tpu.dot_dimension_numbers<[1], [0], [0], [1], [0, 0, 1, 1], [], []>, transpose_lhs_hint = false} : vector<1024x16xbf16>, vector<16x416xbf16>, vector<1024x416xf32> -> vector<1024x416xf32>
    %add3A_49 = arith.addf %broadcast_in_dim3A_2, %dot_general3A_48 : vector<1024x416xf32>
    %get3A_50 = arith.constant 128 : index
    %get3A_51 = arith.constant 0 : index
    %get3A_52 = vector.load %arg1[%get3A_50, %get3A_51] : memref<3328x1024xf32, #tpu.memory_space<vmem>>, vector<100x1024xf32>
    %reduce_sum3A_53 = arith.constant dense<0.000000e+00> : vector<1024xf32>
    %reduce_sum3A_54 = vector.multi_reduction <add>, %get3A_52, %reduce_sum3A_53 [0] : vector<100x1024xf32> to vector<1024xf32>
    %broadcast_in_dim3A_55 = vector.shape_cast %reduce_sum3A_54 : vector<1024xf32> to vector<1x1024xf32>
    %mul3A_56 = arith.mulf %get3A_52, %get3A_52 : vector<100x1024xf32>
    %reduce_sum3A_57 = arith.constant dense<0.000000e+00> : vector<1024xf32>
    %reduce_sum3A_58 = vector.multi_reduction <add>, %mul3A_56, %reduce_sum3A_57 [0] : vector<100x1024xf32> to vector<1024xf32>
    %broadcast_in_dim3A_59 = vector.shape_cast %reduce_sum3A_58 : vector<1024xf32> to vector<1x1024xf32>
    %mul3A_60 = arith.constant 0.00999999977 : f32
    %mul3A_61 = vector.broadcast %mul3A_60 : f32 to vector<1x1024xf32>
    %mul3A_62 = arith.mulf %broadcast_in_dim3A_55, %mul3A_61 : vector<1x1024xf32>
    %mul3A_63 = arith.constant 0.00999999977 : f32
    %mul3A_64 = vector.broadcast %mul3A_63 : f32 to vector<1x1024xf32>
    %mul3A_65 = arith.mulf %broadcast_in_dim3A_59, %mul3A_64 : vector<1x1024xf32>
    %mul3A_66 = arith.mulf %mul3A_62, %mul3A_62 : vector<1x1024xf32>
    %sub3A_67 = arith.subf %mul3A_65, %mul3A_66 : vector<1x1024xf32>
    %sub3A_68 = vector.broadcast %mul3A_62 : vector<1x1024xf32> to vector<100x1024xf32>
    %sub3A_69 = arith.subf %get3A_52, %sub3A_68 : vector<100x1024xf32>
    %add3A_70 = arith.constant 9.99999974E-6 : f32
    %add3A_71 = vector.broadcast %add3A_70 : f32 to vector<1x1024xf32>
    %add3A_72 = arith.addf %sub3A_67, %add3A_71 : vector<1x1024xf32>
    %rsqrt3A_73 = math.rsqrt %add3A_72 : vector<1x1024xf32>
    %mul3A_74 = vector.broadcast %rsqrt3A_73 : vector<1x1024xf32> to vector<100x1024xf32>
    %mul3A_75 = arith.mulf %sub3A_69, %mul3A_74 : vector<100x1024xf32>
    %get3A_76 = arith.constant 1 : index
    %get3A_77 = arith.constant 0 : index
    %get3A_78 = arith.constant 0 : index
    %get3A_79 = vector.load %arg2[%get3A_76, %get3A_77, %get3A_78] : memref<26x100x16xf32, #tpu.memory_space<vmem>>, vector<1x100x16xf32>
    %get3A_80 = vector.shape_cast %get3A_79 : vector<1x100x16xf32> to vector<100x16xf32>
    %dot_general3A_81 = arith.constant dense<0.000000e+00> : vector<1024x16xf32>
    %dot_general3A_82 = tpu.matmul %mul3A_75, %get3A_80, %dot_general3A_81 {dimension_numbers = #tpu.dot_dimension_numbers<[0], [0], [1], [1], [0, 1, 1, 1], [], []>, transpose_lhs_hint = false} : vector<100x1024xf32>, vector<100x16xf32>, vector<1024x16xf32> -> vector<1024x16xf32>
    %slice3A_83 = vector.extract_strided_slice %get3A_1 {offsets = [1, 0], sizes = [1, 16], strides = [1, 1]} : vector<26x16xf32> to vector<1x16xf32>
    %add3A_84 = vector.broadcast %slice3A_83 : vector<1x16xf32> to vector<1024x16xf32>
    %add3A_85 = arith.addf %dot_general3A_82, %add3A_84 : vector<1024x16xf32>
    %mul3A_86 = arith.constant 5.000000e-01 : f32
    %mul3A_87 = vector.broadcast %mul3A_86 : f32 to vector<1024x16xf32>
    %mul3A_88 = arith.mulf %mul3A_87, %add3A_85 : vector<1024x16xf32>
    %mul3A_89 = arith.constant 0.707106769 : f32
    %mul3A_90 = vector.broadcast %mul3A_89 : f32 to vector<1024x16xf32>
    %mul3A_91 = arith.mulf %add3A_85, %mul3A_90 : vector<1024x16xf32>
    %erf3A_92 = math.erf %mul3A_91 : vector<1024x16xf32>
    %add3A_93 = arith.constant 1.000000e+00 : f32
    %add3A_94 = vector.broadcast %add3A_93 : f32 to vector<1024x16xf32>
    %add3A_95 = arith.addf %add3A_94, %erf3A_92 : vector<1024x16xf32>
    %mul3A_96 = arith.mulf %mul3A_88, %add3A_95 : vector<1024x16xf32>
    %convert_element_type3A_97 = arith.truncf %mul3A_96 : vector<1024x16xf32> to vector<1024x16xbf16>
    %get3A_98 = arith.constant 1 : index
    %get3A_99 = arith.constant 0 : index
    %get3A_100 = arith.constant 0 : index
    %get3A_101 = vector.load %arg4[%get3A_98, %get3A_99, %get3A_100] : memref<26x16x416xbf16, #tpu.memory_space<vmem>>, vector<1x16x416xbf16>
    %get3A_102 = vector.shape_cast %get3A_101 : vector<1x16x416xbf16> to vector<16x416xbf16>
    %dot_general3A_103 = arith.constant dense<0.000000e+00> : vector<1024x416xf32>
    %dot_general3A_104 = tpu.matmul %convert_element_type3A_97, %get3A_102, %dot_general3A_103 {dimension_numbers = #tpu.dot_dimension_numbers<[1], [0], [0], [1], [0, 0, 1, 1], [], []>, transpose_lhs_hint = false} : vector<1024x16xbf16>, vector<16x416xbf16>, vector<1024x416xf32> -> vector<1024x416xf32>
    %add3A_105 = arith.addf %add3A_49, %dot_general3A_104 : vector<1024x416xf32>
    %get3A_106 = arith.constant 256 : index
    %get3A_107 = arith.constant 0 : index
    %get3A_108 = vector.load %arg1[%get3A_106, %get3A_107] : memref<3328x1024xf32, #tpu.memory_space<vmem>>, vector<100x1024xf32>
    %reduce_sum3A_109 = arith.constant dense<0.000000e+00> : vector<1024xf32>
    %reduce_sum3A_110 = vector.multi_reduction <add>, %get3A_108, %reduce_sum3A_109 [0] : vector<100x1024xf32> to vector<1024xf32>
    %broadcast_in_dim3A_111 = vector.shape_cast %reduce_sum3A_110 : vector<1024xf32> to vector<1x1024xf32>
    %mul3A_112 = arith.mulf %get3A_108, %get3A_108 : vector<100x1024xf32>
    %reduce_sum3A_113 = arith.constant dense<0.000000e+00> : vector<1024xf32>
    %reduce_sum3A_114 = vector.multi_reduction <add>, %mul3A_112, %reduce_sum3A_113 [0] : vector<100x1024xf32> to vector<1024xf32>
    %broadcast_in_dim3A_115 = vector.shape_cast %reduce_sum3A_114 : vector<1024xf32> to vector<1x1024xf32>
    %mul3A_116 = arith.constant 0.00999999977 : f32
    %mul3A_117 = vector.broadcast %mul3A_116 : f32 to vector<1x1024xf32>
    %mul3A_118 = arith.mulf %broadcast_in_dim3A_111, %mul3A_117 : vector<1x1024xf32>
    %mul3A_119 = arith.constant 0.00999999977 : f32
    %mul3A_120 = vector.broadcast %mul3A_119 : f32 to vector<1x1024xf32>
    %mul3A_121 = arith.mulf %broadcast_in_dim3A_115, %mul3A_120 : vector<1x1024xf32>
    %mul3A_122 = arith.mulf %mul3A_118, %mul3A_118 : vector<1x1024xf32>
    %sub3A_123 = arith.subf %mul3A_121, %mul3A_122 : vector<1x1024xf32>
    %sub3A_124 = vector.broadcast %mul3A_118 : vector<1x1024xf32> to vector<100x1024xf32>
    %sub3A_125 = arith.subf %get3A_108, %sub3A_124 : vector<100x1024xf32>
    %add3A_126 = arith.constant 9.99999974E-6 : f32
    %add3A_127 = vector.broadcast %add3A_126 : f32 to vector<1x1024xf32>
    %add3A_128 = arith.addf %sub3A_123, %add3A_127 : vector<1x1024xf32>
    %rsqrt3A_129 = math.rsqrt %add3A_128 : vector<1x1024xf32>
    %mul3A_130 = vector.broadcast %rsqrt3A_129 : vector<1x1024xf32> to vector<100x1024xf32>
    %mul3A_131 = arith.mulf %sub3A_125, %mul3A_130 : vector<100x1024xf32>
    %get3A_132 = arith.constant 2 : index
    %get3A_133 = arith.constant 0 : index
    %get3A_134 = arith.constant 0 : index
    %get3A_135 = vector.load %arg2[%get3A_132, %get3A_133, %get3A_134] : memref<26x100x16xf32, #tpu.memory_space<vmem>>, vector<1x100x16xf32>
    %get3A_136 = vector.shape_cast %get3A_135 : vector<1x100x16xf32> to vector<100x16xf32>
    %dot_general3A_137 = arith.constant dense<0.000000e+00> : vector<1024x16xf32>
    %dot_general3A_138 = tpu.matmul %mul3A_131, %get3A_136, %dot_general3A_137 {dimension_numbers = #tpu.dot_dimension_numbers<[0], [0], [1], [1], [0, 1, 1, 1], [], []>, transpose_lhs_hint = false} : vector<100x1024xf32>, vector<100x16xf32>, vector<1024x16xf32> -> vector<1024x16xf32>
    %slice3A_139 = vector.extract_strided_slice %get3A_1 {offsets = [2, 0], sizes = [1, 16], strides = [1, 1]} : vector<26x16xf32> to vector<1x16xf32>
    %add3A_140 = vector.broadcast %slice3A_139 : vector<1x16xf32> to vector<1024x16xf32>
    %add3A_141 = arith.addf %dot_general3A_138, %add3A_140 : vector<1024x16xf32>
    %mul3A_142 = arith.constant 5.000000e-01 : f32
    %mul3A_143 = vector.broadcast %mul3A_142 : f32 to vector<1024x16xf32>
    %mul3A_144 = arith.mulf %mul3A_143, %add3A_141 : vector<1024x16xf32>
    %mul3A_145 = arith.constant 0.707106769 : f32
    %mul3A_146 = vector.broadcast %mul3A_145 : f32 to vector<1024x16xf32>
    %mul3A_147 = arith.mulf %add3A_141, %mul3A_146 : vector<1024x16xf32>
    %erf3A_148 = math.erf %mul3A_147 : vector<1024x16xf32>
    %add3A_149 = arith.constant 1.000000e+00 : f32
    %add3A_150 = vector.broadcast %add3A_149 : f32 to vector<1024x16xf32>
    %add3A_151 = arith.addf %add3A_150, %erf3A_148 : vector<1024x16xf32>
    %mul3A_152 = arith.mulf %mul3A_144, %add3A_151 : vector<1024x16xf32>
    %convert_element_type3A_153 = arith.truncf %mul3A_152 : vector<1024x16xf32> to vector<1024x16xbf16>
    %get3A_154 = arith.constant 2 : index
    %get3A_155 = arith.constant 0 : index
    %get3A_156 = arith.constant 0 : index
    %get3A_157 = vector.load %arg4[%get3A_154, %get3A_155, %get3A_156] : memref<26x16x416xbf16, #tpu.memory_space<vmem>>, vector<1x16x416xbf16>
    %get3A_158 = vector.shape_cast %get3A_157 : vector<1x16x416xbf16> to vector<16x416xbf16>
    %dot_general3A_159 = arith.constant dense<0.000000e+00> : vector<1024x416xf32>
    %dot_general3A_160 = tpu.matmul %convert_element_type3A_153, %get3A_158, %dot_general3A_159 {dimension_numbers = #tpu.dot_dimension_numbers<[1], [0], [0], [1], [0, 0, 1, 1], [], []>, transpose_lhs_hint = false} : vector<1024x16xbf16>, vector<16x416xbf16>, vector<1024x416xf32> -> vector<1024x416xf32>
    %add3A_161 = arith.addf %add3A_105, %dot_general3A_160 : vector<1024x416xf32>
    %get3A_162 = arith.constant 384 : index
    %get3A_163 = arith.constant 0 : index
    %get3A_164 = vector.load %arg1[%get3A_162, %get3A_163] : memref<3328x1024xf32, #tpu.memory_space<vmem>>, vector<100x1024xf32>
    %reduce_sum3A_165 = arith.constant dense<0.000000e+00> : vector<1024xf32>
    %reduce_sum3A_166 = vector.multi_reduction <add>, %get3A_164, %reduce_sum3A_165 [0] : vector<100x1024xf32> to vector<1024xf32>
    %broadcast_in_dim3A_167 = vector.shape_cast %reduce_sum3A_166 : vector<1024xf32> to vector<1x1024xf32>
    %mul3A_168 = arith.mulf %get3A_164, %get3A_164 : vector<100x1024xf32>
    %reduce_sum3A_169 = arith.constant dense<0.000000e+00> : vector<1024xf32>
    %reduce_sum3A_170 = vector.multi_reduction <add>, %mul3A_168, %reduce_sum3A_169 [0] : vector<100x1024xf32> to vector<1024xf32>
    %broadcast_in_dim3A_171 = vector.shape_cast %reduce_sum3A_170 : vector<1024xf32> to vector<1x1024xf32>
    %mul3A_172 = arith.constant 0.00999999977 : f32
    %mul3A_173 = vector.broadcast %mul3A_172 : f32 to vector<1x1024xf32>
    %mul3A_174 = arith.mulf %broadcast_in_dim3A_167, %mul3A_173 : vector<1x1024xf32>
    %mul3A_175 = arith.constant 0.00999999977 : f32
    %mul3A_176 = vector.broadcast %mul3A_175 : f32 to vector<1x1024xf32>
    %mul3A_177 = arith.mulf %broadcast_in_dim3A_171, %mul3A_176 : vector<1x1024xf32>
    %mul3A_178 = arith.mulf %mul3A_174, %mul3A_174 : vector<1x1024xf32>
    %sub3A_179 = arith.subf %mul3A_177, %mul3A_178 : vector<1x1024xf32>
    %sub3A_180 = vector.broadcast %mul3A_174 : vector<1x1024xf32> to vector<100x1024xf32>
    %sub3A_181 = arith.subf %get3A_164, %sub3A_180 : vector<100x1024xf32>
    %add3A_182 = arith.constant 9.99999974E-6 : f32
    %add3A_183 = vector.broadcast %add3A_182 : f32 to vector<1x1024xf32>
    %add3A_184 = arith.addf %sub3A_179, %add3A_183 : vector<1x1024xf32>
    %rsqrt3A_185 = math.rsqrt %add3A_184 : vector<1x1024xf32>
    %mul3A_186 = vector.broadcast %rsqrt3A_185 : vector<1x1024xf32> to vector<100x1024xf32>
    %mul3A_187 = arith.mulf %sub3A_181, %mul3A_186 : vector<100x1024xf32>
    %get3A_188 = arith.constant 3 : index
    %get3A_189 = arith.constant 0 : index
    %get3A_190 = arith.constant 0 : index
    %get3A_191 = vector.load %arg2[%get3A_188, %get3A_189, %get3A_190] : memref<26x100x16xf32, #tpu.memory_space<vmem>>, vector<1x100x16xf32>
    %get3A_192 = vector.shape_cast %get3A_191 : vector<1x100x16xf32> to vector<100x16xf32>
    %dot_general3A_193 = arith.constant dense<0.000000e+00> : vector<1024x16xf32>
    %dot_general3A_194 = tpu.matmul %mul3A_187, %get3A_192, %dot_general3A_193 {dimension_numbers = #tpu.dot_dimension_numbers<[0], [0], [1], [1], [0, 1, 1, 1], [], []>, transpose_lhs_hint = false} : vector<100x1024xf32>, vector<100x16xf32>, vector<1024x16xf32> -> vector<1024x16xf32>
    %slice3A_195 = vector.extract_strided_slice %get3A_1 {offsets = [3, 0], sizes = [1, 16], strides = [1, 1]} : vector<26x16xf32> to vector<1x16xf32>
    %add3A_196 = vector.broadcast %slice3A_195 : vector<1x16xf32> to vector<1024x16xf32>
    %add3A_197 = arith.addf %dot_general3A_194, %add3A_196 : vector<1024x16xf32>
    %mul3A_198 = arith.constant 5.000000e-01 : f32
    %mul3A_199 = vector.broadcast %mul3A_198 : f32 to vector<1024x16xf32>
    %mul3A_200 = arith.mulf %mul3A_199, %add3A_197 : vector<1024x16xf32>
    %mul3A_201 = arith.constant 0.707106769 : f32
    %mul3A_202 = vector.broadcast %mul3A_201 : f32 to vector<1024x16xf32>
    %mul3A_203 = arith.mulf %add3A_197, %mul3A_202 : vector<1024x16xf32>
    %erf3A_204 = math.erf %mul3A_203 : vector<1024x16xf32>
    %add3A_205 = arith.constant 1.000000e+00 : f32
    %add3A_206 = vector.broadcast %add3A_205 : f32 to vector<1024x16xf32>
    %add3A_207 = arith.addf %add3A_206, %erf3A_204 : vector<1024x16xf32>
    %mul3A_208 = arith.mulf %mul3A_200, %add3A_207 : vector<1024x16xf32>
    %convert_element_type3A_209 = arith.truncf %mul3A_208 : vector<1024x16xf32> to vector<1024x16xbf16>
    %get3A_210 = arith.constant 3 : index
    %get3A_211 = arith.constant 0 : index
    %get3A_212 = arith.constant 0 : index
    %get3A_213 = vector.load %arg4[%get3A_210, %get3A_211, %get3A_212] : memref<26x16x416xbf16, #tpu.memory_space<vmem>>, vector<1x16x416xbf16>
    %get3A_214 = vector.shape_cast %get3A_213 : vector<1x16x416xbf16> to vector<16x416xbf16>
    %dot_general3A_215 = arith.constant dense<0.000000e+00> : vector<1024x416xf32>
    %dot_general3A_216 = tpu.matmul %convert_element_type3A_209, %get3A_214, %dot_general3A_215 {dimension_numbers = #tpu.dot_dimension_numbers<[1], [0], [0], [1], [0, 0, 1, 1], [], []>, transpose_lhs_hint = false} : vector<1024x16xbf16>, vector<16x416xbf16>, vector<1024x416xf32> -> vector<1024x416xf32>
    %add3A_217 = arith.addf %add3A_161, %dot_general3A_216 : vector<1024x416xf32>
    %get3A_218 = arith.constant 512 : index
    %get3A_219 = arith.constant 0 : index
    %get3A_220 = vector.load %arg1[%get3A_218, %get3A_219] : memref<3328x1024xf32, #tpu.memory_space<vmem>>, vector<100x1024xf32>
    %reduce_sum3A_221 = arith.constant dense<0.000000e+00> : vector<1024xf32>
    %reduce_sum3A_222 = vector.multi_reduction <add>, %get3A_220, %reduce_sum3A_221 [0] : vector<100x1024xf32> to vector<1024xf32>
    %broadcast_in_dim3A_223 = vector.shape_cast %reduce_sum3A_222 : vector<1024xf32> to vector<1x1024xf32>
    %mul3A_224 = arith.mulf %get3A_220, %get3A_220 : vector<100x1024xf32>
    %reduce_sum3A_225 = arith.constant dense<0.000000e+00> : vector<1024xf32>
    %reduce_sum3A_226 = vector.multi_reduction <add>, %mul3A_224, %reduce_sum3A_225 [0] : vector<100x1024xf32> to vector<1024xf32>
    %broadcast_in_dim3A_227 = vector.shape_cast %reduce_sum3A_226 : vector<1024xf32> to vector<1x1024xf32>
    %mul3A_228 = arith.constant 0.00999999977 : f32
    %mul3A_229 = vector.broadcast %mul3A_228 : f32 to vector<1x1024xf32>
    %mul3A_230 = arith.mulf %broadcast_in_dim3A_223, %mul3A_229 : vector<1x1024xf32>
    %mul3A_231 = arith.constant 0.00999999977 : f32
    %mul3A_232 = vector.broadcast %mul3A_231 : f32 to vector<1x1024xf32>
    %mul3A_233 = arith.mulf %broadcast_in_dim3A_227, %mul3A_232 : vector<1x1024xf32>
    %mul3A_234 = arith.mulf %mul3A_230, %mul3A_230 : vector<1x1024xf32>
    %sub3A_235 = arith.subf %mul3A_233, %mul3A_234 : vector<1x1024xf32>
    %sub3A_236 = vector.broadcast %mul3A_230 : vector<1x1024xf32> to vector<100x1024xf32>
    %sub3A_237 = arith.subf %get3A_220, %sub3A_236 : vector<100x1024xf32>
    %add3A_238 = arith.constant 9.99999974E-6 : f32
    %add3A_239 = vector.broadcast %add3A_238 : f32 to vector<1x1024xf32>
    %add3A_240 = arith.addf %sub3A_235, %add3A_239 : vector<1x1024xf32>
    %rsqrt3A_241 = math.rsqrt %add3A_240 : vector<1x1024xf32>
    %mul3A_242 = vector.broadcast %rsqrt3A_241 : vector<1x1024xf32> to vector<100x1024xf32>
    %mul3A_243 = arith.mulf %sub3A_237, %mul3A_242 : vector<100x1024xf32>
    %get3A_244 = arith.constant 4 : index
    %get3A_245 = arith.constant 0 : index
    %get3A_246 = arith.constant 0 : index
    %get3A_247 = vector.load %arg2[%get3A_244, %get3A_245, %get3A_246] : memref<26x100x16xf32, #tpu.memory_space<vmem>>, vector<1x100x16xf32>
    %get3A_248 = vector.shape_cast %get3A_247 : vector<1x100x16xf32> to vector<100x16xf32>
    %dot_general3A_249 = arith.constant dense<0.000000e+00> : vector<1024x16xf32>
    %dot_general3A_250 = tpu.matmul %mul3A_243, %get3A_248, %dot_general3A_249 {dimension_numbers = #tpu.dot_dimension_numbers<[0], [0], [1], [1], [0, 1, 1, 1], [], []>, transpose_lhs_hint = false} : vector<100x1024xf32>, vector<100x16xf32>, vector<1024x16xf32> -> vector<1024x16xf32>
    %slice3A_251 = vector.extract_strided_slice %get3A_1 {offsets = [4, 0], sizes = [1, 16], strides = [1, 1]} : vector<26x16xf32> to vector<1x16xf32>
    %add3A_252 = vector.broadcast %slice3A_251 : vector<1x16xf32> to vector<1024x16xf32>
    %add3A_253 = arith.addf %dot_general3A_250, %add3A_252 : vector<1024x16xf32>
    %mul3A_254 = arith.constant 5.000000e-01 : f32
    %mul3A_255 = vector.broadcast %mul3A_254 : f32 to vector<1024x16xf32>
    %mul3A_256 = arith.mulf %mul3A_255, %add3A_253 : vector<1024x16xf32>
    %mul3A_257 = arith.constant 0.707106769 : f32
    %mul3A_258 = vector.broadcast %mul3A_257 : f32 to vector<1024x16xf32>
    %mul3A_259 = arith.mulf %add3A_253, %mul3A_258 : vector<1024x16xf32>
    %erf3A_260 = math.erf %mul3A_259 : vector<1024x16xf32>
    %add3A_261 = arith.constant 1.000000e+00 : f32
    %add3A_262 = vector.broadcast %add3A_261 : f32 to vector<1024x16xf32>
    %add3A_263 = arith.addf %add3A_262, %erf3A_260 : vector<1024x16xf32>
    %mul3A_264 = arith.mulf %mul3A_256, %add3A_263 : vector<1024x16xf32>
    %convert_element_type3A_265 = arith.truncf %mul3A_264 : vector<1024x16xf32> to vector<1024x16xbf16>
    %get3A_266 = arith.constant 4 : index
    %get3A_267 = arith.constant 0 : index
    %get3A_268 = arith.constant 0 : index
    %get3A_269 = vector.load %arg4[%get3A_266, %get3A_267, %get3A_268] : memref<26x16x416xbf16, #tpu.memory_space<vmem>>, vector<1x16x416xbf16>
    %get3A_270 = vector.shape_cast %get3A_269 : vector<1x16x416xbf16> to vector<16x416xbf16>
    %dot_general3A_271 = arith.constant dense<0.000000e+00> : vector<1024x416xf32>
    %dot_general3A_272 = tpu.matmul %convert_element_type3A_265, %get3A_270, %dot_general3A_271 {dimension_numbers = #tpu.dot_dimension_numbers<[1], [0], [0], [1], [0, 0, 1, 1], [], []>, transpose_lhs_hint = false} : vector<1024x16xbf16>, vector<16x416xbf16>, vector<1024x416xf32> -> vector<1024x416xf32>
    %add3A_273 = arith.addf %add3A_217, %dot_general3A_272 : vector<1024x416xf32>
    %get3A_274 = arith.constant 640 : index
    %get3A_275 = arith.constant 0 : index
    %get3A_276 = vector.load %arg1[%get3A_274, %get3A_275] : memref<3328x1024xf32, #tpu.memory_space<vmem>>, vector<100x1024xf32>
    %reduce_sum3A_277 = arith.constant dense<0.000000e+00> : vector<1024xf32>
    %reduce_sum3A_278 = vector.multi_reduction <add>, %get3A_276, %reduce_sum3A_277 [0] : vector<100x1024xf32> to vector<1024xf32>
    %broadcast_in_dim3A_279 = vector.shape_cast %reduce_sum3A_278 : vector<1024xf32> to vector<1x1024xf32>
    %mul3A_280 = arith.mulf %get3A_276, %get3A_276 : vector<100x1024xf32>
    %reduce_sum3A_281 = arith.constant dense<0.000000e+00> : vector<1024xf32>
    %reduce_sum3A_282 = vector.multi_reduction <add>, %mul3A_280, %reduce_sum3A_281 [0] : vector<100x1024xf32> to vector<1024xf32>
    %broadcast_in_dim3A_283 = vector.shape_cast %reduce_sum3A_282 : vector<1024xf32> to vector<1x1024xf32>
    %mul3A_284 = arith.constant 0.00999999977 : f32
    %mul3A_285 = vector.broadcast %mul3A_284 : f32 to vector<1x1024xf32>
    %mul3A_286 = arith.mulf %broadcast_in_dim3A_279, %mul3A_285 : vector<1x1024xf32>
    %mul3A_287 = arith.constant 0.00999999977 : f32
    %mul3A_288 = vector.broadcast %mul3A_287 : f32 to vector<1x1024xf32>
    %mul3A_289 = arith.mulf %broadcast_in_dim3A_283, %mul3A_288 : vector<1x1024xf32>
    %mul3A_290 = arith.mulf %mul3A_286, %mul3A_286 : vector<1x1024xf32>
    %sub3A_291 = arith.subf %mul3A_289, %mul3A_290 : vector<1x1024xf32>
    %sub3A_292 = vector.broadcast %mul3A_286 : vector<1x1024xf32> to vector<100x1024xf32>
    %sub3A_293 = arith.subf %get3A_276, %sub3A_292 : vector<100x1024xf32>
    %add3A_294 = arith.constant 9.99999974E-6 : f32
    %add3A_295 = vector.broadcast %add3A_294 : f32 to vector<1x1024xf32>
    %add3A_296 = arith.addf %sub3A_291, %add3A_295 : vector<1x1024xf32>
    %rsqrt3A_297 = math.rsqrt %add3A_296 : vector<1x1024xf32>
    %mul3A_298 = vector.broadcast %rsqrt3A_297 : vector<1x1024xf32> to vector<100x1024xf32>
    %mul3A_299 = arith.mulf %sub3A_293, %mul3A_298 : vector<100x1024xf32>
    %get3A_300 = arith.constant 5 : index
    %get3A_301 = arith.constant 0 : index
    %get3A_302 = arith.constant 0 : index
    %get3A_303 = vector.load %arg2[%get3A_300, %get3A_301, %get3A_302] : memref<26x100x16xf32, #tpu.memory_space<vmem>>, vector<1x100x16xf32>
    %get3A_304 = vector.shape_cast %get3A_303 : vector<1x100x16xf32> to vector<100x16xf32>
    %dot_general3A_305 = arith.constant dense<0.000000e+00> : vector<1024x16xf32>
    %dot_general3A_306 = tpu.matmul %mul3A_299, %get3A_304, %dot_general3A_305 {dimension_numbers = #tpu.dot_dimension_numbers<[0], [0], [1], [1], [0, 1, 1, 1], [], []>, transpose_lhs_hint = false} : vector<100x1024xf32>, vector<100x16xf32>, vector<1024x16xf32> -> vector<1024x16xf32>
    %slice3A_307 = vector.extract_strided_slice %get3A_1 {offsets = [5, 0], sizes = [1, 16], strides = [1, 1]} : vector<26x16xf32> to vector<1x16xf32>
    %add3A_308 = vector.broadcast %slice3A_307 : vector<1x16xf32> to vector<1024x16xf32>
    %add3A_309 = arith.addf %dot_general3A_306, %add3A_308 : vector<1024x16xf32>
    %mul3A_310 = arith.constant 5.000000e-01 : f32
    %mul3A_311 = vector.broadcast %mul3A_310 : f32 to vector<1024x16xf32>
    %mul3A_312 = arith.mulf %mul3A_311, %add3A_309 : vector<1024x16xf32>
    %mul3A_313 = arith.constant 0.707106769 : f32
    %mul3A_314 = vector.broadcast %mul3A_313 : f32 to vector<1024x16xf32>
    %mul3A_315 = arith.mulf %add3A_309, %mul3A_314 : vector<1024x16xf32>
    %erf3A_316 = math.erf %mul3A_315 : vector<1024x16xf32>
    %add3A_317 = arith.constant 1.000000e+00 : f32
    %add3A_318 = vector.broadcast %add3A_317 : f32 to vector<1024x16xf32>
    %add3A_319 = arith.addf %add3A_318, %erf3A_316 : vector<1024x16xf32>
    %mul3A_320 = arith.mulf %mul3A_312, %add3A_319 : vector<1024x16xf32>
    %convert_element_type3A_321 = arith.truncf %mul3A_320 : vector<1024x16xf32> to vector<1024x16xbf16>
    %get3A_322 = arith.constant 5 : index
    %get3A_323 = arith.constant 0 : index
    %get3A_324 = arith.constant 0 : index
    %get3A_325 = vector.load %arg4[%get3A_322, %get3A_323, %get3A_324] : memref<26x16x416xbf16, #tpu.memory_space<vmem>>, vector<1x16x416xbf16>
    %get3A_326 = vector.shape_cast %get3A_325 : vector<1x16x416xbf16> to vector<16x416xbf16>
    %dot_general3A_327 = arith.constant dense<0.000000e+00> : vector<1024x416xf32>
    %dot_general3A_328 = tpu.matmul %convert_element_type3A_321, %get3A_326, %dot_general3A_327 {dimension_numbers = #tpu.dot_dimension_numbers<[1], [0], [0], [1], [0, 0, 1, 1], [], []>, transpose_lhs_hint = false} : vector<1024x16xbf16>, vector<16x416xbf16>, vector<1024x416xf32> -> vector<1024x416xf32>
    %add3A_329 = arith.addf %add3A_273, %dot_general3A_328 : vector<1024x416xf32>
    %get3A_330 = arith.constant 768 : index
    %get3A_331 = arith.constant 0 : index
    %get3A_332 = vector.load %arg1[%get3A_330, %get3A_331] : memref<3328x1024xf32, #tpu.memory_space<vmem>>, vector<100x1024xf32>
    %reduce_sum3A_333 = arith.constant dense<0.000000e+00> : vector<1024xf32>
    %reduce_sum3A_334 = vector.multi_reduction <add>, %get3A_332, %reduce_sum3A_333 [0] : vector<100x1024xf32> to vector<1024xf32>
    %broadcast_in_dim3A_335 = vector.shape_cast %reduce_sum3A_334 : vector<1024xf32> to vector<1x1024xf32>
    %mul3A_336 = arith.mulf %get3A_332, %get3A_332 : vector<100x1024xf32>
    %reduce_sum3A_337 = arith.constant dense<0.000000e+00> : vector<1024xf32>
    %reduce_sum3A_338 = vector.multi_reduction <add>, %mul3A_336, %reduce_sum3A_337 [0] : vector<100x1024xf32> to vector<1024xf32>
    %broadcast_in_dim3A_339 = vector.shape_cast %reduce_sum3A_338 : vector<1024xf32> to vector<1x1024xf32>
    %mul3A_340 = arith.constant 0.00999999977 : f32
    %mul3A_341 = vector.broadcast %mul3A_340 : f32 to vector<1x1024xf32>
    %mul3A_342 = arith.mulf %broadcast_in_dim3A_335, %mul3A_341 : vector<1x1024xf32>
    %mul3A_343 = arith.constant 0.00999999977 : f32
    %mul3A_344 = vector.broadcast %mul3A_343 : f32 to vector<1x1024xf32>
    %mul3A_345 = arith.mulf %broadcast_in_dim3A_339, %mul3A_344 : vector<1x1024xf32>
    %mul3A_346 = arith.mulf %mul3A_342, %mul3A_342 : vector<1x1024xf32>
    %sub3A_347 = arith.subf %mul3A_345, %mul3A_346 : vector<1x1024xf32>
    %sub3A_348 = vector.broadcast %mul3A_342 : vector<1x1024xf32> to vector<100x1024xf32>
    %sub3A_349 = arith.subf %get3A_332, %sub3A_348 : vector<100x1024xf32>
    %add3A_350 = arith.constant 9.99999974E-6 : f32
    %add3A_351 = vector.broadcast %add3A_350 : f32 to vector<1x1024xf32>
    %add3A_352 = arith.addf %sub3A_347, %add3A_351 : vector<1x1024xf32>
    %rsqrt3A_353 = math.rsqrt %add3A_352 : vector<1x1024xf32>
    %mul3A_354 = vector.broadcast %rsqrt3A_353 : vector<1x1024xf32> to vector<100x1024xf32>
    %mul3A_355 = arith.mulf %sub3A_349, %mul3A_354 : vector<100x1024xf32>
    %get3A_356 = arith.constant 6 : index
    %get3A_357 = arith.constant 0 : index
    %get3A_358 = arith.constant 0 : index
    %get3A_359 = vector.load %arg2[%get3A_356, %get3A_357, %get3A_358] : memref<26x100x16xf32, #tpu.memory_space<vmem>>, vector<1x100x16xf32>
    %get3A_360 = vector.shape_cast %get3A_359 : vector<1x100x16xf32> to vector<100x16xf32>
    %dot_general3A_361 = arith.constant dense<0.000000e+00> : vector<1024x16xf32>
    %dot_general3A_362 = tpu.matmul %mul3A_355, %get3A_360, %dot_general3A_361 {dimension_numbers = #tpu.dot_dimension_numbers<[0], [0], [1], [1], [0, 1, 1, 1], [], []>, transpose_lhs_hint = false} : vector<100x1024xf32>, vector<100x16xf32>, vector<1024x16xf32> -> vector<1024x16xf32>
    %slice3A_363 = vector.extract_strided_slice %get3A_1 {offsets = [6, 0], sizes = [1, 16], strides = [1, 1]} : vector<26x16xf32> to vector<1x16xf32>
    %add3A_364 = vector.broadcast %slice3A_363 : vector<1x16xf32> to vector<1024x16xf32>
    %add3A_365 = arith.addf %dot_general3A_362, %add3A_364 : vector<1024x16xf32>
    %mul3A_366 = arith.constant 5.000000e-01 : f32
    %mul3A_367 = vector.broadcast %mul3A_366 : f32 to vector<1024x16xf32>
    %mul3A_368 = arith.mulf %mul3A_367, %add3A_365 : vector<1024x16xf32>
    %mul3A_369 = arith.constant 0.707106769 : f32
    %mul3A_370 = vector.broadcast %mul3A_369 : f32 to vector<1024x16xf32>
    %mul3A_371 = arith.mulf %add3A_365, %mul3A_370 : vector<1024x16xf32>
    %erf3A_372 = math.erf %mul3A_371 : vector<1024x16xf32>
    %add3A_373 = arith.constant 1.000000e+00 : f32
    %add3A_374 = vector.broadcast %add3A_373 : f32 to vector<1024x16xf32>
    %add3A_375 = arith.addf %add3A_374, %erf3A_372 : vector<1024x16xf32>
    %mul3A_376 = arith.mulf %mul3A_368, %add3A_375 : vector<1024x16xf32>
    %convert_element_type3A_377 = arith.truncf %mul3A_376 : vector<1024x16xf32> to vector<1024x16xbf16>
    %get3A_378 = arith.constant 6 : index
    %get3A_379 = arith.constant 0 : index
    %get3A_380 = arith.constant 0 : index
    %get3A_381 = vector.load %arg4[%get3A_378, %get3A_379, %get3A_380] : memref<26x16x416xbf16, #tpu.memory_space<vmem>>, vector<1x16x416xbf16>
    %get3A_382 = vector.shape_cast %get3A_381 : vector<1x16x416xbf16> to vector<16x416xbf16>
    %dot_general3A_383 = arith.constant dense<0.000000e+00> : vector<1024x416xf32>
    %dot_general3A_384 = tpu.matmul %convert_element_type3A_377, %get3A_382, %dot_general3A_383 {dimension_numbers = #tpu.dot_dimension_numbers<[1], [0], [0], [1], [0, 0, 1, 1], [], []>, transpose_lhs_hint = false} : vector<1024x16xbf16>, vector<16x416xbf16>, vector<1024x416xf32> -> vector<1024x416xf32>
    %add3A_385 = arith.addf %add3A_329, %dot_general3A_384 : vector<1024x416xf32>
    %get3A_386 = arith.constant 896 : index
    %get3A_387 = arith.constant 0 : index
    %get3A_388 = vector.load %arg1[%get3A_386, %get3A_387] : memref<3328x1024xf32, #tpu.memory_space<vmem>>, vector<100x1024xf32>
    %reduce_sum3A_389 = arith.constant dense<0.000000e+00> : vector<1024xf32>
    %reduce_sum3A_390 = vector.multi_reduction <add>, %get3A_388, %reduce_sum3A_389 [0] : vector<100x1024xf32> to vector<1024xf32>
    %broadcast_in_dim3A_391 = vector.shape_cast %reduce_sum3A_390 : vector<1024xf32> to vector<1x1024xf32>
    %mul3A_392 = arith.mulf %get3A_388, %get3A_388 : vector<100x1024xf32>
    %reduce_sum3A_393 = arith.constant dense<0.000000e+00> : vector<1024xf32>
    %reduce_sum3A_394 = vector.multi_reduction <add>, %mul3A_392, %reduce_sum3A_393 [0] : vector<100x1024xf32> to vector<1024xf32>
    %broadcast_in_dim3A_395 = vector.shape_cast %reduce_sum3A_394 : vector<1024xf32> to vector<1x1024xf32>
    %mul3A_396 = arith.constant 0.00999999977 : f32
    %mul3A_397 = vector.broadcast %mul3A_396 : f32 to vector<1x1024xf32>
    %mul3A_398 = arith.mulf %broadcast_in_dim3A_391, %mul3A_397 : vector<1x1024xf32>
    %mul3A_399 = arith.constant 0.00999999977 : f32
    %mul3A_400 = vector.broadcast %mul3A_399 : f32 to vector<1x1024xf32>
    %mul3A_401 = arith.mulf %broadcast_in_dim3A_395, %mul3A_400 : vector<1x1024xf32>
    %mul3A_402 = arith.mulf %mul3A_398, %mul3A_398 : vector<1x1024xf32>
    %sub3A_403 = arith.subf %mul3A_401, %mul3A_402 : vector<1x1024xf32>
    %sub3A_404 = vector.broadcast %mul3A_398 : vector<1x1024xf32> to vector<100x1024xf32>
    %sub3A_405 = arith.subf %get3A_388, %sub3A_404 : vector<100x1024xf32>
    %add3A_406 = arith.constant 9.99999974E-6 : f32
    %add3A_407 = vector.broadcast %add3A_406 : f32 to vector<1x1024xf32>
    %add3A_408 = arith.addf %sub3A_403, %add3A_407 : vector<1x1024xf32>
    %rsqrt3A_409 = math.rsqrt %add3A_408 : vector<1x1024xf32>
    %mul3A_410 = vector.broadcast %rsqrt3A_409 : vector<1x1024xf32> to vector<100x1024xf32>
    %mul3A_411 = arith.mulf %sub3A_405, %mul3A_410 : vector<100x1024xf32>
    %get3A_412 = arith.constant 7 : index
    %get3A_413 = arith.constant 0 : index
    %get3A_414 = arith.constant 0 : index
    %get3A_415 = vector.load %arg2[%get3A_412, %get3A_413, %get3A_414] : memref<26x100x16xf32, #tpu.memory_space<vmem>>, vector<1x100x16xf32>
    %get3A_416 = vector.shape_cast %get3A_415 : vector<1x100x16xf32> to vector<100x16xf32>
    %dot_general3A_417 = arith.constant dense<0.000000e+00> : vector<1024x16xf32>
    %dot_general3A_418 = tpu.matmul %mul3A_411, %get3A_416, %dot_general3A_417 {dimension_numbers = #tpu.dot_dimension_numbers<[0], [0], [1], [1], [0, 1, 1, 1], [], []>, transpose_lhs_hint = false} : vector<100x1024xf32>, vector<100x16xf32>, vector<1024x16xf32> -> vector<1024x16xf32>
    %slice3A_419 = vector.extract_strided_slice %get3A_1 {offsets = [7, 0], sizes = [1, 16], strides = [1, 1]} : vector<26x16xf32> to vector<1x16xf32>
    %add3A_420 = vector.broadcast %slice3A_419 : vector<1x16xf32> to vector<1024x16xf32>
    %add3A_421 = arith.addf %dot_general3A_418, %add3A_420 : vector<1024x16xf32>
    %mul3A_422 = arith.constant 5.000000e-01 : f32
    %mul3A_423 = vector.broadcast %mul3A_422 : f32 to vector<1024x16xf32>
    %mul3A_424 = arith.mulf %mul3A_423, %add3A_421 : vector<1024x16xf32>
    %mul3A_425 = arith.constant 0.707106769 : f32
    %mul3A_426 = vector.broadcast %mul3A_425 : f32 to vector<1024x16xf32>
    %mul3A_427 = arith.mulf %add3A_421, %mul3A_426 : vector<1024x16xf32>
    %erf3A_428 = math.erf %mul3A_427 : vector<1024x16xf32>
    %add3A_429 = arith.constant 1.000000e+00 : f32
    %add3A_430 = vector.broadcast %add3A_429 : f32 to vector<1024x16xf32>
    %add3A_431 = arith.addf %add3A_430, %erf3A_428 : vector<1024x16xf32>
    %mul3A_432 = arith.mulf %mul3A_424, %add3A_431 : vector<1024x16xf32>
    %convert_element_type3A_433 = arith.truncf %mul3A_432 : vector<1024x16xf32> to vector<1024x16xbf16>
    %get3A_434 = arith.constant 7 : index
    %get3A_435 = arith.constant 0 : index
    %get3A_436 = arith.constant 0 : index
    %get3A_437 = vector.load %arg4[%get3A_434, %get3A_435, %get3A_436] : memref<26x16x416xbf16, #tpu.memory_space<vmem>>, vector<1x16x416xbf16>
    %get3A_438 = vector.shape_cast %get3A_437 : vector<1x16x416xbf16> to vector<16x416xbf16>
    %dot_general3A_439 = arith.constant dense<0.000000e+00> : vector<1024x416xf32>
    %dot_general3A_440 = tpu.matmul %convert_element_type3A_433, %get3A_438, %dot_general3A_439 {dimension_numbers = #tpu.dot_dimension_numbers<[1], [0], [0], [1], [0, 0, 1, 1], [], []>, transpose_lhs_hint = false} : vector<1024x16xbf16>, vector<16x416xbf16>, vector<1024x416xf32> -> vector<1024x416xf32>
    %add3A_441 = arith.addf %add3A_385, %dot_general3A_440 : vector<1024x416xf32>
    %get3A_442 = arith.constant 1024 : index
    %get3A_443 = arith.constant 0 : index
    %get3A_444 = vector.load %arg1[%get3A_442, %get3A_443] : memref<3328x1024xf32, #tpu.memory_space<vmem>>, vector<100x1024xf32>
    %reduce_sum3A_445 = arith.constant dense<0.000000e+00> : vector<1024xf32>
    %reduce_sum3A_446 = vector.multi_reduction <add>, %get3A_444, %reduce_sum3A_445 [0] : vector<100x1024xf32> to vector<1024xf32>
    %broadcast_in_dim3A_447 = vector.shape_cast %reduce_sum3A_446 : vector<1024xf32> to vector<1x1024xf32>
    %mul3A_448 = arith.mulf %get3A_444, %get3A_444 : vector<100x1024xf32>
    %reduce_sum3A_449 = arith.constant dense<0.000000e+00> : vector<1024xf32>
    %reduce_sum3A_450 = vector.multi_reduction <add>, %mul3A_448, %reduce_sum3A_449 [0] : vector<100x1024xf32> to vector<1024xf32>
    %broadcast_in_dim3A_451 = vector.shape_cast %reduce_sum3A_450 : vector<1024xf32> to vector<1x1024xf32>
    %mul3A_452 = arith.constant 0.00999999977 : f32
    %mul3A_453 = vector.broadcast %mul3A_452 : f32 to vector<1x1024xf32>
    %mul3A_454 = arith.mulf %broadcast_in_dim3A_447, %mul3A_453 : vector<1x1024xf32>
    %mul3A_455 = arith.constant 0.00999999977 : f32
    %mul3A_456 = vector.broadcast %mul3A_455 : f32 to vector<1x1024xf32>
    %mul3A_457 = arith.mulf %broadcast_in_dim3A_451, %mul3A_456 : vector<1x1024xf32>
    %mul3A_458 = arith.mulf %mul3A_454, %mul3A_454 : vector<1x1024xf32>
    %sub3A_459 = arith.subf %mul3A_457, %mul3A_458 : vector<1x1024xf32>
    %sub3A_460 = vector.broadcast %mul3A_454 : vector<1x1024xf32> to vector<100x1024xf32>
    %sub3A_461 = arith.subf %get3A_444, %sub3A_460 : vector<100x1024xf32>
    %add3A_462 = arith.constant 9.99999974E-6 : f32
    %add3A_463 = vector.broadcast %add3A_462 : f32 to vector<1x1024xf32>
    %add3A_464 = arith.addf %sub3A_459, %add3A_463 : vector<1x1024xf32>
    %rsqrt3A_465 = math.rsqrt %add3A_464 : vector<1x1024xf32>
    %mul3A_466 = vector.broadcast %rsqrt3A_465 : vector<1x1024xf32> to vector<100x1024xf32>
    %mul3A_467 = arith.mulf %sub3A_461, %mul3A_466 : vector<100x1024xf32>
    %get3A_468 = arith.constant 8 : index
    %get3A_469 = arith.constant 0 : index
    %get3A_470 = arith.constant 0 : index
    %get3A_471 = vector.load %arg2[%get3A_468, %get3A_469, %get3A_470] : memref<26x100x16xf32, #tpu.memory_space<vmem>>, vector<1x100x16xf32>
    %get3A_472 = vector.shape_cast %get3A_471 : vector<1x100x16xf32> to vector<100x16xf32>
    %dot_general3A_473 = arith.constant dense<0.000000e+00> : vector<1024x16xf32>
    %dot_general3A_474 = tpu.matmul %mul3A_467, %get3A_472, %dot_general3A_473 {dimension_numbers = #tpu.dot_dimension_numbers<[0], [0], [1], [1], [0, 1, 1, 1], [], []>, transpose_lhs_hint = false} : vector<100x1024xf32>, vector<100x16xf32>, vector<1024x16xf32> -> vector<1024x16xf32>
    %slice3A_475 = vector.extract_strided_slice %get3A_1 {offsets = [8, 0], sizes = [1, 16], strides = [1, 1]} : vector<26x16xf32> to vector<1x16xf32>
    %add3A_476 = vector.broadcast %slice3A_475 : vector<1x16xf32> to vector<1024x16xf32>
    %add3A_477 = arith.addf %dot_general3A_474, %add3A_476 : vector<1024x16xf32>
    %mul3A_478 = arith.constant 5.000000e-01 : f32
    %mul3A_479 = vector.broadcast %mul3A_478 : f32 to vector<1024x16xf32>
    %mul3A_480 = arith.mulf %mul3A_479, %add3A_477 : vector<1024x16xf32>
    %mul3A_481 = arith.constant 0.707106769 : f32
    %mul3A_482 = vector.broadcast %mul3A_481 : f32 to vector<1024x16xf32>
    %mul3A_483 = arith.mulf %add3A_477, %mul3A_482 : vector<1024x16xf32>
    %erf3A_484 = math.erf %mul3A_483 : vector<1024x16xf32>
    %add3A_485 = arith.constant 1.000000e+00 : f32
    %add3A_486 = vector.broadcast %add3A_485 : f32 to vector<1024x16xf32>
    %add3A_487 = arith.addf %add3A_486, %erf3A_484 : vector<1024x16xf32>
    %mul3A_488 = arith.mulf %mul3A_480, %add3A_487 : vector<1024x16xf32>
    %convert_element_type3A_489 = arith.truncf %mul3A_488 : vector<1024x16xf32> to vector<1024x16xbf16>
    %get3A_490 = arith.constant 8 : index
    %get3A_491 = arith.constant 0 : index
    %get3A_492 = arith.constant 0 : index
    %get3A_493 = vector.load %arg4[%get3A_490, %get3A_491, %get3A_492] : memref<26x16x416xbf16, #tpu.memory_space<vmem>>, vector<1x16x416xbf16>
    %get3A_494 = vector.shape_cast %get3A_493 : vector<1x16x416xbf16> to vector<16x416xbf16>
    %dot_general3A_495 = arith.constant dense<0.000000e+00> : vector<1024x416xf32>
    %dot_general3A_496 = tpu.matmul %convert_element_type3A_489, %get3A_494, %dot_general3A_495 {dimension_numbers = #tpu.dot_dimension_numbers<[1], [0], [0], [1], [0, 0, 1, 1], [], []>, transpose_lhs_hint = false} : vector<1024x16xbf16>, vector<16x416xbf16>, vector<1024x416xf32> -> vector<1024x416xf32>
    %add3A_497 = arith.addf %add3A_441, %dot_general3A_496 : vector<1024x416xf32>
    %get3A_498 = arith.constant 1152 : index
    %get3A_499 = arith.constant 0 : index
    %get3A_500 = vector.load %arg1[%get3A_498, %get3A_499] : memref<3328x1024xf32, #tpu.memory_space<vmem>>, vector<100x1024xf32>
    %reduce_sum3A_501 = arith.constant dense<0.000000e+00> : vector<1024xf32>
    %reduce_sum3A_502 = vector.multi_reduction <add>, %get3A_500, %reduce_sum3A_501 [0] : vector<100x1024xf32> to vector<1024xf32>
    %broadcast_in_dim3A_503 = vector.shape_cast %reduce_sum3A_502 : vector<1024xf32> to vector<1x1024xf32>
    %mul3A_504 = arith.mulf %get3A_500, %get3A_500 : vector<100x1024xf32>
    %reduce_sum3A_505 = arith.constant dense<0.000000e+00> : vector<1024xf32>
    %reduce_sum3A_506 = vector.multi_reduction <add>, %mul3A_504, %reduce_sum3A_505 [0] : vector<100x1024xf32> to vector<1024xf32>
    %broadcast_in_dim3A_507 = vector.shape_cast %reduce_sum3A_506 : vector<1024xf32> to vector<1x1024xf32>
    %mul3A_508 = arith.constant 0.00999999977 : f32
    %mul3A_509 = vector.broadcast %mul3A_508 : f32 to vector<1x1024xf32>
    %mul3A_510 = arith.mulf %broadcast_in_dim3A_503, %mul3A_509 : vector<1x1024xf32>
    %mul3A_511 = arith.constant 0.00999999977 : f32
    %mul3A_512 = vector.broadcast %mul3A_511 : f32 to vector<1x1024xf32>
    %mul3A_513 = arith.mulf %broadcast_in_dim3A_507, %mul3A_512 : vector<1x1024xf32>
    %mul3A_514 = arith.mulf %mul3A_510, %mul3A_510 : vector<1x1024xf32>
    %sub3A_515 = arith.subf %mul3A_513, %mul3A_514 : vector<1x1024xf32>
    %sub3A_516 = vector.broadcast %mul3A_510 : vector<1x1024xf32> to vector<100x1024xf32>
    %sub3A_517 = arith.subf %get3A_500, %sub3A_516 : vector<100x1024xf32>
    %add3A_518 = arith.constant 9.99999974E-6 : f32
    %add3A_519 = vector.broadcast %add3A_518 : f32 to vector<1x1024xf32>
    %add3A_520 = arith.addf %sub3A_515, %add3A_519 : vector<1x1024xf32>
    %rsqrt3A_521 = math.rsqrt %add3A_520 : vector<1x1024xf32>
    %mul3A_522 = vector.broadcast %rsqrt3A_521 : vector<1x1024xf32> to vector<100x1024xf32>
    %mul3A_523 = arith.mulf %sub3A_517, %mul3A_522 : vector<100x1024xf32>
    %get3A_524 = arith.constant 9 : index
    %get3A_525 = arith.constant 0 : index
    %get3A_526 = arith.constant 0 : index
    %get3A_527 = vector.load %arg2[%get3A_524, %get3A_525, %get3A_526] : memref<26x100x16xf32, #tpu.memory_space<vmem>>, vector<1x100x16xf32>
    %get3A_528 = vector.shape_cast %get3A_527 : vector<1x100x16xf32> to vector<100x16xf32>
    %dot_general3A_529 = arith.constant dense<0.000000e+00> : vector<1024x16xf32>
    %dot_general3A_530 = tpu.matmul %mul3A_523, %get3A_528, %dot_general3A_529 {dimension_numbers = #tpu.dot_dimension_numbers<[0], [0], [1], [1], [0, 1, 1, 1], [], []>, transpose_lhs_hint = false} : vector<100x1024xf32>, vector<100x16xf32>, vector<1024x16xf32> -> vector<1024x16xf32>
    %slice3A_531 = vector.extract_strided_slice %get3A_1 {offsets = [9, 0], sizes = [1, 16], strides = [1, 1]} : vector<26x16xf32> to vector<1x16xf32>
    %add3A_532 = vector.broadcast %slice3A_531 : vector<1x16xf32> to vector<1024x16xf32>
    %add3A_533 = arith.addf %dot_general3A_530, %add3A_532 : vector<1024x16xf32>
    %mul3A_534 = arith.constant 5.000000e-01 : f32
    %mul3A_535 = vector.broadcast %mul3A_534 : f32 to vector<1024x16xf32>
    %mul3A_536 = arith.mulf %mul3A_535, %add3A_533 : vector<1024x16xf32>
    %mul3A_537 = arith.constant 0.707106769 : f32
    %mul3A_538 = vector.broadcast %mul3A_537 : f32 to vector<1024x16xf32>
    %mul3A_539 = arith.mulf %add3A_533, %mul3A_538 : vector<1024x16xf32>
    %erf3A_540 = math.erf %mul3A_539 : vector<1024x16xf32>
    %add3A_541 = arith.constant 1.000000e+00 : f32
    %add3A_542 = vector.broadcast %add3A_541 : f32 to vector<1024x16xf32>
    %add3A_543 = arith.addf %add3A_542, %erf3A_540 : vector<1024x16xf32>
    %mul3A_544 = arith.mulf %mul3A_536, %add3A_543 : vector<1024x16xf32>
    %convert_element_type3A_545 = arith.truncf %mul3A_544 : vector<1024x16xf32> to vector<1024x16xbf16>
    %get3A_546 = arith.constant 9 : index
    %get3A_547 = arith.constant 0 : index
    %get3A_548 = arith.constant 0 : index
    %get3A_549 = vector.load %arg4[%get3A_546, %get3A_547, %get3A_548] : memref<26x16x416xbf16, #tpu.memory_space<vmem>>, vector<1x16x416xbf16>
    %get3A_550 = vector.shape_cast %get3A_549 : vector<1x16x416xbf16> to vector<16x416xbf16>
    %dot_general3A_551 = arith.constant dense<0.000000e+00> : vector<1024x416xf32>
    %dot_general3A_552 = tpu.matmul %convert_element_type3A_545, %get3A_550, %dot_general3A_551 {dimension_numbers = #tpu.dot_dimension_numbers<[1], [0], [0], [1], [0, 0, 1, 1], [], []>, transpose_lhs_hint = false} : vector<1024x16xbf16>, vector<16x416xbf16>, vector<1024x416xf32> -> vector<1024x416xf32>
    %add3A_553 = arith.addf %add3A_497, %dot_general3A_552 : vector<1024x416xf32>
    %get3A_554 = arith.constant 1280 : index
    %get3A_555 = arith.constant 0 : index
    %get3A_556 = vector.load %arg1[%get3A_554, %get3A_555] : memref<3328x1024xf32, #tpu.memory_space<vmem>>, vector<100x1024xf32>
    %reduce_sum3A_557 = arith.constant dense<0.000000e+00> : vector<1024xf32>
    %reduce_sum3A_558 = vector.multi_reduction <add>, %get3A_556, %reduce_sum3A_557 [0] : vector<100x1024xf32> to vector<1024xf32>
    %broadcast_in_dim3A_559 = vector.shape_cast %reduce_sum3A_558 : vector<1024xf32> to vector<1x1024xf32>
    %mul3A_560 = arith.mulf %get3A_556, %get3A_556 : vector<100x1024xf32>
    %reduce_sum3A_561 = arith.constant dense<0.000000e+00> : vector<1024xf32>
    %reduce_sum3A_562 = vector.multi_reduction <add>, %mul3A_560, %reduce_sum3A_561 [0] : vector<100x1024xf32> to vector<1024xf32>
    %broadcast_in_dim3A_563 = vector.shape_cast %reduce_sum3A_562 : vector<1024xf32> to vector<1x1024xf32>
    %mul3A_564 = arith.constant 0.00999999977 : f32
    %mul3A_565 = vector.broadcast %mul3A_564 : f32 to vector<1x1024xf32>
    %mul3A_566 = arith.mulf %broadcast_in_dim3A_559, %mul3A_565 : vector<1x1024xf32>
    %mul3A_567 = arith.constant 0.00999999977 : f32
    %mul3A_568 = vector.broadcast %mul3A_567 : f32 to vector<1x1024xf32>
    %mul3A_569 = arith.mulf %broadcast_in_dim3A_563, %mul3A_568 : vector<1x1024xf32>
    %mul3A_570 = arith.mulf %mul3A_566, %mul3A_566 : vector<1x1024xf32>
    %sub3A_571 = arith.subf %mul3A_569, %mul3A_570 : vector<1x1024xf32>
    %sub3A_572 = vector.broadcast %mul3A_566 : vector<1x1024xf32> to vector<100x1024xf32>
    %sub3A_573 = arith.subf %get3A_556, %sub3A_572 : vector<100x1024xf32>
    %add3A_574 = arith.constant 9.99999974E-6 : f32
    %add3A_575 = vector.broadcast %add3A_574 : f32 to vector<1x1024xf32>
    %add3A_576 = arith.addf %sub3A_571, %add3A_575 : vector<1x1024xf32>
    %rsqrt3A_577 = math.rsqrt %add3A_576 : vector<1x1024xf32>
    %mul3A_578 = vector.broadcast %rsqrt3A_577 : vector<1x1024xf32> to vector<100x1024xf32>
    %mul3A_579 = arith.mulf %sub3A_573, %mul3A_578 : vector<100x1024xf32>
    %get3A_580 = arith.constant 10 : index
    %get3A_581 = arith.constant 0 : index
    %get3A_582 = arith.constant 0 : index
    %get3A_583 = vector.load %arg2[%get3A_580, %get3A_581, %get3A_582] : memref<26x100x16xf32, #tpu.memory_space<vmem>>, vector<1x100x16xf32>
    %get3A_584 = vector.shape_cast %get3A_583 : vector<1x100x16xf32> to vector<100x16xf32>
    %dot_general3A_585 = arith.constant dense<0.000000e+00> : vector<1024x16xf32>
    %dot_general3A_586 = tpu.matmul %mul3A_579, %get3A_584, %dot_general3A_585 {dimension_numbers = #tpu.dot_dimension_numbers<[0], [0], [1], [1], [0, 1, 1, 1], [], []>, transpose_lhs_hint = false} : vector<100x1024xf32>, vector<100x16xf32>, vector<1024x16xf32> -> vector<1024x16xf32>
    %slice3A_587 = vector.extract_strided_slice %get3A_1 {offsets = [10, 0], sizes = [1, 16], strides = [1, 1]} : vector<26x16xf32> to vector<1x16xf32>
    %add3A_588 = vector.broadcast %slice3A_587 : vector<1x16xf32> to vector<1024x16xf32>
    %add3A_589 = arith.addf %dot_general3A_586, %add3A_588 : vector<1024x16xf32>
    %mul3A_590 = arith.constant 5.000000e-01 : f32
    %mul3A_591 = vector.broadcast %mul3A_590 : f32 to vector<1024x16xf32>
    %mul3A_592 = arith.mulf %mul3A_591, %add3A_589 : vector<1024x16xf32>
    %mul3A_593 = arith.constant 0.707106769 : f32
    %mul3A_594 = vector.broadcast %mul3A_593 : f32 to vector<1024x16xf32>
    %mul3A_595 = arith.mulf %add3A_589, %mul3A_594 : vector<1024x16xf32>
    %erf3A_596 = math.erf %mul3A_595 : vector<1024x16xf32>
    %add3A_597 = arith.constant 1.000000e+00 : f32
    %add3A_598 = vector.broadcast %add3A_597 : f32 to vector<1024x16xf32>
    %add3A_599 = arith.addf %add3A_598, %erf3A_596 : vector<1024x16xf32>
    %mul3A_600 = arith.mulf %mul3A_592, %add3A_599 : vector<1024x16xf32>
    %convert_element_type3A_601 = arith.truncf %mul3A_600 : vector<1024x16xf32> to vector<1024x16xbf16>
    %get3A_602 = arith.constant 10 : index
    %get3A_603 = arith.constant 0 : index
    %get3A_604 = arith.constant 0 : index
    %get3A_605 = vector.load %arg4[%get3A_602, %get3A_603, %get3A_604] : memref<26x16x416xbf16, #tpu.memory_space<vmem>>, vector<1x16x416xbf16>
    %get3A_606 = vector.shape_cast %get3A_605 : vector<1x16x416xbf16> to vector<16x416xbf16>
    %dot_general3A_607 = arith.constant dense<0.000000e+00> : vector<1024x416xf32>
    %dot_general3A_608 = tpu.matmul %convert_element_type3A_601, %get3A_606, %dot_general3A_607 {dimension_numbers = #tpu.dot_dimension_numbers<[1], [0], [0], [1], [0, 0, 1, 1], [], []>, transpose_lhs_hint = false} : vector<1024x16xbf16>, vector<16x416xbf16>, vector<1024x416xf32> -> vector<1024x416xf32>
    %add3A_609 = arith.addf %add3A_553, %dot_general3A_608 : vector<1024x416xf32>
    %get3A_610 = arith.constant 1408 : index
    %get3A_611 = arith.constant 0 : index
    %get3A_612 = vector.load %arg1[%get3A_610, %get3A_611] : memref<3328x1024xf32, #tpu.memory_space<vmem>>, vector<100x1024xf32>
    %reduce_sum3A_613 = arith.constant dense<0.000000e+00> : vector<1024xf32>
    %reduce_sum3A_614 = vector.multi_reduction <add>, %get3A_612, %reduce_sum3A_613 [0] : vector<100x1024xf32> to vector<1024xf32>
    %broadcast_in_dim3A_615 = vector.shape_cast %reduce_sum3A_614 : vector<1024xf32> to vector<1x1024xf32>
    %mul3A_616 = arith.mulf %get3A_612, %get3A_612 : vector<100x1024xf32>
    %reduce_sum3A_617 = arith.constant dense<0.000000e+00> : vector<1024xf32>
    %reduce_sum3A_618 = vector.multi_reduction <add>, %mul3A_616, %reduce_sum3A_617 [0] : vector<100x1024xf32> to vector<1024xf32>
    %broadcast_in_dim3A_619 = vector.shape_cast %reduce_sum3A_618 : vector<1024xf32> to vector<1x1024xf32>
    %mul3A_620 = arith.constant 0.00999999977 : f32
    %mul3A_621 = vector.broadcast %mul3A_620 : f32 to vector<1x1024xf32>
    %mul3A_622 = arith.mulf %broadcast_in_dim3A_615, %mul3A_621 : vector<1x1024xf32>
    %mul3A_623 = arith.constant 0.00999999977 : f32
    %mul3A_624 = vector.broadcast %mul3A_623 : f32 to vector<1x1024xf32>
    %mul3A_625 = arith.mulf %broadcast_in_dim3A_619, %mul3A_624 : vector<1x1024xf32>
    %mul3A_626 = arith.mulf %mul3A_622, %mul3A_622 : vector<1x1024xf32>
    %sub3A_627 = arith.subf %mul3A_625, %mul3A_626 : vector<1x1024xf32>
    %sub3A_628 = vector.broadcast %mul3A_622 : vector<1x1024xf32> to vector<100x1024xf32>
    %sub3A_629 = arith.subf %get3A_612, %sub3A_628 : vector<100x1024xf32>
    %add3A_630 = arith.constant 9.99999974E-6 : f32
    %add3A_631 = vector.broadcast %add3A_630 : f32 to vector<1x1024xf32>
    %add3A_632 = arith.addf %sub3A_627, %add3A_631 : vector<1x1024xf32>
    %rsqrt3A_633 = math.rsqrt %add3A_632 : vector<1x1024xf32>
    %mul3A_634 = vector.broadcast %rsqrt3A_633 : vector<1x1024xf32> to vector<100x1024xf32>
    %mul3A_635 = arith.mulf %sub3A_629, %mul3A_634 : vector<100x1024xf32>
    %get3A_636 = arith.constant 11 : index
    %get3A_637 = arith.constant 0 : index
    %get3A_638 = arith.constant 0 : index
    %get3A_639 = vector.load %arg2[%get3A_636, %get3A_637, %get3A_638] : memref<26x100x16xf32, #tpu.memory_space<vmem>>, vector<1x100x16xf32>
    %get3A_640 = vector.shape_cast %get3A_639 : vector<1x100x16xf32> to vector<100x16xf32>
    %dot_general3A_641 = arith.constant dense<0.000000e+00> : vector<1024x16xf32>
    %dot_general3A_642 = tpu.matmul %mul3A_635, %get3A_640, %dot_general3A_641 {dimension_numbers = #tpu.dot_dimension_numbers<[0], [0], [1], [1], [0, 1, 1, 1], [], []>, transpose_lhs_hint = false} : vector<100x1024xf32>, vector<100x16xf32>, vector<1024x16xf32> -> vector<1024x16xf32>
    %slice3A_643 = vector.extract_strided_slice %get3A_1 {offsets = [11, 0], sizes = [1, 16], strides = [1, 1]} : vector<26x16xf32> to vector<1x16xf32>
    %add3A_644 = vector.broadcast %slice3A_643 : vector<1x16xf32> to vector<1024x16xf32>
    %add3A_645 = arith.addf %dot_general3A_642, %add3A_644 : vector<1024x16xf32>
    %mul3A_646 = arith.constant 5.000000e-01 : f32
    %mul3A_647 = vector.broadcast %mul3A_646 : f32 to vector<1024x16xf32>
    %mul3A_648 = arith.mulf %mul3A_647, %add3A_645 : vector<1024x16xf32>
    %mul3A_649 = arith.constant 0.707106769 : f32
    %mul3A_650 = vector.broadcast %mul3A_649 : f32 to vector<1024x16xf32>
    %mul3A_651 = arith.mulf %add3A_645, %mul3A_650 : vector<1024x16xf32>
    %erf3A_652 = math.erf %mul3A_651 : vector<1024x16xf32>
    %add3A_653 = arith.constant 1.000000e+00 : f32
    %add3A_654 = vector.broadcast %add3A_653 : f32 to vector<1024x16xf32>
    %add3A_655 = arith.addf %add3A_654, %erf3A_652 : vector<1024x16xf32>
    %mul3A_656 = arith.mulf %mul3A_648, %add3A_655 : vector<1024x16xf32>
    %convert_element_type3A_657 = arith.truncf %mul3A_656 : vector<1024x16xf32> to vector<1024x16xbf16>
    %get3A_658 = arith.constant 11 : index
    %get3A_659 = arith.constant 0 : index
    %get3A_660 = arith.constant 0 : index
    %get3A_661 = vector.load %arg4[%get3A_658, %get3A_659, %get3A_660] : memref<26x16x416xbf16, #tpu.memory_space<vmem>>, vector<1x16x416xbf16>
    %get3A_662 = vector.shape_cast %get3A_661 : vector<1x16x416xbf16> to vector<16x416xbf16>
    %dot_general3A_663 = arith.constant dense<0.000000e+00> : vector<1024x416xf32>
    %dot_general3A_664 = tpu.matmul %convert_element_type3A_657, %get3A_662, %dot_general3A_663 {dimension_numbers = #tpu.dot_dimension_numbers<[1], [0], [0], [1], [0, 0, 1, 1], [], []>, transpose_lhs_hint = false} : vector<1024x16xbf16>, vector<16x416xbf16>, vector<1024x416xf32> -> vector<1024x416xf32>
    %add3A_665 = arith.addf %add3A_609, %dot_general3A_664 : vector<1024x416xf32>
    %get3A_666 = arith.constant 1536 : index
    %get3A_667 = arith.constant 0 : index
    %get3A_668 = vector.load %arg1[%get3A_666, %get3A_667] : memref<3328x1024xf32, #tpu.memory_space<vmem>>, vector<100x1024xf32>
    %reduce_sum3A_669 = arith.constant dense<0.000000e+00> : vector<1024xf32>
    %reduce_sum3A_670 = vector.multi_reduction <add>, %get3A_668, %reduce_sum3A_669 [0] : vector<100x1024xf32> to vector<1024xf32>
    %broadcast_in_dim3A_671 = vector.shape_cast %reduce_sum3A_670 : vector<1024xf32> to vector<1x1024xf32>
    %mul3A_672 = arith.mulf %get3A_668, %get3A_668 : vector<100x1024xf32>
    %reduce_sum3A_673 = arith.constant dense<0.000000e+00> : vector<1024xf32>
    %reduce_sum3A_674 = vector.multi_reduction <add>, %mul3A_672, %reduce_sum3A_673 [0] : vector<100x1024xf32> to vector<1024xf32>
    %broadcast_in_dim3A_675 = vector.shape_cast %reduce_sum3A_674 : vector<1024xf32> to vector<1x1024xf32>
    %mul3A_676 = arith.constant 0.00999999977 : f32
    %mul3A_677 = vector.broadcast %mul3A_676 : f32 to vector<1x1024xf32>
    %mul3A_678 = arith.mulf %broadcast_in_dim3A_671, %mul3A_677 : vector<1x1024xf32>
    %mul3A_679 = arith.constant 0.00999999977 : f32
    %mul3A_680 = vector.broadcast %mul3A_679 : f32 to vector<1x1024xf32>
    %mul3A_681 = arith.mulf %broadcast_in_dim3A_675, %mul3A_680 : vector<1x1024xf32>
    %mul3A_682 = arith.mulf %mul3A_678, %mul3A_678 : vector<1x1024xf32>
    %sub3A_683 = arith.subf %mul3A_681, %mul3A_682 : vector<1x1024xf32>
    %sub3A_684 = vector.broadcast %mul3A_678 : vector<1x1024xf32> to vector<100x1024xf32>
    %sub3A_685 = arith.subf %get3A_668, %sub3A_684 : vector<100x1024xf32>
    %add3A_686 = arith.constant 9.99999974E-6 : f32
    %add3A_687 = vector.broadcast %add3A_686 : f32 to vector<1x1024xf32>
    %add3A_688 = arith.addf %sub3A_683, %add3A_687 : vector<1x1024xf32>
    %rsqrt3A_689 = math.rsqrt %add3A_688 : vector<1x1024xf32>
    %mul3A_690 = vector.broadcast %rsqrt3A_689 : vector<1x1024xf32> to vector<100x1024xf32>
    %mul3A_691 = arith.mulf %sub3A_685, %mul3A_690 : vector<100x1024xf32>
    %get3A_692 = arith.constant 12 : index
    %get3A_693 = arith.constant 0 : index
    %get3A_694 = arith.constant 0 : index
    %get3A_695 = vector.load %arg2[%get3A_692, %get3A_693, %get3A_694] : memref<26x100x16xf32, #tpu.memory_space<vmem>>, vector<1x100x16xf32>
    %get3A_696 = vector.shape_cast %get3A_695 : vector<1x100x16xf32> to vector<100x16xf32>
    %dot_general3A_697 = arith.constant dense<0.000000e+00> : vector<1024x16xf32>
    %dot_general3A_698 = tpu.matmul %mul3A_691, %get3A_696, %dot_general3A_697 {dimension_numbers = #tpu.dot_dimension_numbers<[0], [0], [1], [1], [0, 1, 1, 1], [], []>, transpose_lhs_hint = false} : vector<100x1024xf32>, vector<100x16xf32>, vector<1024x16xf32> -> vector<1024x16xf32>
    %slice3A_699 = vector.extract_strided_slice %get3A_1 {offsets = [12, 0], sizes = [1, 16], strides = [1, 1]} : vector<26x16xf32> to vector<1x16xf32>
    %add3A_700 = vector.broadcast %slice3A_699 : vector<1x16xf32> to vector<1024x16xf32>
    %add3A_701 = arith.addf %dot_general3A_698, %add3A_700 : vector<1024x16xf32>
    %mul3A_702 = arith.constant 5.000000e-01 : f32
    %mul3A_703 = vector.broadcast %mul3A_702 : f32 to vector<1024x16xf32>
    %mul3A_704 = arith.mulf %mul3A_703, %add3A_701 : vector<1024x16xf32>
    %mul3A_705 = arith.constant 0.707106769 : f32
    %mul3A_706 = vector.broadcast %mul3A_705 : f32 to vector<1024x16xf32>
    %mul3A_707 = arith.mulf %add3A_701, %mul3A_706 : vector<1024x16xf32>
    %erf3A_708 = math.erf %mul3A_707 : vector<1024x16xf32>
    %add3A_709 = arith.constant 1.000000e+00 : f32
    %add3A_710 = vector.broadcast %add3A_709 : f32 to vector<1024x16xf32>
    %add3A_711 = arith.addf %add3A_710, %erf3A_708 : vector<1024x16xf32>
    %mul3A_712 = arith.mulf %mul3A_704, %add3A_711 : vector<1024x16xf32>
    %convert_element_type3A_713 = arith.truncf %mul3A_712 : vector<1024x16xf32> to vector<1024x16xbf16>
    %get3A_714 = arith.constant 12 : index
    %get3A_715 = arith.constant 0 : index
    %get3A_716 = arith.constant 0 : index
    %get3A_717 = vector.load %arg4[%get3A_714, %get3A_715, %get3A_716] : memref<26x16x416xbf16, #tpu.memory_space<vmem>>, vector<1x16x416xbf16>
    %get3A_718 = vector.shape_cast %get3A_717 : vector<1x16x416xbf16> to vector<16x416xbf16>
    %dot_general3A_719 = arith.constant dense<0.000000e+00> : vector<1024x416xf32>
    %dot_general3A_720 = tpu.matmul %convert_element_type3A_713, %get3A_718, %dot_general3A_719 {dimension_numbers = #tpu.dot_dimension_numbers<[1], [0], [0], [1], [0, 0, 1, 1], [], []>, transpose_lhs_hint = false} : vector<1024x16xbf16>, vector<16x416xbf16>, vector<1024x416xf32> -> vector<1024x416xf32>
    %add3A_721 = arith.addf %add3A_665, %dot_general3A_720 : vector<1024x416xf32>
    %get3A_722 = arith.constant 1664 : index
    %get3A_723 = arith.constant 0 : index
    %get3A_724 = vector.load %arg1[%get3A_722, %get3A_723] : memref<3328x1024xf32, #tpu.memory_space<vmem>>, vector<100x1024xf32>
    %reduce_sum3A_725 = arith.constant dense<0.000000e+00> : vector<1024xf32>
    %reduce_sum3A_726 = vector.multi_reduction <add>, %get3A_724, %reduce_sum3A_725 [0] : vector<100x1024xf32> to vector<1024xf32>
    %broadcast_in_dim3A_727 = vector.shape_cast %reduce_sum3A_726 : vector<1024xf32> to vector<1x1024xf32>
    %mul3A_728 = arith.mulf %get3A_724, %get3A_724 : vector<100x1024xf32>
    %reduce_sum3A_729 = arith.constant dense<0.000000e+00> : vector<1024xf32>
    %reduce_sum3A_730 = vector.multi_reduction <add>, %mul3A_728, %reduce_sum3A_729 [0] : vector<100x1024xf32> to vector<1024xf32>
    %broadcast_in_dim3A_731 = vector.shape_cast %reduce_sum3A_730 : vector<1024xf32> to vector<1x1024xf32>
    %mul3A_732 = arith.constant 0.00999999977 : f32
    %mul3A_733 = vector.broadcast %mul3A_732 : f32 to vector<1x1024xf32>
    %mul3A_734 = arith.mulf %broadcast_in_dim3A_727, %mul3A_733 : vector<1x1024xf32>
    %mul3A_735 = arith.constant 0.00999999977 : f32
    %mul3A_736 = vector.broadcast %mul3A_735 : f32 to vector<1x1024xf32>
    %mul3A_737 = arith.mulf %broadcast_in_dim3A_731, %mul3A_736 : vector<1x1024xf32>
    %mul3A_738 = arith.mulf %mul3A_734, %mul3A_734 : vector<1x1024xf32>
    %sub3A_739 = arith.subf %mul3A_737, %mul3A_738 : vector<1x1024xf32>
    %sub3A_740 = vector.broadcast %mul3A_734 : vector<1x1024xf32> to vector<100x1024xf32>
    %sub3A_741 = arith.subf %get3A_724, %sub3A_740 : vector<100x1024xf32>
    %add3A_742 = arith.constant 9.99999974E-6 : f32
    %add3A_743 = vector.broadcast %add3A_742 : f32 to vector<1x1024xf32>
    %add3A_744 = arith.addf %sub3A_739, %add3A_743 : vector<1x1024xf32>
    %rsqrt3A_745 = math.rsqrt %add3A_744 : vector<1x1024xf32>
    %mul3A_746 = vector.broadcast %rsqrt3A_745 : vector<1x1024xf32> to vector<100x1024xf32>
    %mul3A_747 = arith.mulf %sub3A_741, %mul3A_746 : vector<100x1024xf32>
    %get3A_748 = arith.constant 13 : index
    %get3A_749 = arith.constant 0 : index
    %get3A_750 = arith.constant 0 : index
    %get3A_751 = vector.load %arg2[%get3A_748, %get3A_749, %get3A_750] : memref<26x100x16xf32, #tpu.memory_space<vmem>>, vector<1x100x16xf32>
    %get3A_752 = vector.shape_cast %get3A_751 : vector<1x100x16xf32> to vector<100x16xf32>
    %dot_general3A_753 = arith.constant dense<0.000000e+00> : vector<1024x16xf32>
    %dot_general3A_754 = tpu.matmul %mul3A_747, %get3A_752, %dot_general3A_753 {dimension_numbers = #tpu.dot_dimension_numbers<[0], [0], [1], [1], [0, 1, 1, 1], [], []>, transpose_lhs_hint = false} : vector<100x1024xf32>, vector<100x16xf32>, vector<1024x16xf32> -> vector<1024x16xf32>
    %slice3A_755 = vector.extract_strided_slice %get3A_1 {offsets = [13, 0], sizes = [1, 16], strides = [1, 1]} : vector<26x16xf32> to vector<1x16xf32>
    %add3A_756 = vector.broadcast %slice3A_755 : vector<1x16xf32> to vector<1024x16xf32>
    %add3A_757 = arith.addf %dot_general3A_754, %add3A_756 : vector<1024x16xf32>
    %mul3A_758 = arith.constant 5.000000e-01 : f32
    %mul3A_759 = vector.broadcast %mul3A_758 : f32 to vector<1024x16xf32>
    %mul3A_760 = arith.mulf %mul3A_759, %add3A_757 : vector<1024x16xf32>
    %mul3A_761 = arith.constant 0.707106769 : f32
    %mul3A_762 = vector.broadcast %mul3A_761 : f32 to vector<1024x16xf32>
    %mul3A_763 = arith.mulf %add3A_757, %mul3A_762 : vector<1024x16xf32>
    %erf3A_764 = math.erf %mul3A_763 : vector<1024x16xf32>
    %add3A_765 = arith.constant 1.000000e+00 : f32
    %add3A_766 = vector.broadcast %add3A_765 : f32 to vector<1024x16xf32>
    %add3A_767 = arith.addf %add3A_766, %erf3A_764 : vector<1024x16xf32>
    %mul3A_768 = arith.mulf %mul3A_760, %add3A_767 : vector<1024x16xf32>
    %convert_element_type3A_769 = arith.truncf %mul3A_768 : vector<1024x16xf32> to vector<1024x16xbf16>
    %get3A_770 = arith.constant 13 : index
    %get3A_771 = arith.constant 0 : index
    %get3A_772 = arith.constant 0 : index
    %get3A_773 = vector.load %arg4[%get3A_770, %get3A_771, %get3A_772] : memref<26x16x416xbf16, #tpu.memory_space<vmem>>, vector<1x16x416xbf16>
    %get3A_774 = vector.shape_cast %get3A_773 : vector<1x16x416xbf16> to vector<16x416xbf16>
    %dot_general3A_775 = arith.constant dense<0.000000e+00> : vector<1024x416xf32>
    %dot_general3A_776 = tpu.matmul %convert_element_type3A_769, %get3A_774, %dot_general3A_775 {dimension_numbers = #tpu.dot_dimension_numbers<[1], [0], [0], [1], [0, 0, 1, 1], [], []>, transpose_lhs_hint = false} : vector<1024x16xbf16>, vector<16x416xbf16>, vector<1024x416xf32> -> vector<1024x416xf32>
    %add3A_777 = arith.addf %add3A_721, %dot_general3A_776 : vector<1024x416xf32>
    %get3A_778 = arith.constant 1792 : index
    %get3A_779 = arith.constant 0 : index
    %get3A_780 = vector.load %arg1[%get3A_778, %get3A_779] : memref<3328x1024xf32, #tpu.memory_space<vmem>>, vector<100x1024xf32>
    %reduce_sum3A_781 = arith.constant dense<0.000000e+00> : vector<1024xf32>
    %reduce_sum3A_782 = vector.multi_reduction <add>, %get3A_780, %reduce_sum3A_781 [0] : vector<100x1024xf32> to vector<1024xf32>
    %broadcast_in_dim3A_783 = vector.shape_cast %reduce_sum3A_782 : vector<1024xf32> to vector<1x1024xf32>
    %mul3A_784 = arith.mulf %get3A_780, %get3A_780 : vector<100x1024xf32>
    %reduce_sum3A_785 = arith.constant dense<0.000000e+00> : vector<1024xf32>
    %reduce_sum3A_786 = vector.multi_reduction <add>, %mul3A_784, %reduce_sum3A_785 [0] : vector<100x1024xf32> to vector<1024xf32>
    %broadcast_in_dim3A_787 = vector.shape_cast %reduce_sum3A_786 : vector<1024xf32> to vector<1x1024xf32>
    %mul3A_788 = arith.constant 0.00999999977 : f32
    %mul3A_789 = vector.broadcast %mul3A_788 : f32 to vector<1x1024xf32>
    %mul3A_790 = arith.mulf %broadcast_in_dim3A_783, %mul3A_789 : vector<1x1024xf32>
    %mul3A_791 = arith.constant 0.00999999977 : f32
    %mul3A_792 = vector.broadcast %mul3A_791 : f32 to vector<1x1024xf32>
    %mul3A_793 = arith.mulf %broadcast_in_dim3A_787, %mul3A_792 : vector<1x1024xf32>
    %mul3A_794 = arith.mulf %mul3A_790, %mul3A_790 : vector<1x1024xf32>
    %sub3A_795 = arith.subf %mul3A_793, %mul3A_794 : vector<1x1024xf32>
    %sub3A_796 = vector.broadcast %mul3A_790 : vector<1x1024xf32> to vector<100x1024xf32>
    %sub3A_797 = arith.subf %get3A_780, %sub3A_796 : vector<100x1024xf32>
    %add3A_798 = arith.constant 9.99999974E-6 : f32
    %add3A_799 = vector.broadcast %add3A_798 : f32 to vector<1x1024xf32>
    %add3A_800 = arith.addf %sub3A_795, %add3A_799 : vector<1x1024xf32>
    %rsqrt3A_801 = math.rsqrt %add3A_800 : vector<1x1024xf32>
    %mul3A_802 = vector.broadcast %rsqrt3A_801 : vector<1x1024xf32> to vector<100x1024xf32>
    %mul3A_803 = arith.mulf %sub3A_797, %mul3A_802 : vector<100x1024xf32>
    %get3A_804 = arith.constant 14 : index
    %get3A_805 = arith.constant 0 : index
    %get3A_806 = arith.constant 0 : index
    %get3A_807 = vector.load %arg2[%get3A_804, %get3A_805, %get3A_806] : memref<26x100x16xf32, #tpu.memory_space<vmem>>, vector<1x100x16xf32>
    %get3A_808 = vector.shape_cast %get3A_807 : vector<1x100x16xf32> to vector<100x16xf32>
    %dot_general3A_809 = arith.constant dense<0.000000e+00> : vector<1024x16xf32>
    %dot_general3A_810 = tpu.matmul %mul3A_803, %get3A_808, %dot_general3A_809 {dimension_numbers = #tpu.dot_dimension_numbers<[0], [0], [1], [1], [0, 1, 1, 1], [], []>, transpose_lhs_hint = false} : vector<100x1024xf32>, vector<100x16xf32>, vector<1024x16xf32> -> vector<1024x16xf32>
    %slice3A_811 = vector.extract_strided_slice %get3A_1 {offsets = [14, 0], sizes = [1, 16], strides = [1, 1]} : vector<26x16xf32> to vector<1x16xf32>
    %add3A_812 = vector.broadcast %slice3A_811 : vector<1x16xf32> to vector<1024x16xf32>
    %add3A_813 = arith.addf %dot_general3A_810, %add3A_812 : vector<1024x16xf32>
    %mul3A_814 = arith.constant 5.000000e-01 : f32
    %mul3A_815 = vector.broadcast %mul3A_814 : f32 to vector<1024x16xf32>
    %mul3A_816 = arith.mulf %mul3A_815, %add3A_813 : vector<1024x16xf32>
    %mul3A_817 = arith.constant 0.707106769 : f32
    %mul3A_818 = vector.broadcast %mul3A_817 : f32 to vector<1024x16xf32>
    %mul3A_819 = arith.mulf %add3A_813, %mul3A_818 : vector<1024x16xf32>
    %erf3A_820 = math.erf %mul3A_819 : vector<1024x16xf32>
    %add3A_821 = arith.constant 1.000000e+00 : f32
    %add3A_822 = vector.broadcast %add3A_821 : f32 to vector<1024x16xf32>
    %add3A_823 = arith.addf %add3A_822, %erf3A_820 : vector<1024x16xf32>
    %mul3A_824 = arith.mulf %mul3A_816, %add3A_823 : vector<1024x16xf32>
    %convert_element_type3A_825 = arith.truncf %mul3A_824 : vector<1024x16xf32> to vector<1024x16xbf16>
    %get3A_826 = arith.constant 14 : index
    %get3A_827 = arith.constant 0 : index
    %get3A_828 = arith.constant 0 : index
    %get3A_829 = vector.load %arg4[%get3A_826, %get3A_827, %get3A_828] : memref<26x16x416xbf16, #tpu.memory_space<vmem>>, vector<1x16x416xbf16>
    %get3A_830 = vector.shape_cast %get3A_829 : vector<1x16x416xbf16> to vector<16x416xbf16>
    %dot_general3A_831 = arith.constant dense<0.000000e+00> : vector<1024x416xf32>
    %dot_general3A_832 = tpu.matmul %convert_element_type3A_825, %get3A_830, %dot_general3A_831 {dimension_numbers = #tpu.dot_dimension_numbers<[1], [0], [0], [1], [0, 0, 1, 1], [], []>, transpose_lhs_hint = false} : vector<1024x16xbf16>, vector<16x416xbf16>, vector<1024x416xf32> -> vector<1024x416xf32>
    %add3A_833 = arith.addf %add3A_777, %dot_general3A_832 : vector<1024x416xf32>
    %get3A_834 = arith.constant 1920 : index
    %get3A_835 = arith.constant 0 : index
    %get3A_836 = vector.load %arg1[%get3A_834, %get3A_835] : memref<3328x1024xf32, #tpu.memory_space<vmem>>, vector<100x1024xf32>
    %reduce_sum3A_837 = arith.constant dense<0.000000e+00> : vector<1024xf32>
    %reduce_sum3A_838 = vector.multi_reduction <add>, %get3A_836, %reduce_sum3A_837 [0] : vector<100x1024xf32> to vector<1024xf32>
    %broadcast_in_dim3A_839 = vector.shape_cast %reduce_sum3A_838 : vector<1024xf32> to vector<1x1024xf32>
    %mul3A_840 = arith.mulf %get3A_836, %get3A_836 : vector<100x1024xf32>
    %reduce_sum3A_841 = arith.constant dense<0.000000e+00> : vector<1024xf32>
    %reduce_sum3A_842 = vector.multi_reduction <add>, %mul3A_840, %reduce_sum3A_841 [0] : vector<100x1024xf32> to vector<1024xf32>
    %broadcast_in_dim3A_843 = vector.shape_cast %reduce_sum3A_842 : vector<1024xf32> to vector<1x1024xf32>
    %mul3A_844 = arith.constant 0.00999999977 : f32
    %mul3A_845 = vector.broadcast %mul3A_844 : f32 to vector<1x1024xf32>
    %mul3A_846 = arith.mulf %broadcast_in_dim3A_839, %mul3A_845 : vector<1x1024xf32>
    %mul3A_847 = arith.constant 0.00999999977 : f32
    %mul3A_848 = vector.broadcast %mul3A_847 : f32 to vector<1x1024xf32>
    %mul3A_849 = arith.mulf %broadcast_in_dim3A_843, %mul3A_848 : vector<1x1024xf32>
    %mul3A_850 = arith.mulf %mul3A_846, %mul3A_846 : vector<1x1024xf32>
    %sub3A_851 = arith.subf %mul3A_849, %mul3A_850 : vector<1x1024xf32>
    %sub3A_852 = vector.broadcast %mul3A_846 : vector<1x1024xf32> to vector<100x1024xf32>
    %sub3A_853 = arith.subf %get3A_836, %sub3A_852 : vector<100x1024xf32>
    %add3A_854 = arith.constant 9.99999974E-6 : f32
    %add3A_855 = vector.broadcast %add3A_854 : f32 to vector<1x1024xf32>
    %add3A_856 = arith.addf %sub3A_851, %add3A_855 : vector<1x1024xf32>
    %rsqrt3A_857 = math.rsqrt %add3A_856 : vector<1x1024xf32>
    %mul3A_858 = vector.broadcast %rsqrt3A_857 : vector<1x1024xf32> to vector<100x1024xf32>
    %mul3A_859 = arith.mulf %sub3A_853, %mul3A_858 : vector<100x1024xf32>
    %get3A_860 = arith.constant 15 : index
    %get3A_861 = arith.constant 0 : index
    %get3A_862 = arith.constant 0 : index
    %get3A_863 = vector.load %arg2[%get3A_860, %get3A_861, %get3A_862] : memref<26x100x16xf32, #tpu.memory_space<vmem>>, vector<1x100x16xf32>
    %get3A_864 = vector.shape_cast %get3A_863 : vector<1x100x16xf32> to vector<100x16xf32>
    %dot_general3A_865 = arith.constant dense<0.000000e+00> : vector<1024x16xf32>
    %dot_general3A_866 = tpu.matmul %mul3A_859, %get3A_864, %dot_general3A_865 {dimension_numbers = #tpu.dot_dimension_numbers<[0], [0], [1], [1], [0, 1, 1, 1], [], []>, transpose_lhs_hint = false} : vector<100x1024xf32>, vector<100x16xf32>, vector<1024x16xf32> -> vector<1024x16xf32>
    %slice3A_867 = vector.extract_strided_slice %get3A_1 {offsets = [15, 0], sizes = [1, 16], strides = [1, 1]} : vector<26x16xf32> to vector<1x16xf32>
    %add3A_868 = vector.broadcast %slice3A_867 : vector<1x16xf32> to vector<1024x16xf32>
    %add3A_869 = arith.addf %dot_general3A_866, %add3A_868 : vector<1024x16xf32>
    %mul3A_870 = arith.constant 5.000000e-01 : f32
    %mul3A_871 = vector.broadcast %mul3A_870 : f32 to vector<1024x16xf32>
    %mul3A_872 = arith.mulf %mul3A_871, %add3A_869 : vector<1024x16xf32>
    %mul3A_873 = arith.constant 0.707106769 : f32
    %mul3A_874 = vector.broadcast %mul3A_873 : f32 to vector<1024x16xf32>
    %mul3A_875 = arith.mulf %add3A_869, %mul3A_874 : vector<1024x16xf32>
    %erf3A_876 = math.erf %mul3A_875 : vector<1024x16xf32>
    %add3A_877 = arith.constant 1.000000e+00 : f32
    %add3A_878 = vector.broadcast %add3A_877 : f32 to vector<1024x16xf32>
    %add3A_879 = arith.addf %add3A_878, %erf3A_876 : vector<1024x16xf32>
    %mul3A_880 = arith.mulf %mul3A_872, %add3A_879 : vector<1024x16xf32>
    %convert_element_type3A_881 = arith.truncf %mul3A_880 : vector<1024x16xf32> to vector<1024x16xbf16>
    %get3A_882 = arith.constant 15 : index
    %get3A_883 = arith.constant 0 : index
    %get3A_884 = arith.constant 0 : index
    %get3A_885 = vector.load %arg4[%get3A_882, %get3A_883, %get3A_884] : memref<26x16x416xbf16, #tpu.memory_space<vmem>>, vector<1x16x416xbf16>
    %get3A_886 = vector.shape_cast %get3A_885 : vector<1x16x416xbf16> to vector<16x416xbf16>
    %dot_general3A_887 = arith.constant dense<0.000000e+00> : vector<1024x416xf32>
    %dot_general3A_888 = tpu.matmul %convert_element_type3A_881, %get3A_886, %dot_general3A_887 {dimension_numbers = #tpu.dot_dimension_numbers<[1], [0], [0], [1], [0, 0, 1, 1], [], []>, transpose_lhs_hint = false} : vector<1024x16xbf16>, vector<16x416xbf16>, vector<1024x416xf32> -> vector<1024x416xf32>
    %add3A_889 = arith.addf %add3A_833, %dot_general3A_888 : vector<1024x416xf32>
    %get3A_890 = arith.constant 2048 : index
    %get3A_891 = arith.constant 0 : index
    %get3A_892 = vector.load %arg1[%get3A_890, %get3A_891] : memref<3328x1024xf32, #tpu.memory_space<vmem>>, vector<100x1024xf32>
    %reduce_sum3A_893 = arith.constant dense<0.000000e+00> : vector<1024xf32>
    %reduce_sum3A_894 = vector.multi_reduction <add>, %get3A_892, %reduce_sum3A_893 [0] : vector<100x1024xf32> to vector<1024xf32>
    %broadcast_in_dim3A_895 = vector.shape_cast %reduce_sum3A_894 : vector<1024xf32> to vector<1x1024xf32>
    %mul3A_896 = arith.mulf %get3A_892, %get3A_892 : vector<100x1024xf32>
    %reduce_sum3A_897 = arith.constant dense<0.000000e+00> : vector<1024xf32>
    %reduce_sum3A_898 = vector.multi_reduction <add>, %mul3A_896, %reduce_sum3A_897 [0] : vector<100x1024xf32> to vector<1024xf32>
    %broadcast_in_dim3A_899 = vector.shape_cast %reduce_sum3A_898 : vector<1024xf32> to vector<1x1024xf32>
    %mul3A_900 = arith.constant 0.00999999977 : f32
    %mul3A_901 = vector.broadcast %mul3A_900 : f32 to vector<1x1024xf32>
    %mul3A_902 = arith.mulf %broadcast_in_dim3A_895, %mul3A_901 : vector<1x1024xf32>
    %mul3A_903 = arith.constant 0.00999999977 : f32
    %mul3A_904 = vector.broadcast %mul3A_903 : f32 to vector<1x1024xf32>
    %mul3A_905 = arith.mulf %broadcast_in_dim3A_899, %mul3A_904 : vector<1x1024xf32>
    %mul3A_906 = arith.mulf %mul3A_902, %mul3A_902 : vector<1x1024xf32>
    %sub3A_907 = arith.subf %mul3A_905, %mul3A_906 : vector<1x1024xf32>
    %sub3A_908 = vector.broadcast %mul3A_902 : vector<1x1024xf32> to vector<100x1024xf32>
    %sub3A_909 = arith.subf %get3A_892, %sub3A_908 : vector<100x1024xf32>
    %add3A_910 = arith.constant 9.99999974E-6 : f32
    %add3A_911 = vector.broadcast %add3A_910 : f32 to vector<1x1024xf32>
    %add3A_912 = arith.addf %sub3A_907, %add3A_911 : vector<1x1024xf32>
    %rsqrt3A_913 = math.rsqrt %add3A_912 : vector<1x1024xf32>
    %mul3A_914 = vector.broadcast %rsqrt3A_913 : vector<1x1024xf32> to vector<100x1024xf32>
    %mul3A_915 = arith.mulf %sub3A_909, %mul3A_914 : vector<100x1024xf32>
    %get3A_916 = arith.constant 16 : index
    %get3A_917 = arith.constant 0 : index
    %get3A_918 = arith.constant 0 : index
    %get3A_919 = vector.load %arg2[%get3A_916, %get3A_917, %get3A_918] : memref<26x100x16xf32, #tpu.memory_space<vmem>>, vector<1x100x16xf32>
    %get3A_920 = vector.shape_cast %get3A_919 : vector<1x100x16xf32> to vector<100x16xf32>
    %dot_general3A_921 = arith.constant dense<0.000000e+00> : vector<1024x16xf32>
    %dot_general3A_922 = tpu.matmul %mul3A_915, %get3A_920, %dot_general3A_921 {dimension_numbers = #tpu.dot_dimension_numbers<[0], [0], [1], [1], [0, 1, 1, 1], [], []>, transpose_lhs_hint = false} : vector<100x1024xf32>, vector<100x16xf32>, vector<1024x16xf32> -> vector<1024x16xf32>
    %slice3A_923 = vector.extract_strided_slice %get3A_1 {offsets = [16, 0], sizes = [1, 16], strides = [1, 1]} : vector<26x16xf32> to vector<1x16xf32>
    %add3A_924 = vector.broadcast %slice3A_923 : vector<1x16xf32> to vector<1024x16xf32>
    %add3A_925 = arith.addf %dot_general3A_922, %add3A_924 : vector<1024x16xf32>
    %mul3A_926 = arith.constant 5.000000e-01 : f32
    %mul3A_927 = vector.broadcast %mul3A_926 : f32 to vector<1024x16xf32>
    %mul3A_928 = arith.mulf %mul3A_927, %add3A_925 : vector<1024x16xf32>
    %mul3A_929 = arith.constant 0.707106769 : f32
    %mul3A_930 = vector.broadcast %mul3A_929 : f32 to vector<1024x16xf32>
    %mul3A_931 = arith.mulf %add3A_925, %mul3A_930 : vector<1024x16xf32>
    %erf3A_932 = math.erf %mul3A_931 : vector<1024x16xf32>
    %add3A_933 = arith.constant 1.000000e+00 : f32
    %add3A_934 = vector.broadcast %add3A_933 : f32 to vector<1024x16xf32>
    %add3A_935 = arith.addf %add3A_934, %erf3A_932 : vector<1024x16xf32>
    %mul3A_936 = arith.mulf %mul3A_928, %add3A_935 : vector<1024x16xf32>
    %convert_element_type3A_937 = arith.truncf %mul3A_936 : vector<1024x16xf32> to vector<1024x16xbf16>
    %get3A_938 = arith.constant 16 : index
    %get3A_939 = arith.constant 0 : index
    %get3A_940 = arith.constant 0 : index
    %get3A_941 = vector.load %arg4[%get3A_938, %get3A_939, %get3A_940] : memref<26x16x416xbf16, #tpu.memory_space<vmem>>, vector<1x16x416xbf16>
    %get3A_942 = vector.shape_cast %get3A_941 : vector<1x16x416xbf16> to vector<16x416xbf16>
    %dot_general3A_943 = arith.constant dense<0.000000e+00> : vector<1024x416xf32>
    %dot_general3A_944 = tpu.matmul %convert_element_type3A_937, %get3A_942, %dot_general3A_943 {dimension_numbers = #tpu.dot_dimension_numbers<[1], [0], [0], [1], [0, 0, 1, 1], [], []>, transpose_lhs_hint = false} : vector<1024x16xbf16>, vector<16x416xbf16>, vector<1024x416xf32> -> vector<1024x416xf32>
    %add3A_945 = arith.addf %add3A_889, %dot_general3A_944 : vector<1024x416xf32>
    %get3A_946 = arith.constant 2176 : index
    %get3A_947 = arith.constant 0 : index
    %get3A_948 = vector.load %arg1[%get3A_946, %get3A_947] : memref<3328x1024xf32, #tpu.memory_space<vmem>>, vector<100x1024xf32>
    %reduce_sum3A_949 = arith.constant dense<0.000000e+00> : vector<1024xf32>
    %reduce_sum3A_950 = vector.multi_reduction <add>, %get3A_948, %reduce_sum3A_949 [0] : vector<100x1024xf32> to vector<1024xf32>
    %broadcast_in_dim3A_951 = vector.shape_cast %reduce_sum3A_950 : vector<1024xf32> to vector<1x1024xf32>
    %mul3A_952 = arith.mulf %get3A_948, %get3A_948 : vector<100x1024xf32>
    %reduce_sum3A_953 = arith.constant dense<0.000000e+00> : vector<1024xf32>
    %reduce_sum3A_954 = vector.multi_reduction <add>, %mul3A_952, %reduce_sum3A_953 [0] : vector<100x1024xf32> to vector<1024xf32>
    %broadcast_in_dim3A_955 = vector.shape_cast %reduce_sum3A_954 : vector<1024xf32> to vector<1x1024xf32>
    %mul3A_956 = arith.constant 0.00999999977 : f32
    %mul3A_957 = vector.broadcast %mul3A_956 : f32 to vector<1x1024xf32>
    %mul3A_958 = arith.mulf %broadcast_in_dim3A_951, %mul3A_957 : vector<1x1024xf32>
    %mul3A_959 = arith.constant 0.00999999977 : f32
    %mul3A_960 = vector.broadcast %mul3A_959 : f32 to vector<1x1024xf32>
    %mul3A_961 = arith.mulf %broadcast_in_dim3A_955, %mul3A_960 : vector<1x1024xf32>
    %mul3A_962 = arith.mulf %mul3A_958, %mul3A_958 : vector<1x1024xf32>
    %sub3A_963 = arith.subf %mul3A_961, %mul3A_962 : vector<1x1024xf32>
    %sub3A_964 = vector.broadcast %mul3A_958 : vector<1x1024xf32> to vector<100x1024xf32>
    %sub3A_965 = arith.subf %get3A_948, %sub3A_964 : vector<100x1024xf32>
    %add3A_966 = arith.constant 9.99999974E-6 : f32
    %add3A_967 = vector.broadcast %add3A_966 : f32 to vector<1x1024xf32>
    %add3A_968 = arith.addf %sub3A_963, %add3A_967 : vector<1x1024xf32>
    %rsqrt3A_969 = math.rsqrt %add3A_968 : vector<1x1024xf32>
    %mul3A_970 = vector.broadcast %rsqrt3A_969 : vector<1x1024xf32> to vector<100x1024xf32>
    %mul3A_971 = arith.mulf %sub3A_965, %mul3A_970 : vector<100x1024xf32>
    %get3A_972 = arith.constant 17 : index
    %get3A_973 = arith.constant 0 : index
    %get3A_974 = arith.constant 0 : index
    %get3A_975 = vector.load %arg2[%get3A_972, %get3A_973, %get3A_974] : memref<26x100x16xf32, #tpu.memory_space<vmem>>, vector<1x100x16xf32>
    %get3A_976 = vector.shape_cast %get3A_975 : vector<1x100x16xf32> to vector<100x16xf32>
    %dot_general3A_977 = arith.constant dense<0.000000e+00> : vector<1024x16xf32>
    %dot_general3A_978 = tpu.matmul %mul3A_971, %get3A_976, %dot_general3A_977 {dimension_numbers = #tpu.dot_dimension_numbers<[0], [0], [1], [1], [0, 1, 1, 1], [], []>, transpose_lhs_hint = false} : vector<100x1024xf32>, vector<100x16xf32>, vector<1024x16xf32> -> vector<1024x16xf32>
    %slice3A_979 = vector.extract_strided_slice %get3A_1 {offsets = [17, 0], sizes = [1, 16], strides = [1, 1]} : vector<26x16xf32> to vector<1x16xf32>
    %add3A_980 = vector.broadcast %slice3A_979 : vector<1x16xf32> to vector<1024x16xf32>
    %add3A_981 = arith.addf %dot_general3A_978, %add3A_980 : vector<1024x16xf32>
    %mul3A_982 = arith.constant 5.000000e-01 : f32
    %mul3A_983 = vector.broadcast %mul3A_982 : f32 to vector<1024x16xf32>
    %mul3A_984 = arith.mulf %mul3A_983, %add3A_981 : vector<1024x16xf32>
    %mul3A_985 = arith.constant 0.707106769 : f32
    %mul3A_986 = vector.broadcast %mul3A_985 : f32 to vector<1024x16xf32>
    %mul3A_987 = arith.mulf %add3A_981, %mul3A_986 : vector<1024x16xf32>
    %erf3A_988 = math.erf %mul3A_987 : vector<1024x16xf32>
    %add3A_989 = arith.constant 1.000000e+00 : f32
    %add3A_990 = vector.broadcast %add3A_989 : f32 to vector<1024x16xf32>
    %add3A_991 = arith.addf %add3A_990, %erf3A_988 : vector<1024x16xf32>
    %mul3A_992 = arith.mulf %mul3A_984, %add3A_991 : vector<1024x16xf32>
    %convert_element_type3A_993 = arith.truncf %mul3A_992 : vector<1024x16xf32> to vector<1024x16xbf16>
    %get3A_994 = arith.constant 17 : index
    %get3A_995 = arith.constant 0 : index
    %get3A_996 = arith.constant 0 : index
    %get3A_997 = vector.load %arg4[%get3A_994, %get3A_995, %get3A_996] : memref<26x16x416xbf16, #tpu.memory_space<vmem>>, vector<1x16x416xbf16>
    %get3A_998 = vector.shape_cast %get3A_997 : vector<1x16x416xbf16> to vector<16x416xbf16>
    %dot_general3A_999 = arith.constant dense<0.000000e+00> : vector<1024x416xf32>
    %dot_general3A_1000 = tpu.matmul %convert_element_type3A_993, %get3A_998, %dot_general3A_999 {dimension_numbers = #tpu.dot_dimension_numbers<[1], [0], [0], [1], [0, 0, 1, 1], [], []>, transpose_lhs_hint = false} : vector<1024x16xbf16>, vector<16x416xbf16>, vector<1024x416xf32> -> vector<1024x416xf32>
    %add3A_1001 = arith.addf %add3A_945, %dot_general3A_1000 : vector<1024x416xf32>
    %get3A_1002 = arith.constant 2304 : index
    %get3A_1003 = arith.constant 0 : index
    %get3A_1004 = vector.load %arg1[%get3A_1002, %get3A_1003] : memref<3328x1024xf32, #tpu.memory_space<vmem>>, vector<100x1024xf32>
    %reduce_sum3A_1005 = arith.constant dense<0.000000e+00> : vector<1024xf32>
    %reduce_sum3A_1006 = vector.multi_reduction <add>, %get3A_1004, %reduce_sum3A_1005 [0] : vector<100x1024xf32> to vector<1024xf32>
    %broadcast_in_dim3A_1007 = vector.shape_cast %reduce_sum3A_1006 : vector<1024xf32> to vector<1x1024xf32>
    %mul3A_1008 = arith.mulf %get3A_1004, %get3A_1004 : vector<100x1024xf32>
    %reduce_sum3A_1009 = arith.constant dense<0.000000e+00> : vector<1024xf32>
    %reduce_sum3A_1010 = vector.multi_reduction <add>, %mul3A_1008, %reduce_sum3A_1009 [0] : vector<100x1024xf32> to vector<1024xf32>
    %broadcast_in_dim3A_1011 = vector.shape_cast %reduce_sum3A_1010 : vector<1024xf32> to vector<1x1024xf32>
    %mul3A_1012 = arith.constant 0.00999999977 : f32
    %mul3A_1013 = vector.broadcast %mul3A_1012 : f32 to vector<1x1024xf32>
    %mul3A_1014 = arith.mulf %broadcast_in_dim3A_1007, %mul3A_1013 : vector<1x1024xf32>
    %mul3A_1015 = arith.constant 0.00999999977 : f32
    %mul3A_1016 = vector.broadcast %mul3A_1015 : f32 to vector<1x1024xf32>
    %mul3A_1017 = arith.mulf %broadcast_in_dim3A_1011, %mul3A_1016 : vector<1x1024xf32>
    %mul3A_1018 = arith.mulf %mul3A_1014, %mul3A_1014 : vector<1x1024xf32>
    %sub3A_1019 = arith.subf %mul3A_1017, %mul3A_1018 : vector<1x1024xf32>
    %sub3A_1020 = vector.broadcast %mul3A_1014 : vector<1x1024xf32> to vector<100x1024xf32>
    %sub3A_1021 = arith.subf %get3A_1004, %sub3A_1020 : vector<100x1024xf32>
    %add3A_1022 = arith.constant 9.99999974E-6 : f32
    %add3A_1023 = vector.broadcast %add3A_1022 : f32 to vector<1x1024xf32>
    %add3A_1024 = arith.addf %sub3A_1019, %add3A_1023 : vector<1x1024xf32>
    %rsqrt3A_1025 = math.rsqrt %add3A_1024 : vector<1x1024xf32>
    %mul3A_1026 = vector.broadcast %rsqrt3A_1025 : vector<1x1024xf32> to vector<100x1024xf32>
    %mul3A_1027 = arith.mulf %sub3A_1021, %mul3A_1026 : vector<100x1024xf32>
    %get3A_1028 = arith.constant 18 : index
    %get3A_1029 = arith.constant 0 : index
    %get3A_1030 = arith.constant 0 : index
    %get3A_1031 = vector.load %arg2[%get3A_1028, %get3A_1029, %get3A_1030] : memref<26x100x16xf32, #tpu.memory_space<vmem>>, vector<1x100x16xf32>
    %get3A_1032 = vector.shape_cast %get3A_1031 : vector<1x100x16xf32> to vector<100x16xf32>
    %dot_general3A_1033 = arith.constant dense<0.000000e+00> : vector<1024x16xf32>
    %dot_general3A_1034 = tpu.matmul %mul3A_1027, %get3A_1032, %dot_general3A_1033 {dimension_numbers = #tpu.dot_dimension_numbers<[0], [0], [1], [1], [0, 1, 1, 1], [], []>, transpose_lhs_hint = false} : vector<100x1024xf32>, vector<100x16xf32>, vector<1024x16xf32> -> vector<1024x16xf32>
    %slice3A_1035 = vector.extract_strided_slice %get3A_1 {offsets = [18, 0], sizes = [1, 16], strides = [1, 1]} : vector<26x16xf32> to vector<1x16xf32>
    %add3A_1036 = vector.broadcast %slice3A_1035 : vector<1x16xf32> to vector<1024x16xf32>
    %add3A_1037 = arith.addf %dot_general3A_1034, %add3A_1036 : vector<1024x16xf32>
    %mul3A_1038 = arith.constant 5.000000e-01 : f32
    %mul3A_1039 = vector.broadcast %mul3A_1038 : f32 to vector<1024x16xf32>
    %mul3A_1040 = arith.mulf %mul3A_1039, %add3A_1037 : vector<1024x16xf32>
    %mul3A_1041 = arith.constant 0.707106769 : f32
    %mul3A_1042 = vector.broadcast %mul3A_1041 : f32 to vector<1024x16xf32>
    %mul3A_1043 = arith.mulf %add3A_1037, %mul3A_1042 : vector<1024x16xf32>
    %erf3A_1044 = math.erf %mul3A_1043 : vector<1024x16xf32>
    %add3A_1045 = arith.constant 1.000000e+00 : f32
    %add3A_1046 = vector.broadcast %add3A_1045 : f32 to vector<1024x16xf32>
    %add3A_1047 = arith.addf %add3A_1046, %erf3A_1044 : vector<1024x16xf32>
    %mul3A_1048 = arith.mulf %mul3A_1040, %add3A_1047 : vector<1024x16xf32>
    %convert_element_type3A_1049 = arith.truncf %mul3A_1048 : vector<1024x16xf32> to vector<1024x16xbf16>
    %get3A_1050 = arith.constant 18 : index
    %get3A_1051 = arith.constant 0 : index
    %get3A_1052 = arith.constant 0 : index
    %get3A_1053 = vector.load %arg4[%get3A_1050, %get3A_1051, %get3A_1052] : memref<26x16x416xbf16, #tpu.memory_space<vmem>>, vector<1x16x416xbf16>
    %get3A_1054 = vector.shape_cast %get3A_1053 : vector<1x16x416xbf16> to vector<16x416xbf16>
    %dot_general3A_1055 = arith.constant dense<0.000000e+00> : vector<1024x416xf32>
    %dot_general3A_1056 = tpu.matmul %convert_element_type3A_1049, %get3A_1054, %dot_general3A_1055 {dimension_numbers = #tpu.dot_dimension_numbers<[1], [0], [0], [1], [0, 0, 1, 1], [], []>, transpose_lhs_hint = false} : vector<1024x16xbf16>, vector<16x416xbf16>, vector<1024x416xf32> -> vector<1024x416xf32>
    %add3A_1057 = arith.addf %add3A_1001, %dot_general3A_1056 : vector<1024x416xf32>
    %get3A_1058 = arith.constant 2432 : index
    %get3A_1059 = arith.constant 0 : index
    %get3A_1060 = vector.load %arg1[%get3A_1058, %get3A_1059] : memref<3328x1024xf32, #tpu.memory_space<vmem>>, vector<100x1024xf32>
    %reduce_sum3A_1061 = arith.constant dense<0.000000e+00> : vector<1024xf32>
    %reduce_sum3A_1062 = vector.multi_reduction <add>, %get3A_1060, %reduce_sum3A_1061 [0] : vector<100x1024xf32> to vector<1024xf32>
    %broadcast_in_dim3A_1063 = vector.shape_cast %reduce_sum3A_1062 : vector<1024xf32> to vector<1x1024xf32>
    %mul3A_1064 = arith.mulf %get3A_1060, %get3A_1060 : vector<100x1024xf32>
    %reduce_sum3A_1065 = arith.constant dense<0.000000e+00> : vector<1024xf32>
    %reduce_sum3A_1066 = vector.multi_reduction <add>, %mul3A_1064, %reduce_sum3A_1065 [0] : vector<100x1024xf32> to vector<1024xf32>
    %broadcast_in_dim3A_1067 = vector.shape_cast %reduce_sum3A_1066 : vector<1024xf32> to vector<1x1024xf32>
    %mul3A_1068 = arith.constant 0.00999999977 : f32
    %mul3A_1069 = vector.broadcast %mul3A_1068 : f32 to vector<1x1024xf32>
    %mul3A_1070 = arith.mulf %broadcast_in_dim3A_1063, %mul3A_1069 : vector<1x1024xf32>
    %mul3A_1071 = arith.constant 0.00999999977 : f32
    %mul3A_1072 = vector.broadcast %mul3A_1071 : f32 to vector<1x1024xf32>
    %mul3A_1073 = arith.mulf %broadcast_in_dim3A_1067, %mul3A_1072 : vector<1x1024xf32>
    %mul3A_1074 = arith.mulf %mul3A_1070, %mul3A_1070 : vector<1x1024xf32>
    %sub3A_1075 = arith.subf %mul3A_1073, %mul3A_1074 : vector<1x1024xf32>
    %sub3A_1076 = vector.broadcast %mul3A_1070 : vector<1x1024xf32> to vector<100x1024xf32>
    %sub3A_1077 = arith.subf %get3A_1060, %sub3A_1076 : vector<100x1024xf32>
    %add3A_1078 = arith.constant 9.99999974E-6 : f32
    %add3A_1079 = vector.broadcast %add3A_1078 : f32 to vector<1x1024xf32>
    %add3A_1080 = arith.addf %sub3A_1075, %add3A_1079 : vector<1x1024xf32>
    %rsqrt3A_1081 = math.rsqrt %add3A_1080 : vector<1x1024xf32>
    %mul3A_1082 = vector.broadcast %rsqrt3A_1081 : vector<1x1024xf32> to vector<100x1024xf32>
    %mul3A_1083 = arith.mulf %sub3A_1077, %mul3A_1082 : vector<100x1024xf32>
    %get3A_1084 = arith.constant 19 : index
    %get3A_1085 = arith.constant 0 : index
    %get3A_1086 = arith.constant 0 : index
    %get3A_1087 = vector.load %arg2[%get3A_1084, %get3A_1085, %get3A_1086] : memref<26x100x16xf32, #tpu.memory_space<vmem>>, vector<1x100x16xf32>
    %get3A_1088 = vector.shape_cast %get3A_1087 : vector<1x100x16xf32> to vector<100x16xf32>
    %dot_general3A_1089 = arith.constant dense<0.000000e+00> : vector<1024x16xf32>
    %dot_general3A_1090 = tpu.matmul %mul3A_1083, %get3A_1088, %dot_general3A_1089 {dimension_numbers = #tpu.dot_dimension_numbers<[0], [0], [1], [1], [0, 1, 1, 1], [], []>, transpose_lhs_hint = false} : vector<100x1024xf32>, vector<100x16xf32>, vector<1024x16xf32> -> vector<1024x16xf32>
    %slice3A_1091 = vector.extract_strided_slice %get3A_1 {offsets = [19, 0], sizes = [1, 16], strides = [1, 1]} : vector<26x16xf32> to vector<1x16xf32>
    %add3A_1092 = vector.broadcast %slice3A_1091 : vector<1x16xf32> to vector<1024x16xf32>
    %add3A_1093 = arith.addf %dot_general3A_1090, %add3A_1092 : vector<1024x16xf32>
    %mul3A_1094 = arith.constant 5.000000e-01 : f32
    %mul3A_1095 = vector.broadcast %mul3A_1094 : f32 to vector<1024x16xf32>
    %mul3A_1096 = arith.mulf %mul3A_1095, %add3A_1093 : vector<1024x16xf32>
    %mul3A_1097 = arith.constant 0.707106769 : f32
    %mul3A_1098 = vector.broadcast %mul3A_1097 : f32 to vector<1024x16xf32>
    %mul3A_1099 = arith.mulf %add3A_1093, %mul3A_1098 : vector<1024x16xf32>
    %erf3A_1100 = math.erf %mul3A_1099 : vector<1024x16xf32>
    %add3A_1101 = arith.constant 1.000000e+00 : f32
    %add3A_1102 = vector.broadcast %add3A_1101 : f32 to vector<1024x16xf32>
    %add3A_1103 = arith.addf %add3A_1102, %erf3A_1100 : vector<1024x16xf32>
    %mul3A_1104 = arith.mulf %mul3A_1096, %add3A_1103 : vector<1024x16xf32>
    %convert_element_type3A_1105 = arith.truncf %mul3A_1104 : vector<1024x16xf32> to vector<1024x16xbf16>
    %get3A_1106 = arith.constant 19 : index
    %get3A_1107 = arith.constant 0 : index
    %get3A_1108 = arith.constant 0 : index
    %get3A_1109 = vector.load %arg4[%get3A_1106, %get3A_1107, %get3A_1108] : memref<26x16x416xbf16, #tpu.memory_space<vmem>>, vector<1x16x416xbf16>
    %get3A_1110 = vector.shape_cast %get3A_1109 : vector<1x16x416xbf16> to vector<16x416xbf16>
    %dot_general3A_1111 = arith.constant dense<0.000000e+00> : vector<1024x416xf32>
    %dot_general3A_1112 = tpu.matmul %convert_element_type3A_1105, %get3A_1110, %dot_general3A_1111 {dimension_numbers = #tpu.dot_dimension_numbers<[1], [0], [0], [1], [0, 0, 1, 1], [], []>, transpose_lhs_hint = false} : vector<1024x16xbf16>, vector<16x416xbf16>, vector<1024x416xf32> -> vector<1024x416xf32>
    %add3A_1113 = arith.addf %add3A_1057, %dot_general3A_1112 : vector<1024x416xf32>
    %get3A_1114 = arith.constant 2560 : index
    %get3A_1115 = arith.constant 0 : index
    %get3A_1116 = vector.load %arg1[%get3A_1114, %get3A_1115] : memref<3328x1024xf32, #tpu.memory_space<vmem>>, vector<100x1024xf32>
    %reduce_sum3A_1117 = arith.constant dense<0.000000e+00> : vector<1024xf32>
    %reduce_sum3A_1118 = vector.multi_reduction <add>, %get3A_1116, %reduce_sum3A_1117 [0] : vector<100x1024xf32> to vector<1024xf32>
    %broadcast_in_dim3A_1119 = vector.shape_cast %reduce_sum3A_1118 : vector<1024xf32> to vector<1x1024xf32>
    %mul3A_1120 = arith.mulf %get3A_1116, %get3A_1116 : vector<100x1024xf32>
    %reduce_sum3A_1121 = arith.constant dense<0.000000e+00> : vector<1024xf32>
    %reduce_sum3A_1122 = vector.multi_reduction <add>, %mul3A_1120, %reduce_sum3A_1121 [0] : vector<100x1024xf32> to vector<1024xf32>
    %broadcast_in_dim3A_1123 = vector.shape_cast %reduce_sum3A_1122 : vector<1024xf32> to vector<1x1024xf32>
    %mul3A_1124 = arith.constant 0.00999999977 : f32
    %mul3A_1125 = vector.broadcast %mul3A_1124 : f32 to vector<1x1024xf32>
    %mul3A_1126 = arith.mulf %broadcast_in_dim3A_1119, %mul3A_1125 : vector<1x1024xf32>
    %mul3A_1127 = arith.constant 0.00999999977 : f32
    %mul3A_1128 = vector.broadcast %mul3A_1127 : f32 to vector<1x1024xf32>
    %mul3A_1129 = arith.mulf %broadcast_in_dim3A_1123, %mul3A_1128 : vector<1x1024xf32>
    %mul3A_1130 = arith.mulf %mul3A_1126, %mul3A_1126 : vector<1x1024xf32>
    %sub3A_1131 = arith.subf %mul3A_1129, %mul3A_1130 : vector<1x1024xf32>
    %sub3A_1132 = vector.broadcast %mul3A_1126 : vector<1x1024xf32> to vector<100x1024xf32>
    %sub3A_1133 = arith.subf %get3A_1116, %sub3A_1132 : vector<100x1024xf32>
    %add3A_1134 = arith.constant 9.99999974E-6 : f32
    %add3A_1135 = vector.broadcast %add3A_1134 : f32 to vector<1x1024xf32>
    %add3A_1136 = arith.addf %sub3A_1131, %add3A_1135 : vector<1x1024xf32>
    %rsqrt3A_1137 = math.rsqrt %add3A_1136 : vector<1x1024xf32>
    %mul3A_1138 = vector.broadcast %rsqrt3A_1137 : vector<1x1024xf32> to vector<100x1024xf32>
    %mul3A_1139 = arith.mulf %sub3A_1133, %mul3A_1138 : vector<100x1024xf32>
    %get3A_1140 = arith.constant 20 : index
    %get3A_1141 = arith.constant 0 : index
    %get3A_1142 = arith.constant 0 : index
    %get3A_1143 = vector.load %arg2[%get3A_1140, %get3A_1141, %get3A_1142] : memref<26x100x16xf32, #tpu.memory_space<vmem>>, vector<1x100x16xf32>
    %get3A_1144 = vector.shape_cast %get3A_1143 : vector<1x100x16xf32> to vector<100x16xf32>
    %dot_general3A_1145 = arith.constant dense<0.000000e+00> : vector<1024x16xf32>
    %dot_general3A_1146 = tpu.matmul %mul3A_1139, %get3A_1144, %dot_general3A_1145 {dimension_numbers = #tpu.dot_dimension_numbers<[0], [0], [1], [1], [0, 1, 1, 1], [], []>, transpose_lhs_hint = false} : vector<100x1024xf32>, vector<100x16xf32>, vector<1024x16xf32> -> vector<1024x16xf32>
    %slice3A_1147 = vector.extract_strided_slice %get3A_1 {offsets = [20, 0], sizes = [1, 16], strides = [1, 1]} : vector<26x16xf32> to vector<1x16xf32>
    %add3A_1148 = vector.broadcast %slice3A_1147 : vector<1x16xf32> to vector<1024x16xf32>
    %add3A_1149 = arith.addf %dot_general3A_1146, %add3A_1148 : vector<1024x16xf32>
    %mul3A_1150 = arith.constant 5.000000e-01 : f32
    %mul3A_1151 = vector.broadcast %mul3A_1150 : f32 to vector<1024x16xf32>
    %mul3A_1152 = arith.mulf %mul3A_1151, %add3A_1149 : vector<1024x16xf32>
    %mul3A_1153 = arith.constant 0.707106769 : f32
    %mul3A_1154 = vector.broadcast %mul3A_1153 : f32 to vector<1024x16xf32>
    %mul3A_1155 = arith.mulf %add3A_1149, %mul3A_1154 : vector<1024x16xf32>
    %erf3A_1156 = math.erf %mul3A_1155 : vector<1024x16xf32>
    %add3A_1157 = arith.constant 1.000000e+00 : f32
    %add3A_1158 = vector.broadcast %add3A_1157 : f32 to vector<1024x16xf32>
    %add3A_1159 = arith.addf %add3A_1158, %erf3A_1156 : vector<1024x16xf32>
    %mul3A_1160 = arith.mulf %mul3A_1152, %add3A_1159 : vector<1024x16xf32>
    %convert_element_type3A_1161 = arith.truncf %mul3A_1160 : vector<1024x16xf32> to vector<1024x16xbf16>
    %get3A_1162 = arith.constant 20 : index
    %get3A_1163 = arith.constant 0 : index
    %get3A_1164 = arith.constant 0 : index
    %get3A_1165 = vector.load %arg4[%get3A_1162, %get3A_1163, %get3A_1164] : memref<26x16x416xbf16, #tpu.memory_space<vmem>>, vector<1x16x416xbf16>
    %get3A_1166 = vector.shape_cast %get3A_1165 : vector<1x16x416xbf16> to vector<16x416xbf16>
    %dot_general3A_1167 = arith.constant dense<0.000000e+00> : vector<1024x416xf32>
    %dot_general3A_1168 = tpu.matmul %convert_element_type3A_1161, %get3A_1166, %dot_general3A_1167 {dimension_numbers = #tpu.dot_dimension_numbers<[1], [0], [0], [1], [0, 0, 1, 1], [], []>, transpose_lhs_hint = false} : vector<1024x16xbf16>, vector<16x416xbf16>, vector<1024x416xf32> -> vector<1024x416xf32>
    %add3A_1169 = arith.addf %add3A_1113, %dot_general3A_1168 : vector<1024x416xf32>
    %get3A_1170 = arith.constant 2688 : index
    %get3A_1171 = arith.constant 0 : index
    %get3A_1172 = vector.load %arg1[%get3A_1170, %get3A_1171] : memref<3328x1024xf32, #tpu.memory_space<vmem>>, vector<100x1024xf32>
    %reduce_sum3A_1173 = arith.constant dense<0.000000e+00> : vector<1024xf32>
    %reduce_sum3A_1174 = vector.multi_reduction <add>, %get3A_1172, %reduce_sum3A_1173 [0] : vector<100x1024xf32> to vector<1024xf32>
    %broadcast_in_dim3A_1175 = vector.shape_cast %reduce_sum3A_1174 : vector<1024xf32> to vector<1x1024xf32>
    %mul3A_1176 = arith.mulf %get3A_1172, %get3A_1172 : vector<100x1024xf32>
    %reduce_sum3A_1177 = arith.constant dense<0.000000e+00> : vector<1024xf32>
    %reduce_sum3A_1178 = vector.multi_reduction <add>, %mul3A_1176, %reduce_sum3A_1177 [0] : vector<100x1024xf32> to vector<1024xf32>
    %broadcast_in_dim3A_1179 = vector.shape_cast %reduce_sum3A_1178 : vector<1024xf32> to vector<1x1024xf32>
    %mul3A_1180 = arith.constant 0.00999999977 : f32
    %mul3A_1181 = vector.broadcast %mul3A_1180 : f32 to vector<1x1024xf32>
    %mul3A_1182 = arith.mulf %broadcast_in_dim3A_1175, %mul3A_1181 : vector<1x1024xf32>
    %mul3A_1183 = arith.constant 0.00999999977 : f32
    %mul3A_1184 = vector.broadcast %mul3A_1183 : f32 to vector<1x1024xf32>
    %mul3A_1185 = arith.mulf %broadcast_in_dim3A_1179, %mul3A_1184 : vector<1x1024xf32>
    %mul3A_1186 = arith.mulf %mul3A_1182, %mul3A_1182 : vector<1x1024xf32>
    %sub3A_1187 = arith.subf %mul3A_1185, %mul3A_1186 : vector<1x1024xf32>
    %sub3A_1188 = vector.broadcast %mul3A_1182 : vector<1x1024xf32> to vector<100x1024xf32>
    %sub3A_1189 = arith.subf %get3A_1172, %sub3A_1188 : vector<100x1024xf32>
    %add3A_1190 = arith.constant 9.99999974E-6 : f32
    %add3A_1191 = vector.broadcast %add3A_1190 : f32 to vector<1x1024xf32>
    %add3A_1192 = arith.addf %sub3A_1187, %add3A_1191 : vector<1x1024xf32>
    %rsqrt3A_1193 = math.rsqrt %add3A_1192 : vector<1x1024xf32>
    %mul3A_1194 = vector.broadcast %rsqrt3A_1193 : vector<1x1024xf32> to vector<100x1024xf32>
    %mul3A_1195 = arith.mulf %sub3A_1189, %mul3A_1194 : vector<100x1024xf32>
    %get3A_1196 = arith.constant 21 : index
    %get3A_1197 = arith.constant 0 : index
    %get3A_1198 = arith.constant 0 : index
    %get3A_1199 = vector.load %arg2[%get3A_1196, %get3A_1197, %get3A_1198] : memref<26x100x16xf32, #tpu.memory_space<vmem>>, vector<1x100x16xf32>
    %get3A_1200 = vector.shape_cast %get3A_1199 : vector<1x100x16xf32> to vector<100x16xf32>
    %dot_general3A_1201 = arith.constant dense<0.000000e+00> : vector<1024x16xf32>
    %dot_general3A_1202 = tpu.matmul %mul3A_1195, %get3A_1200, %dot_general3A_1201 {dimension_numbers = #tpu.dot_dimension_numbers<[0], [0], [1], [1], [0, 1, 1, 1], [], []>, transpose_lhs_hint = false} : vector<100x1024xf32>, vector<100x16xf32>, vector<1024x16xf32> -> vector<1024x16xf32>
    %slice3A_1203 = vector.extract_strided_slice %get3A_1 {offsets = [21, 0], sizes = [1, 16], strides = [1, 1]} : vector<26x16xf32> to vector<1x16xf32>
    %add3A_1204 = vector.broadcast %slice3A_1203 : vector<1x16xf32> to vector<1024x16xf32>
    %add3A_1205 = arith.addf %dot_general3A_1202, %add3A_1204 : vector<1024x16xf32>
    %mul3A_1206 = arith.constant 5.000000e-01 : f32
    %mul3A_1207 = vector.broadcast %mul3A_1206 : f32 to vector<1024x16xf32>
    %mul3A_1208 = arith.mulf %mul3A_1207, %add3A_1205 : vector<1024x16xf32>
    %mul3A_1209 = arith.constant 0.707106769 : f32
    %mul3A_1210 = vector.broadcast %mul3A_1209 : f32 to vector<1024x16xf32>
    %mul3A_1211 = arith.mulf %add3A_1205, %mul3A_1210 : vector<1024x16xf32>
    %erf3A_1212 = math.erf %mul3A_1211 : vector<1024x16xf32>
    %add3A_1213 = arith.constant 1.000000e+00 : f32
    %add3A_1214 = vector.broadcast %add3A_1213 : f32 to vector<1024x16xf32>
    %add3A_1215 = arith.addf %add3A_1214, %erf3A_1212 : vector<1024x16xf32>
    %mul3A_1216 = arith.mulf %mul3A_1208, %add3A_1215 : vector<1024x16xf32>
    %convert_element_type3A_1217 = arith.truncf %mul3A_1216 : vector<1024x16xf32> to vector<1024x16xbf16>
    %get3A_1218 = arith.constant 21 : index
    %get3A_1219 = arith.constant 0 : index
    %get3A_1220 = arith.constant 0 : index
    %get3A_1221 = vector.load %arg4[%get3A_1218, %get3A_1219, %get3A_1220] : memref<26x16x416xbf16, #tpu.memory_space<vmem>>, vector<1x16x416xbf16>
    %get3A_1222 = vector.shape_cast %get3A_1221 : vector<1x16x416xbf16> to vector<16x416xbf16>
    %dot_general3A_1223 = arith.constant dense<0.000000e+00> : vector<1024x416xf32>
    %dot_general3A_1224 = tpu.matmul %convert_element_type3A_1217, %get3A_1222, %dot_general3A_1223 {dimension_numbers = #tpu.dot_dimension_numbers<[1], [0], [0], [1], [0, 0, 1, 1], [], []>, transpose_lhs_hint = false} : vector<1024x16xbf16>, vector<16x416xbf16>, vector<1024x416xf32> -> vector<1024x416xf32>
    %add3A_1225 = arith.addf %add3A_1169, %dot_general3A_1224 : vector<1024x416xf32>
    %get3A_1226 = arith.constant 2816 : index
    %get3A_1227 = arith.constant 0 : index
    %get3A_1228 = vector.load %arg1[%get3A_1226, %get3A_1227] : memref<3328x1024xf32, #tpu.memory_space<vmem>>, vector<100x1024xf32>
    %reduce_sum3A_1229 = arith.constant dense<0.000000e+00> : vector<1024xf32>
    %reduce_sum3A_1230 = vector.multi_reduction <add>, %get3A_1228, %reduce_sum3A_1229 [0] : vector<100x1024xf32> to vector<1024xf32>
    %broadcast_in_dim3A_1231 = vector.shape_cast %reduce_sum3A_1230 : vector<1024xf32> to vector<1x1024xf32>
    %mul3A_1232 = arith.mulf %get3A_1228, %get3A_1228 : vector<100x1024xf32>
    %reduce_sum3A_1233 = arith.constant dense<0.000000e+00> : vector<1024xf32>
    %reduce_sum3A_1234 = vector.multi_reduction <add>, %mul3A_1232, %reduce_sum3A_1233 [0] : vector<100x1024xf32> to vector<1024xf32>
    %broadcast_in_dim3A_1235 = vector.shape_cast %reduce_sum3A_1234 : vector<1024xf32> to vector<1x1024xf32>
    %mul3A_1236 = arith.constant 0.00999999977 : f32
    %mul3A_1237 = vector.broadcast %mul3A_1236 : f32 to vector<1x1024xf32>
    %mul3A_1238 = arith.mulf %broadcast_in_dim3A_1231, %mul3A_1237 : vector<1x1024xf32>
    %mul3A_1239 = arith.constant 0.00999999977 : f32
    %mul3A_1240 = vector.broadcast %mul3A_1239 : f32 to vector<1x1024xf32>
    %mul3A_1241 = arith.mulf %broadcast_in_dim3A_1235, %mul3A_1240 : vector<1x1024xf32>
    %mul3A_1242 = arith.mulf %mul3A_1238, %mul3A_1238 : vector<1x1024xf32>
    %sub3A_1243 = arith.subf %mul3A_1241, %mul3A_1242 : vector<1x1024xf32>
    %sub3A_1244 = vector.broadcast %mul3A_1238 : vector<1x1024xf32> to vector<100x1024xf32>
    %sub3A_1245 = arith.subf %get3A_1228, %sub3A_1244 : vector<100x1024xf32>
    %add3A_1246 = arith.constant 9.99999974E-6 : f32
    %add3A_1247 = vector.broadcast %add3A_1246 : f32 to vector<1x1024xf32>
    %add3A_1248 = arith.addf %sub3A_1243, %add3A_1247 : vector<1x1024xf32>
    %rsqrt3A_1249 = math.rsqrt %add3A_1248 : vector<1x1024xf32>
    %mul3A_1250 = vector.broadcast %rsqrt3A_1249 : vector<1x1024xf32> to vector<100x1024xf32>
    %mul3A_1251 = arith.mulf %sub3A_1245, %mul3A_1250 : vector<100x1024xf32>
    %get3A_1252 = arith.constant 22 : index
    %get3A_1253 = arith.constant 0 : index
    %get3A_1254 = arith.constant 0 : index
    %get3A_1255 = vector.load %arg2[%get3A_1252, %get3A_1253, %get3A_1254] : memref<26x100x16xf32, #tpu.memory_space<vmem>>, vector<1x100x16xf32>
    %get3A_1256 = vector.shape_cast %get3A_1255 : vector<1x100x16xf32> to vector<100x16xf32>
    %dot_general3A_1257 = arith.constant dense<0.000000e+00> : vector<1024x16xf32>
    %dot_general3A_1258 = tpu.matmul %mul3A_1251, %get3A_1256, %dot_general3A_1257 {dimension_numbers = #tpu.dot_dimension_numbers<[0], [0], [1], [1], [0, 1, 1, 1], [], []>, transpose_lhs_hint = false} : vector<100x1024xf32>, vector<100x16xf32>, vector<1024x16xf32> -> vector<1024x16xf32>
    %slice3A_1259 = vector.extract_strided_slice %get3A_1 {offsets = [22, 0], sizes = [1, 16], strides = [1, 1]} : vector<26x16xf32> to vector<1x16xf32>
    %add3A_1260 = vector.broadcast %slice3A_1259 : vector<1x16xf32> to vector<1024x16xf32>
    %add3A_1261 = arith.addf %dot_general3A_1258, %add3A_1260 : vector<1024x16xf32>
    %mul3A_1262 = arith.constant 5.000000e-01 : f32
    %mul3A_1263 = vector.broadcast %mul3A_1262 : f32 to vector<1024x16xf32>
    %mul3A_1264 = arith.mulf %mul3A_1263, %add3A_1261 : vector<1024x16xf32>
    %mul3A_1265 = arith.constant 0.707106769 : f32
    %mul3A_1266 = vector.broadcast %mul3A_1265 : f32 to vector<1024x16xf32>
    %mul3A_1267 = arith.mulf %add3A_1261, %mul3A_1266 : vector<1024x16xf32>
    %erf3A_1268 = math.erf %mul3A_1267 : vector<1024x16xf32>
    %add3A_1269 = arith.constant 1.000000e+00 : f32
    %add3A_1270 = vector.broadcast %add3A_1269 : f32 to vector<1024x16xf32>
    %add3A_1271 = arith.addf %add3A_1270, %erf3A_1268 : vector<1024x16xf32>
    %mul3A_1272 = arith.mulf %mul3A_1264, %add3A_1271 : vector<1024x16xf32>
    %convert_element_type3A_1273 = arith.truncf %mul3A_1272 : vector<1024x16xf32> to vector<1024x16xbf16>
    %get3A_1274 = arith.constant 22 : index
    %get3A_1275 = arith.constant 0 : index
    %get3A_1276 = arith.constant 0 : index
    %get3A_1277 = vector.load %arg4[%get3A_1274, %get3A_1275, %get3A_1276] : memref<26x16x416xbf16, #tpu.memory_space<vmem>>, vector<1x16x416xbf16>
    %get3A_1278 = vector.shape_cast %get3A_1277 : vector<1x16x416xbf16> to vector<16x416xbf16>
    %dot_general3A_1279 = arith.constant dense<0.000000e+00> : vector<1024x416xf32>
    %dot_general3A_1280 = tpu.matmul %convert_element_type3A_1273, %get3A_1278, %dot_general3A_1279 {dimension_numbers = #tpu.dot_dimension_numbers<[1], [0], [0], [1], [0, 0, 1, 1], [], []>, transpose_lhs_hint = false} : vector<1024x16xbf16>, vector<16x416xbf16>, vector<1024x416xf32> -> vector<1024x416xf32>
    %add3A_1281 = arith.addf %add3A_1225, %dot_general3A_1280 : vector<1024x416xf32>
    %get3A_1282 = arith.constant 2944 : index
    %get3A_1283 = arith.constant 0 : index
    %get3A_1284 = vector.load %arg1[%get3A_1282, %get3A_1283] : memref<3328x1024xf32, #tpu.memory_space<vmem>>, vector<100x1024xf32>
    %reduce_sum3A_1285 = arith.constant dense<0.000000e+00> : vector<1024xf32>
    %reduce_sum3A_1286 = vector.multi_reduction <add>, %get3A_1284, %reduce_sum3A_1285 [0] : vector<100x1024xf32> to vector<1024xf32>
    %broadcast_in_dim3A_1287 = vector.shape_cast %reduce_sum3A_1286 : vector<1024xf32> to vector<1x1024xf32>
    %mul3A_1288 = arith.mulf %get3A_1284, %get3A_1284 : vector<100x1024xf32>
    %reduce_sum3A_1289 = arith.constant dense<0.000000e+00> : vector<1024xf32>
    %reduce_sum3A_1290 = vector.multi_reduction <add>, %mul3A_1288, %reduce_sum3A_1289 [0] : vector<100x1024xf32> to vector<1024xf32>
    %broadcast_in_dim3A_1291 = vector.shape_cast %reduce_sum3A_1290 : vector<1024xf32> to vector<1x1024xf32>
    %mul3A_1292 = arith.constant 0.00999999977 : f32
    %mul3A_1293 = vector.broadcast %mul3A_1292 : f32 to vector<1x1024xf32>
    %mul3A_1294 = arith.mulf %broadcast_in_dim3A_1287, %mul3A_1293 : vector<1x1024xf32>
    %mul3A_1295 = arith.constant 0.00999999977 : f32
    %mul3A_1296 = vector.broadcast %mul3A_1295 : f32 to vector<1x1024xf32>
    %mul3A_1297 = arith.mulf %broadcast_in_dim3A_1291, %mul3A_1296 : vector<1x1024xf32>
    %mul3A_1298 = arith.mulf %mul3A_1294, %mul3A_1294 : vector<1x1024xf32>
    %sub3A_1299 = arith.subf %mul3A_1297, %mul3A_1298 : vector<1x1024xf32>
    %sub3A_1300 = vector.broadcast %mul3A_1294 : vector<1x1024xf32> to vector<100x1024xf32>
    %sub3A_1301 = arith.subf %get3A_1284, %sub3A_1300 : vector<100x1024xf32>
    %add3A_1302 = arith.constant 9.99999974E-6 : f32
    %add3A_1303 = vector.broadcast %add3A_1302 : f32 to vector<1x1024xf32>
    %add3A_1304 = arith.addf %sub3A_1299, %add3A_1303 : vector<1x1024xf32>
    %rsqrt3A_1305 = math.rsqrt %add3A_1304 : vector<1x1024xf32>
    %mul3A_1306 = vector.broadcast %rsqrt3A_1305 : vector<1x1024xf32> to vector<100x1024xf32>
    %mul3A_1307 = arith.mulf %sub3A_1301, %mul3A_1306 : vector<100x1024xf32>
    %get3A_1308 = arith.constant 23 : index
    %get3A_1309 = arith.constant 0 : index
    %get3A_1310 = arith.constant 0 : index
    %get3A_1311 = vector.load %arg2[%get3A_1308, %get3A_1309, %get3A_1310] : memref<26x100x16xf32, #tpu.memory_space<vmem>>, vector<1x100x16xf32>
    %get3A_1312 = vector.shape_cast %get3A_1311 : vector<1x100x16xf32> to vector<100x16xf32>
    %dot_general3A_1313 = arith.constant dense<0.000000e+00> : vector<1024x16xf32>
    %dot_general3A_1314 = tpu.matmul %mul3A_1307, %get3A_1312, %dot_general3A_1313 {dimension_numbers = #tpu.dot_dimension_numbers<[0], [0], [1], [1], [0, 1, 1, 1], [], []>, transpose_lhs_hint = false} : vector<100x1024xf32>, vector<100x16xf32>, vector<1024x16xf32> -> vector<1024x16xf32>
    %slice3A_1315 = vector.extract_strided_slice %get3A_1 {offsets = [23, 0], sizes = [1, 16], strides = [1, 1]} : vector<26x16xf32> to vector<1x16xf32>
    %add3A_1316 = vector.broadcast %slice3A_1315 : vector<1x16xf32> to vector<1024x16xf32>
    %add3A_1317 = arith.addf %dot_general3A_1314, %add3A_1316 : vector<1024x16xf32>
    %mul3A_1318 = arith.constant 5.000000e-01 : f32
    %mul3A_1319 = vector.broadcast %mul3A_1318 : f32 to vector<1024x16xf32>
    %mul3A_1320 = arith.mulf %mul3A_1319, %add3A_1317 : vector<1024x16xf32>
    %mul3A_1321 = arith.constant 0.707106769 : f32
    %mul3A_1322 = vector.broadcast %mul3A_1321 : f32 to vector<1024x16xf32>
    %mul3A_1323 = arith.mulf %add3A_1317, %mul3A_1322 : vector<1024x16xf32>
    %erf3A_1324 = math.erf %mul3A_1323 : vector<1024x16xf32>
    %add3A_1325 = arith.constant 1.000000e+00 : f32
    %add3A_1326 = vector.broadcast %add3A_1325 : f32 to vector<1024x16xf32>
    %add3A_1327 = arith.addf %add3A_1326, %erf3A_1324 : vector<1024x16xf32>
    %mul3A_1328 = arith.mulf %mul3A_1320, %add3A_1327 : vector<1024x16xf32>
    %convert_element_type3A_1329 = arith.truncf %mul3A_1328 : vector<1024x16xf32> to vector<1024x16xbf16>
    %get3A_1330 = arith.constant 23 : index
    %get3A_1331 = arith.constant 0 : index
    %get3A_1332 = arith.constant 0 : index
    %get3A_1333 = vector.load %arg4[%get3A_1330, %get3A_1331, %get3A_1332] : memref<26x16x416xbf16, #tpu.memory_space<vmem>>, vector<1x16x416xbf16>
    %get3A_1334 = vector.shape_cast %get3A_1333 : vector<1x16x416xbf16> to vector<16x416xbf16>
    %dot_general3A_1335 = arith.constant dense<0.000000e+00> : vector<1024x416xf32>
    %dot_general3A_1336 = tpu.matmul %convert_element_type3A_1329, %get3A_1334, %dot_general3A_1335 {dimension_numbers = #tpu.dot_dimension_numbers<[1], [0], [0], [1], [0, 0, 1, 1], [], []>, transpose_lhs_hint = false} : vector<1024x16xbf16>, vector<16x416xbf16>, vector<1024x416xf32> -> vector<1024x416xf32>
    %add3A_1337 = arith.addf %add3A_1281, %dot_general3A_1336 : vector<1024x416xf32>
    %get3A_1338 = arith.constant 3072 : index
    %get3A_1339 = arith.constant 0 : index
    %get3A_1340 = vector.load %arg1[%get3A_1338, %get3A_1339] : memref<3328x1024xf32, #tpu.memory_space<vmem>>, vector<100x1024xf32>
    %reduce_sum3A_1341 = arith.constant dense<0.000000e+00> : vector<1024xf32>
    %reduce_sum3A_1342 = vector.multi_reduction <add>, %get3A_1340, %reduce_sum3A_1341 [0] : vector<100x1024xf32> to vector<1024xf32>
    %broadcast_in_dim3A_1343 = vector.shape_cast %reduce_sum3A_1342 : vector<1024xf32> to vector<1x1024xf32>
    %mul3A_1344 = arith.mulf %get3A_1340, %get3A_1340 : vector<100x1024xf32>
    %reduce_sum3A_1345 = arith.constant dense<0.000000e+00> : vector<1024xf32>
    %reduce_sum3A_1346 = vector.multi_reduction <add>, %mul3A_1344, %reduce_sum3A_1345 [0] : vector<100x1024xf32> to vector<1024xf32>
    %broadcast_in_dim3A_1347 = vector.shape_cast %reduce_sum3A_1346 : vector<1024xf32> to vector<1x1024xf32>
    %mul3A_1348 = arith.constant 0.00999999977 : f32
    %mul3A_1349 = vector.broadcast %mul3A_1348 : f32 to vector<1x1024xf32>
    %mul3A_1350 = arith.mulf %broadcast_in_dim3A_1343, %mul3A_1349 : vector<1x1024xf32>
    %mul3A_1351 = arith.constant 0.00999999977 : f32
    %mul3A_1352 = vector.broadcast %mul3A_1351 : f32 to vector<1x1024xf32>
    %mul3A_1353 = arith.mulf %broadcast_in_dim3A_1347, %mul3A_1352 : vector<1x1024xf32>
    %mul3A_1354 = arith.mulf %mul3A_1350, %mul3A_1350 : vector<1x1024xf32>
    %sub3A_1355 = arith.subf %mul3A_1353, %mul3A_1354 : vector<1x1024xf32>
    %sub3A_1356 = vector.broadcast %mul3A_1350 : vector<1x1024xf32> to vector<100x1024xf32>
    %sub3A_1357 = arith.subf %get3A_1340, %sub3A_1356 : vector<100x1024xf32>
    %add3A_1358 = arith.constant 9.99999974E-6 : f32
    %add3A_1359 = vector.broadcast %add3A_1358 : f32 to vector<1x1024xf32>
    %add3A_1360 = arith.addf %sub3A_1355, %add3A_1359 : vector<1x1024xf32>
    %rsqrt3A_1361 = math.rsqrt %add3A_1360 : vector<1x1024xf32>
    %mul3A_1362 = vector.broadcast %rsqrt3A_1361 : vector<1x1024xf32> to vector<100x1024xf32>
    %mul3A_1363 = arith.mulf %sub3A_1357, %mul3A_1362 : vector<100x1024xf32>
    %get3A_1364 = arith.constant 24 : index
    %get3A_1365 = arith.constant 0 : index
    %get3A_1366 = arith.constant 0 : index
    %get3A_1367 = vector.load %arg2[%get3A_1364, %get3A_1365, %get3A_1366] : memref<26x100x16xf32, #tpu.memory_space<vmem>>, vector<1x100x16xf32>
    %get3A_1368 = vector.shape_cast %get3A_1367 : vector<1x100x16xf32> to vector<100x16xf32>
    %dot_general3A_1369 = arith.constant dense<0.000000e+00> : vector<1024x16xf32>
    %dot_general3A_1370 = tpu.matmul %mul3A_1363, %get3A_1368, %dot_general3A_1369 {dimension_numbers = #tpu.dot_dimension_numbers<[0], [0], [1], [1], [0, 1, 1, 1], [], []>, transpose_lhs_hint = false} : vector<100x1024xf32>, vector<100x16xf32>, vector<1024x16xf32> -> vector<1024x16xf32>
    %slice3A_1371 = vector.extract_strided_slice %get3A_1 {offsets = [24, 0], sizes = [1, 16], strides = [1, 1]} : vector<26x16xf32> to vector<1x16xf32>
    %add3A_1372 = vector.broadcast %slice3A_1371 : vector<1x16xf32> to vector<1024x16xf32>
    %add3A_1373 = arith.addf %dot_general3A_1370, %add3A_1372 : vector<1024x16xf32>
    %mul3A_1374 = arith.constant 5.000000e-01 : f32
    %mul3A_1375 = vector.broadcast %mul3A_1374 : f32 to vector<1024x16xf32>
    %mul3A_1376 = arith.mulf %mul3A_1375, %add3A_1373 : vector<1024x16xf32>
    %mul3A_1377 = arith.constant 0.707106769 : f32
    %mul3A_1378 = vector.broadcast %mul3A_1377 : f32 to vector<1024x16xf32>
    %mul3A_1379 = arith.mulf %add3A_1373, %mul3A_1378 : vector<1024x16xf32>
    %erf3A_1380 = math.erf %mul3A_1379 : vector<1024x16xf32>
    %add3A_1381 = arith.constant 1.000000e+00 : f32
    %add3A_1382 = vector.broadcast %add3A_1381 : f32 to vector<1024x16xf32>
    %add3A_1383 = arith.addf %add3A_1382, %erf3A_1380 : vector<1024x16xf32>
    %mul3A_1384 = arith.mulf %mul3A_1376, %add3A_1383 : vector<1024x16xf32>
    %convert_element_type3A_1385 = arith.truncf %mul3A_1384 : vector<1024x16xf32> to vector<1024x16xbf16>
    %get3A_1386 = arith.constant 24 : index
    %get3A_1387 = arith.constant 0 : index
    %get3A_1388 = arith.constant 0 : index
    %get3A_1389 = vector.load %arg4[%get3A_1386, %get3A_1387, %get3A_1388] : memref<26x16x416xbf16, #tpu.memory_space<vmem>>, vector<1x16x416xbf16>
    %get3A_1390 = vector.shape_cast %get3A_1389 : vector<1x16x416xbf16> to vector<16x416xbf16>
    %dot_general3A_1391 = arith.constant dense<0.000000e+00> : vector<1024x416xf32>
    %dot_general3A_1392 = tpu.matmul %convert_element_type3A_1385, %get3A_1390, %dot_general3A_1391 {dimension_numbers = #tpu.dot_dimension_numbers<[1], [0], [0], [1], [0, 0, 1, 1], [], []>, transpose_lhs_hint = false} : vector<1024x16xbf16>, vector<16x416xbf16>, vector<1024x416xf32> -> vector<1024x416xf32>
    %add3A_1393 = arith.addf %add3A_1337, %dot_general3A_1392 : vector<1024x416xf32>
    %get3A_1394 = arith.constant 3200 : index
    %get3A_1395 = arith.constant 0 : index
    %get3A_1396 = vector.load %arg1[%get3A_1394, %get3A_1395] : memref<3328x1024xf32, #tpu.memory_space<vmem>>, vector<100x1024xf32>
    %reduce_sum3A_1397 = arith.constant dense<0.000000e+00> : vector<1024xf32>
    %reduce_sum3A_1398 = vector.multi_reduction <add>, %get3A_1396, %reduce_sum3A_1397 [0] : vector<100x1024xf32> to vector<1024xf32>
    %broadcast_in_dim3A_1399 = vector.shape_cast %reduce_sum3A_1398 : vector<1024xf32> to vector<1x1024xf32>
    %mul3A_1400 = arith.mulf %get3A_1396, %get3A_1396 : vector<100x1024xf32>
    %reduce_sum3A_1401 = arith.constant dense<0.000000e+00> : vector<1024xf32>
    %reduce_sum3A_1402 = vector.multi_reduction <add>, %mul3A_1400, %reduce_sum3A_1401 [0] : vector<100x1024xf32> to vector<1024xf32>
    %broadcast_in_dim3A_1403 = vector.shape_cast %reduce_sum3A_1402 : vector<1024xf32> to vector<1x1024xf32>
    %mul3A_1404 = arith.constant 0.00999999977 : f32
    %mul3A_1405 = vector.broadcast %mul3A_1404 : f32 to vector<1x1024xf32>
    %mul3A_1406 = arith.mulf %broadcast_in_dim3A_1399, %mul3A_1405 : vector<1x1024xf32>
    %mul3A_1407 = arith.constant 0.00999999977 : f32
    %mul3A_1408 = vector.broadcast %mul3A_1407 : f32 to vector<1x1024xf32>
    %mul3A_1409 = arith.mulf %broadcast_in_dim3A_1403, %mul3A_1408 : vector<1x1024xf32>
    %mul3A_1410 = arith.mulf %mul3A_1406, %mul3A_1406 : vector<1x1024xf32>
    %sub3A_1411 = arith.subf %mul3A_1409, %mul3A_1410 : vector<1x1024xf32>
    %sub3A_1412 = vector.broadcast %mul3A_1406 : vector<1x1024xf32> to vector<100x1024xf32>
    %sub3A_1413 = arith.subf %get3A_1396, %sub3A_1412 : vector<100x1024xf32>
    %add3A_1414 = arith.constant 9.99999974E-6 : f32
    %add3A_1415 = vector.broadcast %add3A_1414 : f32 to vector<1x1024xf32>
    %add3A_1416 = arith.addf %sub3A_1411, %add3A_1415 : vector<1x1024xf32>
    %rsqrt3A_1417 = math.rsqrt %add3A_1416 : vector<1x1024xf32>
    %mul3A_1418 = vector.broadcast %rsqrt3A_1417 : vector<1x1024xf32> to vector<100x1024xf32>
    %mul3A_1419 = arith.mulf %sub3A_1413, %mul3A_1418 : vector<100x1024xf32>
    %get3A_1420 = arith.constant 25 : index
    %get3A_1421 = arith.constant 0 : index
    %get3A_1422 = arith.constant 0 : index
    %get3A_1423 = vector.load %arg2[%get3A_1420, %get3A_1421, %get3A_1422] : memref<26x100x16xf32, #tpu.memory_space<vmem>>, vector<1x100x16xf32>
    %get3A_1424 = vector.shape_cast %get3A_1423 : vector<1x100x16xf32> to vector<100x16xf32>
    %dot_general3A_1425 = arith.constant dense<0.000000e+00> : vector<1024x16xf32>
    %dot_general3A_1426 = tpu.matmul %mul3A_1419, %get3A_1424, %dot_general3A_1425 {dimension_numbers = #tpu.dot_dimension_numbers<[0], [0], [1], [1], [0, 1, 1, 1], [], []>, transpose_lhs_hint = false} : vector<100x1024xf32>, vector<100x16xf32>, vector<1024x16xf32> -> vector<1024x16xf32>
    %slice3A_1427 = vector.extract_strided_slice %get3A_1 {offsets = [25, 0], sizes = [1, 16], strides = [1, 1]} : vector<26x16xf32> to vector<1x16xf32>
    %add3A_1428 = vector.broadcast %slice3A_1427 : vector<1x16xf32> to vector<1024x16xf32>
    %add3A_1429 = arith.addf %dot_general3A_1426, %add3A_1428 : vector<1024x16xf32>
    %mul3A_1430 = arith.constant 5.000000e-01 : f32
    %mul3A_1431 = vector.broadcast %mul3A_1430 : f32 to vector<1024x16xf32>
    %mul3A_1432 = arith.mulf %mul3A_1431, %add3A_1429 : vector<1024x16xf32>
    %mul3A_1433 = arith.constant 0.707106769 : f32
    %mul3A_1434 = vector.broadcast %mul3A_1433 : f32 to vector<1024x16xf32>
    %mul3A_1435 = arith.mulf %add3A_1429, %mul3A_1434 : vector<1024x16xf32>
    %erf3A_1436 = math.erf %mul3A_1435 : vector<1024x16xf32>
    %add3A_1437 = arith.constant 1.000000e+00 : f32
    %add3A_1438 = vector.broadcast %add3A_1437 : f32 to vector<1024x16xf32>
    %add3A_1439 = arith.addf %add3A_1438, %erf3A_1436 : vector<1024x16xf32>
    %mul3A_1440 = arith.mulf %mul3A_1432, %add3A_1439 : vector<1024x16xf32>
    %convert_element_type3A_1441 = arith.truncf %mul3A_1440 : vector<1024x16xf32> to vector<1024x16xbf16>
    %get3A_1442 = arith.constant 25 : index
    %get3A_1443 = arith.constant 0 : index
    %get3A_1444 = arith.constant 0 : index
    %get3A_1445 = vector.load %arg4[%get3A_1442, %get3A_1443, %get3A_1444] : memref<26x16x416xbf16, #tpu.memory_space<vmem>>, vector<1x16x416xbf16>
    %get3A_1446 = vector.shape_cast %get3A_1445 : vector<1x16x416xbf16> to vector<16x416xbf16>
    %dot_general3A_1447 = arith.constant dense<0.000000e+00> : vector<1024x416xf32>
    %dot_general3A_1448 = tpu.matmul %convert_element_type3A_1441, %get3A_1446, %dot_general3A_1447 {dimension_numbers = #tpu.dot_dimension_numbers<[1], [0], [0], [1], [0, 0, 1, 1], [], []>, transpose_lhs_hint = false} : vector<1024x16xbf16>, vector<16x416xbf16>, vector<1024x416xf32> -> vector<1024x416xf32>
    %add3A_1449 = arith.addf %add3A_1393, %dot_general3A_1448 : vector<1024x416xf32>
    %reduce_sum3A_1450 = arith.constant dense<0.000000e+00> : vector<1024xf32>
    %reduce_sum3A_1451 = vector.multi_reduction <add>, %add3A_1449, %reduce_sum3A_1450 [1] : vector<1024x416xf32> to vector<1024xf32>
    %broadcast_in_dim3A_1452 = vector.shape_cast %reduce_sum3A_1451 : vector<1024xf32> to vector<1024x1xf32>
    %div3A = arith.constant 4.160000e+02 : f32
    %div3A_1453 = vector.broadcast %div3A : f32 to vector<1024x1xf32>
    %div3A_1454 = arith.divf %broadcast_in_dim3A_1452, %div3A_1453 : vector<1024x1xf32>
    %mul3A_1455 = arith.mulf %add3A_1449, %add3A_1449 : vector<1024x416xf32>
    %reduce_sum3A_1456 = arith.constant dense<0.000000e+00> : vector<1024xf32>
    %reduce_sum3A_1457 = vector.multi_reduction <add>, %mul3A_1455, %reduce_sum3A_1456 [1] : vector<1024x416xf32> to vector<1024xf32>
    %broadcast_in_dim3A_1458 = vector.shape_cast %reduce_sum3A_1457 : vector<1024xf32> to vector<1024x1xf32>
    %div3A_1459 = arith.constant 4.160000e+02 : f32
    %div3A_1460 = vector.broadcast %div3A_1459 : f32 to vector<1024x1xf32>
    %div3A_1461 = arith.divf %broadcast_in_dim3A_1458, %div3A_1460 : vector<1024x1xf32>
    %mul3A_1462 = arith.mulf %div3A_1454, %div3A_1454 : vector<1024x1xf32>
    %sub3A_1463 = arith.subf %div3A_1461, %mul3A_1462 : vector<1024x1xf32>
    %sub3A_1464 = vector.broadcast %div3A_1454 : vector<1024x1xf32> to vector<1024x416xf32>
    %sub3A_1465 = arith.subf %add3A_1449, %sub3A_1464 : vector<1024x416xf32>
    %add3A_1466 = arith.constant 9.99999974E-6 : f32
    %add3A_1467 = vector.broadcast %add3A_1466 : f32 to vector<1024x1xf32>
    %add3A_1468 = arith.addf %sub3A_1463, %add3A_1467 : vector<1024x1xf32>
    %rsqrt3A_1469 = math.rsqrt %add3A_1468 : vector<1024x1xf32>
    %mul3A_1470 = vector.broadcast %rsqrt3A_1469 : vector<1024x1xf32> to vector<1024x416xf32>
    %mul3A_1471 = arith.mulf %sub3A_1465, %mul3A_1470 : vector<1024x416xf32>
    %get3A_1472 = arith.constant 0 : index
    %get3A_1473 = arith.constant 0 : index
    %get3A_1474 = vector.load %arg5[%get3A_1472, %get3A_1473] : memref<1x416xf32, #tpu.memory_space<vmem>>, vector<1x416xf32>
    %mul3A_1475 = vector.broadcast %get3A_1474 : vector<1x416xf32> to vector<1024x416xf32>
    %mul3A_1476 = arith.mulf %mul3A_1471, %mul3A_1475 : vector<1024x416xf32>
    %get3A_1477 = arith.constant 0 : index
    %get3A_1478 = arith.constant 0 : index
    %get3A_1479 = vector.load %arg6[%get3A_1477, %get3A_1478] : memref<1x416xf32, #tpu.memory_space<vmem>>, vector<1x416xf32>
    %add3A_1480 = vector.broadcast %get3A_1479 : vector<1x416xf32> to vector<1024x416xf32>
    %add3A_1481 = arith.addf %mul3A_1476, %add3A_1480 : vector<1024x416xf32>
    %convert_element_type3A_1482 = arith.truncf %add3A_1481 : vector<1024x416xf32> to vector<1024x416xbf16>
    %get3A_1483 = arith.constant 0 : index
    %get3A_1484 = arith.constant 0 : index
    %get3A_1485 = vector.load %arg7[%get3A_1483, %get3A_1484] : memref<416x416xbf16, #tpu.memory_space<vmem>>, vector<416x416xbf16>
    %dot_general3A_1486 = arith.constant dense<0.000000e+00> : vector<1024x416xf32>
    %dot_general3A_1487 = tpu.matmul %convert_element_type3A_1482, %get3A_1485, %dot_general3A_1486 {dimension_numbers = #tpu.dot_dimension_numbers<[1], [0], [0], [1], [0, 0, 1, 1], [], []>, transpose_lhs_hint = false} : vector<1024x416xbf16>, vector<416x416xbf16>, vector<1024x416xf32> -> vector<1024x416xf32>
    %get3A_1488 = arith.constant 0 : index
    %get3A_1489 = arith.constant 0 : index
    %get3A_1490 = vector.load %arg8[%get3A_1488, %get3A_1489] : memref<1x416xf32, #tpu.memory_space<vmem>>, vector<1x416xf32>
    %add3A_1491 = vector.broadcast %get3A_1490 : vector<1x416xf32> to vector<1024x416xf32>
    %add3A_1492 = arith.addf %dot_general3A_1487, %add3A_1491 : vector<1024x416xf32>
    %mul3A_1493 = arith.constant 5.000000e-01 : f32
    %mul3A_1494 = vector.broadcast %mul3A_1493 : f32 to vector<1024x416xf32>
    %mul3A_1495 = arith.mulf %mul3A_1494, %add3A_1492 : vector<1024x416xf32>
    %mul3A_1496 = arith.constant 0.707106769 : f32
    %mul3A_1497 = vector.broadcast %mul3A_1496 : f32 to vector<1024x416xf32>
    %mul3A_1498 = arith.mulf %add3A_1492, %mul3A_1497 : vector<1024x416xf32>
    %erf3A_1499 = math.erf %mul3A_1498 : vector<1024x416xf32>
    %add3A_1500 = arith.constant 1.000000e+00 : f32
    %add3A_1501 = vector.broadcast %add3A_1500 : f32 to vector<1024x416xf32>
    %add3A_1502 = arith.addf %add3A_1501, %erf3A_1499 : vector<1024x416xf32>
    %mul3A_1503 = arith.mulf %mul3A_1495, %add3A_1502 : vector<1024x416xf32>
    %get3A_1504 = arith.constant 0 : index
    %get3A_1505 = arith.constant 0 : index
    %get3A_1506 = vector.load %arg9[%get3A_1504, %get3A_1505] : memref<416x16xf32, #tpu.memory_space<vmem>>, vector<416x16xf32>
    %dot_general3A_1507 = arith.constant dense<0.000000e+00> : vector<1024x16xf32>
    %dot_general3A_1508 = tpu.matmul %mul3A_1503, %get3A_1506, %dot_general3A_1507 {dimension_numbers = #tpu.dot_dimension_numbers<[1], [0], [0], [1], [0, 0, 1, 1], [], []>, transpose_lhs_hint = false} : vector<1024x416xf32>, vector<416x16xf32>, vector<1024x16xf32> -> vector<1024x16xf32>
    %get3A_1509 = arith.constant 0 : index
    %get3A_1510 = arith.constant 0 : index
    %get3A_1511 = vector.load %arg10[%get3A_1509, %get3A_1510] : memref<1x16xf32, #tpu.memory_space<vmem>>, vector<1x16xf32>
    %add3A_1512 = vector.broadcast %get3A_1511 : vector<1x16xf32> to vector<1024x16xf32>
    %add3A_1513 = arith.addf %dot_general3A_1508, %add3A_1512 : vector<1024x16xf32>
    %get3A_1514 = arith.constant 0 : index
    %get3A_1515 = arith.constant 0 : index
    %get3A_1516 = vector.load %arg11[%get3A_1514, %get3A_1515] : memref<16x2xf32, #tpu.memory_space<vmem>>, vector<16x2xf32>
    %dot_general3A_1517 = arith.constant dense<0.000000e+00> : vector<1024x2xf32>
    %dot_general3A_1518 = tpu.matmul %add3A_1513, %get3A_1516, %dot_general3A_1517 {dimension_numbers = #tpu.dot_dimension_numbers<[1], [0], [0], [1], [0, 0, 1, 1], [], []>, transpose_lhs_hint = false} : vector<1024x16xf32>, vector<16x2xf32>, vector<1024x2xf32> -> vector<1024x2xf32>
    %get3A_1519 = arith.constant 0 : index
    %get3A_1520 = arith.constant 0 : index
    %get3A_1521 = vector.load %arg12[%get3A_1519, %get3A_1520] : memref<1x2xf32, #tpu.memory_space<vmem>>, vector<1x2xf32>
    %add3A_1522 = vector.broadcast %get3A_1521 : vector<1x2xf32> to vector<1024x2xf32>
    %add3A_1523 = arith.addf %dot_general3A_1518, %add3A_1522 : vector<1024x2xf32>
    %swap3A = arith.constant 0 : index
    %swap3A_1524 = arith.constant 0 : index
    %swap3A_1525 = vector.load %arg14[%swap3A, %swap3A_1524] : memref<1024x16xf32, #tpu.memory_space<vmem>>, vector<1024x16xf32>
    tpu.vector_store %arg14[%swap3A, %swap3A_1524], %add3A_1513 {strides = array<i32>} : memref<1024x16xf32, #tpu.memory_space<vmem>>, vector<1024x16xf32>,
    %swap3A_1526 = arith.constant 0 : index
    %swap3A_1527 = arith.constant 0 : index
    %swap3A_1528 = vector.load %arg13[%swap3A_1526, %swap3A_1527] : memref<1024x2xf32, #tpu.memory_space<vmem>>, vector<1024x2xf32>
    tpu.vector_store %arg13[%swap3A_1526, %swap3A_1527], %add3A_1523 {strides = array<i32>} : memref<1024x2xf32, #tpu.memory_space<vmem>>, vector<1024x2xf32>,
    return
  }
  func.func @transform_0(%arg0: i32) -> (i32, i32) {
    %c0_i32 = arith.constant 0 : i32
    %c0_i32_0 = arith.constant 0 : i32
    return %c0_i32, %arg0 : i32, i32
  }
  func.func @transform_1(%arg0: i32) -> (i32, i32, i32) {
    %c0_i32 = arith.constant 0 : i32
    %c0_i32_0 = arith.constant 0 : i32
    %c0_i32_1 = arith.constant 0 : i32
    %c0_i32_2 = arith.constant 0 : i32
    return %c0_i32, %c0_i32_0, %c0_i32_1 : i32, i32, i32
  }
  func.func @transform_2(%arg0: i32) -> (i32, i32) {
    %c0_i32 = arith.constant 0 : i32
    %c0_i32_0 = arith.constant 0 : i32
    %c0_i32_1 = arith.constant 0 : i32
    return %c0_i32, %c0_i32_0 : i32, i32
  }
  func.func @transform_3(%arg0: i32) -> (i32, i32, i32) {
    %c0_i32 = arith.constant 0 : i32
    %c0_i32_0 = arith.constant 0 : i32
    %c0_i32_1 = arith.constant 0 : i32
    %c0_i32_2 = arith.constant 0 : i32
    return %c0_i32, %c0_i32_0, %c0_i32_1 : i32, i32, i32
  }
  func.func @transform_4(%arg0: i32) -> (i32, i32) {
    %c0_i32 = arith.constant 0 : i32
    %c0_i32_0 = arith.constant 0 : i32
    %c0_i32_1 = arith.constant 0 : i32
    return %c0_i32, %c0_i32_0 : i32, i32
  }
  func.func @transform_5(%arg0: i32) -> (i32, i32) {
    %c0_i32 = arith.constant 0 : i32
    %c0_i32_0 = arith.constant 0 : i32
    %c0_i32_1 = arith.constant 0 : i32
    return %c0_i32, %c0_i32_0 : i32, i32
  }
  func.func @transform_6(%arg0: i32) -> (i32, i32) {
    %c0_i32 = arith.constant 0 : i32
    %c0_i32_0 = arith.constant 0 : i32
    %c0_i32_1 = arith.constant 0 : i32
    return %c0_i32, %c0_i32_0 : i32, i32
  }
  func.func @transform_7(%arg0: i32) -> (i32, i32) {
    %c0_i32 = arith.constant 0 : i32
    %c0_i32_0 = arith.constant 0 : i32
    %c0_i32_1 = arith.constant 0 : i32
    return %c0_i32, %c0_i32_0 : i32, i32
  }
  func.func @transform_8(%arg0: i32) -> (i32, i32) {
    %c0_i32 = arith.constant 0 : i32
    %c0_i32_0 = arith.constant 0 : i32
    %c0_i32_1 = arith.constant 0 : i32
    return %c0_i32, %c0_i32_0 : i32, i32
  }
  func.func @transform_9(%arg0: i32) -> (i32, i32) {
    %c0_i32 = arith.constant 0 : i32
    %c0_i32_0 = arith.constant 0 : i32
    %c0_i32_1 = arith.constant 0 : i32
    return %c0_i32, %c0_i32_0 : i32, i32
  }
  func.func @transform_10(%arg0: i32) -> (i32, i32) {
    %c0_i32 = arith.constant 0 : i32
    %c0_i32_0 = arith.constant 0 : i32
    %c0_i32_1 = arith.constant 0 : i32
    return %c0_i32, %c0_i32_0 : i32, i32
  }
  func.func @transform_11(%arg0: i32) -> (i32, i32) {
    %c0_i32 = arith.constant 0 : i32
    %c0_i32_0 = arith.constant 0 : i32
    %c0_i32_1 = arith.constant 0 : i32
    return %c0_i32, %c0_i32_0 : i32, i32
  }
  func.func @transform_12(%arg0: i32) -> (i32, i32) {
    %c0_i32 = arith.constant 0 : i32
    %c0_i32_0 = arith.constant 0 : i32
    return %arg0, %c0_i32 : i32, i32
  }
  func.func @transform_13(%arg0: i32) -> (i32, i32) {
    %c0_i32 = arith.constant 0 : i32
    %c0_i32_0 = arith.constant 0 : i32
    return %arg0, %c0_i32 : i32, i32
  }
}

</mosaic_0001>

<sc_bundles>
// kernel: kernel.4.cloned.1.call-start
scs
__scs_entry_jumppad:
0x0: {  	(pc) =	sbr.rel $0x88, $3  }
0x1: {  	(tag) =	ssettag $0x0;
	lr =	simm.s32 $0x1  }
0x2: {  	[smem:$0x3F93] =	sst lr;
	_ =	strace $0xD0000000  }
0x3: {  	_ = 	snop  }
0x4: {  	_ = 	snop  }
0x5: {  	_ = 	snop  }
0x6: {  	_ = 	snop  }
0x7: {  	_ = 	snop  }
__scs_overlays_trampoline_lowered:
0x8: {  	[smem:$0x3FA2] =	sst s0  }
0x9: {  	[smem:$0x3FA3] =	sst s1  }
0xa: {  	[smem:$0x3FA4] =	sst s2  }
0xb: {  	[smem:$0x3FA5] =	sst s3  }
0xc: {  	[smem:$0x3FA6] =	sst s4  }
0xd: {  	[smem:$0x3FA7] =	sst s5  }
0xe: {  	[smem:$0x3FA8] =	sst s6  }
0xf: {  	[smem:$0x3FA9] =	sst s7  }
0x10: {  	[smem:$0x3FAA] =	sst s8  }
0x11: {  	[smem:$0x3FAB] =	sst s9;
	s0 =	simm.s32 @!p0 $0x0  }
0x12: {  	s1 =	sld [smem:$0x3F91];
	s0 =	simm.s32 @p0 $0x1  }
0x13: {  	[smem:$0x3FAC] =	sst s0;
	s0 =	simm.s32 @!p1 $0x0  }
0x14: {  	s2 =	sld [smem:$0x3F90];
	s0 =	simm.s32 @p1 $0x1  }
0x15: {  	[smem:$0x3FAD] =	sst s0;
	s0 =	simm.s32 @!p2 $0x0  }
0x16: {  	s3 =	sld [smem:$0x3FDB];
	s0 =	simm.s32 @p2 $0x1  }
0x17: {  	s4 =	simm.s32 $0x1BF5;
	[smem:$0x3FAF] =	sst s0  }
0x18: {  	s0 =	sld [smem:$0x3F92];
	_ =	swait.ge [sflag:s4], $0x0  }
0x19: {  	s7 =	sld [smem:$0x3F93]  }
0x1a: {  	s8 =	sadd.s32 $0xFFFFE003, lr  }
0x1b: {  	s9 =	sadd.s32 $0xFFFFFEF7, lr;
	s5 =	simm.s32 $0xFFFFFFFF;
	p2 =	slt.u32 s8, $0xFFFFF086  }
0x1c: {  	p1 =	slt.u32 s9, $0xF7A;
	s5 =	simm.s32 @!p2 $0x0  }
0x1d: {  	s5 =	simm.s32 @p1 $0x1;
	p0 =	seq.s32 s7, s2  }
0x1e: {  	s7 =	smul.u32 @!p0 $0xF7A, s2;
	p2 =	seq.s32 @!p0 s5, $0x0  }
0x1f: {  	s9 =	smul.u32 $0xF7A, s1;
	s8 =	simm.s32 @!p0 $0x1BF5;
	p2 =	por !p2, p0  }
0x20: {  	[sflag:s8] =	ssyncset.s32 @!p0 $0xFFFFF086;
	s6 =	sadd.s32 @!p0 s3, s7;
	s7 =	simm.s32 @!p0 $0x108  }
0x21: {  	s3 =	sadd.s32 s3, s9;
	s6 =	sadd.s32 @!p0 $0x88, s6;
	s7 =	simm.s32 @p2 $0x1082  }
0x22: {  	[simem:s7], [sflag:s8] =	dma.local @!p0 [hbm:s6], $0xF7A  }
0x23: {  	s9 =	sor.u32 $0xD0000000, s2;
	s6 =	simm.s32 $0x108;
	_ =	swait.ge @!p0 [sflag:s8], $0x0  }
0x24: {  	s3 =	sadd.s32 $0x88, s3;
	s6 =	simm.s32 @!p1 $0x1082;
	[sflag:s4] =	ssyncset.s32 $0xFFFFF086  }
0x25: {  	[simem:s6], [sflag:s4] =	dma.local [hbm:s3], $0xF7A  }
0x26: {  	[smem:$0x3F93] =	sst s1;
	(tag) =	ssettag s2;
	_ =	strace s9  }
0x27: {  	s1 =	sld [smem:$0x3FA3]  }
0x28: {  	s2 =	sld [smem:$0x3FA4]  }
0x29: {  	s4 =	sld [smem:$0x3FA6]  }
0x2a: {  	p0 =	seq.s32 s5, $0x0;
	s5 =	sld [smem:$0x3FA7]  }
0x2b: {  	s6 =	sld [smem:$0x3FA8]  }
0x2c: {  	s7 =	sld [smem:$0x3FA9]  }
0x2d: {  	s3 =	simm.s32 $0x108;
	s8 =	sld [smem:$0x3FAA]  }
0x2e: {  	s3 =	simm.s32 @!p0 $0x1082;
	s9 =	sld [smem:$0x3FAB]  }
0x2f: {  	lr =	sadd.s32 s0, s3;
	s0 =	sld [smem:$0x3FA2]  }
0x30: {  	s3 =	sld [smem:$0x3FA5]  }
0x31: {  	[smem:$0x3FAE] =	sst s10  }
0x32: {  	s10 =	sld [smem:$0x3FAC];
	_ =	sdelay $0x3  }
0x33: {  	p0 =	seq.s32 s10, $0x1;
	s10 =	sld [smem:$0x3FAE];
	_ =	sdelay $0x3  }
0x34: {  	[smem:$0x3FAE] =	sst s10  }
0x35: {  	s10 =	sld [smem:$0x3FAD];
	_ =	sdelay $0x3  }
0x36: {  	p1 =	seq.s32 s10, $0x1;
	s10 =	sld [smem:$0x3FAE];
	_ =	sdelay $0x3  }
0x37: {  	[smem:$0x3FAE] =	sst s10  }
0x38: {  	s10 =	sld [smem:$0x3FAF]  }
0x39: {  	_ = 	snop;
	(pc) =	sbr.ind lr, $3  }
0x3a: {  	_ = 	snop  }
0x3b: {  	_ = 	snop  }
0x3c: {  	p2 =	seq.s32 s10, $0x1;
	s10 =	sld [smem:$0x3FAE]  }
0x3d: {  	_ =	shalt  }
0x3e: {  	_ =	shalt  }
0x3f: {  	_ =	shalt  }
0x40: {  	_ =	shalt  }
0x41: {  	_ =	shalt  }
0x42: {  	_ =	shalt  }
0x43: {  	_ =	shalt  }
0x44: {  	_ =	shalt  }
0x45: {  	_ =	shalt  }
0x46: {  	_ =	shalt  }
0x47: {  	_ =	shalt  }
0x48: {  	_ =	shalt  }
0x49: {  	_ =	shalt  }
0x4a: {  	_ =	shalt  }
0x4b: {  	_ =	shalt  }
0x4c: {  	_ =	shalt  }
0x4d: {  	_ =	shalt  }
0x4e: {  	_ =	shalt  }
0x4f: {  	_ =	shalt  }
0x50: {  	_ =	shalt  }
0x51: {  	_ =	shalt  }
0x52: {  	_ =	shalt  }
0x53: {  	_ =	shalt  }
0x54: {  	_ =	shalt  }
0x55: {  	_ =	shalt  }
0x56: {  	_ =	shalt  }
0x57: {  	_ =	shalt  }
0x58: {  	_ =	shalt  }
0x59: {  	_ =	shalt  }
0x5a: {  	_ =	shalt  }
0x5b: {  	_ =	shalt  }
0x5c: {  	_ =	shalt  }
0x5d: {  	_ =	shalt  }
0x5e: {  	_ =	shalt  }
0x5f: {  	_ =	shalt  }
0x60: {  	_ =	shalt  }
0x61: {  	_ =	shalt  }
0x62: {  	_ =	shalt  }
0x63: {  	_ =	shalt  }
0x64: {  	_ =	shalt  }
0x65: {  	_ =	shalt  }
0x66: {  	_ =	shalt  }
0x67: {  	_ =	shalt  }
0x68: {  	_ =	shalt  }
0x69: {  	_ =	shalt  }
0x6a: {  	_ =	shalt  }
0x6b: {  	_ =	shalt  }
0x6c: {  	_ =	shalt  }
0x6d: {  	_ =	shalt  }
0x6e: {  	_ =	shalt  }
0x6f: {  	_ =	shalt  }
0x70: {  	_ =	shalt  }
0x71: {  	_ =	shalt  }
0x72: {  	_ =	shalt  }
0x73: {  	_ =	shalt  }
0x74: {  	_ =	shalt  }
0x75: {  	_ =	shalt  }
0x76: {  	_ =	shalt  }
0x77: {  	_ =	shalt  }
0x78: {  	_ =	shalt  }
0x79: {  	_ =	shalt  }
0x7a: {  	_ =	shalt  }
0x7b: {  	_ =	shalt  }
0x7c: {  	_ =	shalt  }
0x7d: {  	_ =	shalt  }
0x7e: {  	_ =	shalt  }
0x7f: {  	_ =	shalt  }
0x80: {  	_ =	shalt  }
0x81: {  	_ =	shalt  }
0x82: {  	_ =	shalt  }
0x83: {  	_ =	shalt  }
0x84: {  	_ =	shalt  }
0x85: {  	_ =	shalt  }
0x86: {  	_ =	shalt  }
0x87: {  	_ =	shalt  }
.Lfunc_end0:
.L_simem_size_0:
called_computation_lowered:
.L_overlay_start_0:
0x88: {  	s2 =	sld [smem:$0x3FD9]  }
0x89: {  	s3 =	sld [smem:$0x3FFE];
	_ =	sdelay $0x1  }
0x8a: {  	s1 =	srdreg.scid  }
0x8b: {  	s0 =	sand.u32 $0x1, s1  }
0x8c: {  	s17 =	sshll.u32 s0, $0xA;
	s2 =	sadd.s32 s3, s2  }
0x8d: {  	s2 =	sadd.s32 s2, s17  }
0x8e: {  	[smem:$0x3FBA] =	sst s2  }
0x8f: {  	_ = 	snop  }
0x90: {  	s2 =	sld [smem:$0x3FC8];
	(tm) =	ssettm $0x1  }
0x91: {  	s18 =	sld [smem:$0x3FFB];
	_ =	sdelay $0x3  }
0x92: {  	_ =	strace s18  }
0x93: {  	s3 =	sld [smem:$0x3FFC];
	_ =	sdelay $0x3  }
0x94: {  	_ =	strace s3  }
0x95: {  	s3 =	sld [smem:$0x3FFD];
	_ =	sdelay $0x3  }
0x96: {  	_ =	strace s3  }
0x97: {  	_ =	strace $0x8FFFFFFF  }
0x98: {  	s19 =	sld [smem:$0x3FDB];
	_ =	sdelay $0x1  }
0x99: {  	s4 =	simm.s32 $_scs_section_size  }
0x9a: {  	s5 =	simm.s32 $_size__tile_overlayer_lowered;
	s6 =	simm.s32 $_tile_overlayer_lowered  }
0x9b: {  	s22 =	simm.s32 $0x1BFF;
	s21 =	sshll.u32 s6, $0x1;
	s3 =	sadd.s32 s4, s19  }
0x9c: {  	s7 =	simm.s32 $0x0;
	s20 =	sshll.u32 s5, $0x1;
	s5 =	sadd.s32 s21, s3  }
0x9d: {  	[timem:s7], [sflag:s22] =	dma.local [hbm:s5], s20  }
0x9e: {  	_ =	swait.ge [sflag:s22], s20  }
0x9f: {  	s4 =	ssub.s32 $0x0, s20;
	[sflag:s22] =	ssyncset.done $0x0  }
0xa0: {  	[sflag:s22] =	ssyncadd.s32 s4;
	_ =	sdelay $0x1  }
0xa1: {  	s23 =	simm.s32 $0x1B8B  }
0xa2: {  	_ =	swait.ge [sflag:s23], $0x1  }
0xa3: {  	[sflag:s23] =	ssyncset.done $0x0  }
0xa4: {  	s25 =	simm.s32 $0x1B8E;
	s24 =	sld [smem:$0x3FFE];
	[sflag:s23] =	ssyncadd.s32 $0xFFFFFFFF  }
0xa5: {  	s26 =	simm.s32 $execute0_lowered;
	[smem:$0x3FD2] =	sst s25  }
0xa6: {  	s5 =	sshll.u32 s26, $0x1;
	_ =	strace $0x80000046;
	[dreg:$0x1] =	wrdreg $0xFFFFFFFF  }
0xa7: {  	s28 =	simm.s32 $_size_execute0_lowered;
	s3 =	sadd.s32 s3, s5;
	[dreg:$0x0] =	wrdreg $0x0  }
0xa8: {  	s5 =	sshll.u32 s28, $0x1;
	[dreg:$0x2] =	wrdreg s3  }
0xa9: {  	[dreg:$0x3] =	wrdreg s5  }
0xaa: {  	[dreg:$0x4] =	wrdreg $0xC0  }
0xab: {  	_ =	task [dreg:s7], $0x5FFFF  }
0xac: {  	[dreg:$0x1] =	wrdreg $0xFFFFFFFF  }
0xad: {  	[dreg:$0x0] =	wrdreg $0x60  }
0xae: {  	[dreg:$0x2] =	wrdreg s2  }
0xaf: {  	[dreg:$0x3] =	wrdreg s24  }
0xb0: {  	[dreg:$0x4] =	wrdreg $0x9  }
0xb1: {  	_ =	task.clear_ibuf [dreg:s7], $0x5FFFF;
	_ =	strace $0x90000046  }
0xb2: {  	s29 =	simm.s32 $0x9;
	_ =	strace $0x80000048  }
0xb3: {  	_ =	swait.ge [sflag:s29], $0x1  }
0xb4: {  	[sflag:s29] =	ssyncadd.s32 $0xFFFFFFFF  }
0xb5: {  	_ =	strace $0x90000048  }
0xb6: {  	_ =	sfence  }
0xb7: {  	s30 =	sld [smem:$0x0];
	_ =	sdelay $0x2  }
0xb8: {  	s31 =	sshll.u32 s1, $0xD;
	s1 =	sshrl.u32 s1, $0x2  }
0xb9: {  	s3 =	sand.u32 $0x4000, s31;
	s1 =	sadd.s32 s1, s30  }
0xba: {  	s0 =	sor.u32 s3, s0;
	s1 =	sshll.u32 s1, $0x11  }
0xbb: {  	s0 =	sor.u32 s1, s0  }
0xbc: {  	s0 =	sadd.s32 $0x8F2B, s0  }
0xbd: {  	[sflag:s0] =	ssyncadd.remote.s32 $0x1  }
0xbe: {  	_ =	sfence.sel $0xFFFF  }
0xbf: {  	[dreg:$0x0] =	wrdreg $0xFFFFFFFF;
	(pc) =	sbr.abs _section_cstart, $3  }
0xc0: {  	[dreg:$0x1] =	wrdreg $0xFFFFFFFF  }
0xc1: {  	_ =	task.clear_ibuf [dreg:s7], $0x2FFFF;
	_ =	strace $0x9FFFFFFF  }
0xc2: {  	(tm) =	ssettm $0x7FFFFFFF  }
0xc3: {  	_ =	shalt  }
tec
execute0_lowered:
.L_overlay_start_1:
0x0: {  	(tag) =	ssettag $0x1  }
0x1: {  	s1 =	rddreg [dreg:$0x0]  }
0x2: {  	s6 =	rddreg [dreg:$0x1]  }
0x3: {  	s0 =	rddreg [dreg:$0x2]  }
0x4: {  	s3 =	simm.s32 $0x0;
	s4 =	srdreg.scid;
	s2 =	stileid.u32  }
0x5: {  	s11 =	simm.s32 $0x80;
	s12 =	simm.s32 $0x400;
	s13 =	simm.s32 $0x2  }
0x6: {  	s14 =	simm.s32 $0x1C700;
	s15 =	simm.s32 $0x0;
	[smem:$0x7FF] =	sst s3  }
0x7: {  	s7 =	sand.u32 $0x1, s4;
	s31 =	sshll.u32 s2, $0x1;
	s5 =	sadd.s32 $0x1600, s6  }
.Ltmp0:
0x8: {  	s4 =	sor.u32 s7, s31;
	s7 =	ssub.s32 $0x2, s7;
	(pc) =	sbr.rel .LBB2_1-.Ltmp0, $4  }
0x9: {  	_ =	strace $0x80000047;
	s8 =	sshll.u32 s4, $0x4;
	s9 =	sshrl.u32 s7, $0x1  }
0xa: {  	s10 =	sshll.u32 s4, $0x7;
	s8 =	sand.u32 $0x70, s8;
	s9 =	ssub.s32 s7, s9  }
0xb: {  	s8 =	sadd.s32 s8, s6;
	s6 =	sand.u32 $0x380, s10;
	s10 =	simm.s32 $0x1  }
0xc: {  	s7 =	sadd.s32 $0xE600, s8;
	s8 =	smax.u32 s9, $0x1;
	s9 =	simm.s32 $0x18700  }
.LBB2_11:
0xd: {  	s15 =	sadd.s32 $0x1, s15  }
0xe: {  	p0 =	sne.s32 s15, s8  }
.Ltmp1:
0xf: {  	_ = 	snop;
	(pc) =	sbr.rel @!p0 .LBB2_12-.Ltmp1, $1  }
0x10: {  	_ =	sdelay $0x3  }
.LBB2_1:
.Ltmp2:
0x11: {  	(pc) =	sbr.rel .LBB2_2-.Ltmp2, $2  }
0x12: {  	_ =	sdelay $0x2  }
0x13: {  	s16 =	simm.s32 $0x0  }
.LBB2_10:
0x14: {  	s16 =	sadd.s32 $0x1, s16  }
0x15: {  	p0 =	sne.s32 s16, $0x1A  }
.Ltmp3:
0x16: {  	_ = 	snop;
	(pc) =	sbr.rel @!p0 .LBB2_11-.Ltmp3, $1  }
0x17: {  	_ =	sdelay $0x3  }
.LBB2_2:
0x18: {  	s17 =	sshll.u32 s16, $0xB  }
.Ltmp4:
0x19: {  	s18 =	sadd.s32 s5, s17;
	s17 =	simm.s32 $0x0;
	(pc) =	sbr.rel .LBB2_3-.Ltmp4, $4  }
0x1a: {  	[tilespmem:s9], [sflag:$0x1] =	stream.linear.gather [hbm4b:s18+s17], $0x4000, $0x38;
	[tilespmem:$0x1E700] =	vst v63  }
0x1b: {  	s31 =	smul.u32 $0x13DB00, s16;
	_ =	swait.ge [sflag:s10], $0x4000  }
0x1c: {  	s19 =	sshll.u32 s16, $0x12;
	[sflag:s10] =	ssyncset.done $0x0  }
0x1d: {  	s19 =	sadd.s32 s19, s7;
	s18 =	sadd.s32 s1, s31;
	[sflag:s10] =	ssyncadd.s32 $0xFFFFC000  }
.LBB2_8:
0x1e: {  	_ =	sdelay $0x1  }
0x1f: {  	v2 =	vld [tilespmem:s23+$0x1A700]  }
0x20: {  	[tilespmem:s21+$0x1C7E0] =	vst v1  }
0x21: {  	v0 =	vld.idx.msk [tilespmem:v0+s3+$0x0], $0xffff;
	_ =	sdelay $0x3  }
0x22: {  	v1 =	vld [tilespmem:s23+$0x1A710]  }
0x23: {  	[tilespmem:s21+$0x1C7F0] =	vst v0  }
0x24: {  	v0 =	vld.idx.msk [tilespmem:v2+s3+$0x0], $0xffff;
	_ =	sdelay $0x3  }
0x25: {  	v50 =	vld [tilespmem:s23+$0x1A720]  }
0x26: {  	[tilespmem:s23+$0x1C700] =	vst v0  }
0x27: {  	v1 =	vld.idx.msk [tilespmem:v1+s3+$0x0], $0xffff;
	_ =	sdelay $0x3  }
0x28: {  	v51 =	vld [tilespmem:s23+$0x1A730]  }
0x29: {  	[tilespmem:s23+$0x1C710] =	vst v1  }
0x2a: {  	v0 =	vld.idx.msk [tilespmem:v50+s3+$0x0], $0xffff;
	_ =	sdelay $0x3  }
0x2b: {  	v52 =	vld [tilespmem:s23+$0x1A740]  }
0x2c: {  	[tilespmem:s23+$0x1C720] =	vst v0  }
0x2d: {  	v1 =	vld.idx.msk [tilespmem:v51+s3+$0x0], $0xffff;
	_ =	sdelay $0x3  }
0x2e: {  	v53 =	vld [tilespmem:s23+$0x1A750]  }
0x2f: {  	[tilespmem:s23+$0x1C730] =	vst v1  }
0x30: {  	v0 =	vld.idx.msk [tilespmem:v52+s3+$0x0], $0xffff;
	_ =	sdelay $0x3  }
0x31: {  	v54 =	vld [tilespmem:s23+$0x1A760]  }
0x32: {  	[tilespmem:s23+$0x1C740] =	vst v0  }
0x33: {  	v1 =	vld.idx.msk [tilespmem:v53+s3+$0x0], $0xffff;
	_ =	sdelay $0x3  }
0x34: {  	v55 =	vld [tilespmem:s23+$0x1A770]  }
0x35: {  	[tilespmem:s23+$0x1C750] =	vst v1  }
0x36: {  	v0 =	vld.idx.msk [tilespmem:v54+s3+$0x0], $0xffff;
	_ =	sdelay $0x3  }
0x37: {  	v56 =	vld [tilespmem:s23+$0x1A780]  }
0x38: {  	[tilespmem:s23+$0x1C760] =	vst v0  }
0x39: {  	v1 =	vld.idx.msk [tilespmem:v55+s3+$0x0], $0xffff;
	_ =	sdelay $0x3  }
0x3a: {  	v57 =	vld [tilespmem:s23+$0x1A790]  }
0x3b: {  	[tilespmem:s23+$0x1C770] =	vst v1  }
0x3c: {  	v0 =	vld.idx.msk [tilespmem:v56+s3+$0x0], $0xffff;
	_ =	sdelay $0x3  }
0x3d: {  	v58 =	vld [tilespmem:s23+$0x1A7A0]  }
0x3e: {  	[tilespmem:s23+$0x1C780] =	vst v0  }
0x3f: {  	v1 =	vld.idx.msk [tilespmem:v57+s3+$0x0], $0xffff;
	_ =	sdelay $0x3  }
0x40: {  	v59 =	vld [tilespmem:s23+$0x1A7B0]  }
0x41: {  	[tilespmem:s23+$0x1C790] =	vst v1  }
0x42: {  	v0 =	vld.idx.msk [tilespmem:v58+s3+$0x0], $0xffff;
	_ =	sdelay $0x3  }
0x43: {  	v60 =	vld [tilespmem:s23+$0x1A7C0]  }
0x44: {  	[tilespmem:s23+$0x1C7A0] =	vst v0  }
0x45: {  	v1 =	vld.idx.msk [tilespmem:v59+s3+$0x0], $0xffff;
	_ =	sdelay $0x3  }
0x46: {  	v61 =	vld [tilespmem:s23+$0x1A7D0]  }
0x47: {  	[tilespmem:s23+$0x1C7B0] =	vst v1  }
0x48: {  	v0 =	vld.idx.msk [tilespmem:v60+s3+$0x0], $0xffff;
	_ =	sdelay $0x3  }
0x49: {  	v62 =	vld [tilespmem:s23+$0x1A7E0]  }
0x4a: {  	[tilespmem:s23+$0x1C7C0] =	vst v0  }
0x4b: {  	v1 =	vld.idx.msk [tilespmem:v61+s3+$0x0], $0xffff;
	_ =	sdelay $0x3  }
0x4c: {  	v63 =	vld [tilespmem:s23+$0x1A7F0]  }
0x4d: {  	[tilespmem:s23+$0x1C7D0] =	vst v1  }
0x4e: {  	v0 =	vld.idx.msk [tilespmem:v62+s3+$0x0], $0xffff;
	_ =	sdelay $0x4  }
0x4f: {  	[tilespmem:s23+$0x1C7E0] =	vst v0  }
0x50: {  	v0 =	vld.idx.msk [tilespmem:v63+s3+$0x0], $0xffff;
	_ =	sdelay $0x4  }
0x51: {  	s20 =	sadd.s32 $0x2000, s20;
	[tilespmem:s23+$0x1C7F0] =	vst v0  }
0x52: {  	[hbm4b:s20+s11] =	stream.strided.scatter [tilespmem:s14], [sflag:$0x1], $0x2000, s12, s11, $0x38;
	[tilespmem:$0x1E700] =	vst v63  }
0x53: {  	_ =	swait.ge [sflag:s10], $0x2000  }
0x54: {  	[sflag:s10] =	ssyncset.done $0x0  }
0x55: {  	[sflag:s10] =	ssyncadd.s32 $0xFFFFE000  }
.LBB2_9:
0x56: {  	s17 =	sadd.s32 $0x1, s17  }
0x57: {  	p0 =	sne.s32 s17, $0x4  }
.Ltmp5:
0x58: {  	_ = 	snop;
	(pc) =	sbr.rel @!p0 .LBB2_10-.Ltmp5, $1  }
0x59: {  	_ =	sdelay $0x3  }
.LBB2_3:
0x5a: {  	s20 =	sshll.u32 s17, $0x5  }
0x5b: {  	s20 =	sor.u32 s4, s20  }
0x5c: {  	p0 =	sgt.u32 s20, $0x63  }
.Ltmp6:
0x5d: {  	_ = 	snop;
	(pc) =	sbr.rel @p0 .LBB2_9-.Ltmp6, $1  }
0x5e: {  	_ =	sdelay $0x3  }
0x5f: {  	s21 =	sshrl.u32 s20, $0x3  }
0x60: {  	s21 =	smul.u32 $0xC3800, s21;
	_ =	sdelay $0x1  }
0x61: {  	s21 =	sor.u32 s6, s21  }
0x62: {  	s21 =	sshrl.u32 s21, $0x3  }
0x63: {  	s22 =	simm.s32 $0x0;
	s21 =	sadd.s32 s21, s18  }
0x64: {  	[tilespmem:s22], [sflag:$0x2] =	stream.strided.gather [hbm4b:s21+s11], $0x18700, s12, s11, $0x38;
	[tilespmem:$0x1E700] =	vst v63  }
0x65: {  	_ =	swait.ge [sflag:s13], $0x18700  }
0x66: {  	[sflag:s13] =	ssyncset.done $0x0  }
0x67: {  	s21 =	simm.s32 $0x0;
	[sflag:s13] =	ssyncadd.s32 $0xFFFE7900  }
0x68: {  	v0 =	vld [tilespmem:s21+$0x18700];
	_ =	sdelay $0x5  }
0x69: {  	v1 =	vld [tilespmem:s21+$0x18710];
	_ =	sdelay $0x1  }
0x6a: {  	v0 =	vld.idx.msk [tilespmem:v0+s3+$0x0], $0xffff;
	_ =	sdelay $0x4  }
0x6b: {  	[tilespmem:s21+$0x1C700] =	vst v0;
	v0 =	vld [tilespmem:s21+$0x18720]  }
0x6c: {  	v1 =	vld.idx.msk [tilespmem:v1+s3+$0x0], $0xffff;
	_ =	sdelay $0x4  }
0x6d: {  	[tilespmem:s21+$0x1C710] =	vst v1;
	v1 =	vld [tilespmem:s21+$0x18730];
	_ =	sdelay $0x1  }
0x6e: {  	v0 =	vld.idx.msk [tilespmem:v0+s3+$0x0], $0xffff;
	_ =	sdelay $0x4  }
0x6f: {  	[tilespmem:s21+$0x1C720] =	vst v0;
	v0 =	vld [tilespmem:s21+$0x18740]  }
0x70: {  	v1 =	vld.idx.msk [tilespmem:v1+s3+$0x0], $0xffff;
	_ =	sdelay $0x4  }
0x71: {  	[tilespmem:s21+$0x1C730] =	vst v1;
	v1 =	vld [tilespmem:s21+$0x18750];
	_ =	sdelay $0x1  }
0x72: {  	v0 =	vld.idx.msk [tilespmem:v0+s3+$0x0], $0xffff;
	_ =	sdelay $0x4  }
0x73: {  	[tilespmem:s21+$0x1C740] =	vst v0;
	v0 =	vld [tilespmem:s21+$0x18760]  }
0x74: {  	v1 =	vld.idx.msk [tilespmem:v1+s3+$0x0], $0xffff;
	_ =	sdelay $0x4  }
0x75: {  	[tilespmem:s21+$0x1C750] =	vst v1;
	v1 =	vld [tilespmem:s21+$0x18770];
	_ =	sdelay $0x1  }
0x76: {  	v0 =	vld.idx.msk [tilespmem:v0+s3+$0x0], $0xffff;
	_ =	sdelay $0x4  }
0x77: {  	[tilespmem:s21+$0x1C760] =	vst v0;
	v0 =	vld [tilespmem:s21+$0x18780]  }
0x78: {  	v1 =	vld.idx.msk [tilespmem:v1+s3+$0x0], $0xffff;
	_ =	sdelay $0x4  }
0x79: {  	[tilespmem:s21+$0x1C770] =	vst v1;
	v1 =	vld [tilespmem:s21+$0x18790];
	_ =	sdelay $0x1  }
0x7a: {  	v0 =	vld.idx.msk [tilespmem:v0+s3+$0x0], $0xffff;
	_ =	sdelay $0x4  }
0x7b: {  	[tilespmem:s21+$0x1C780] =	vst v0;
	v0 =	vld [tilespmem:s21+$0x187A0]  }
0x7c: {  	v1 =	vld.idx.msk [tilespmem:v1+s3+$0x0], $0xffff;
	_ =	sdelay $0x4  }
0x7d: {  	[tilespmem:s21+$0x1C790] =	vst v1;
	v1 =	vld [tilespmem:s21+$0x187B0];
	_ =	sdelay $0x1  }
0x7e: {  	v0 =	vld.idx.msk [tilespmem:v0+s3+$0x0], $0xffff;
	_ =	sdelay $0x4  }
0x7f: {  	[tilespmem:s21+$0x1C7A0] =	vst v0;
	v0 =	vld [tilespmem:s21+$0x187C0]  }
0x80: {  	v1 =	vld.idx.msk [tilespmem:v1+s3+$0x0], $0xffff;
	_ =	sdelay $0x4  }
0x81: {  	[tilespmem:s21+$0x1C7B0] =	vst v1;
	v1 =	vld [tilespmem:s21+$0x187D0];
	_ =	sdelay $0x1  }
0x82: {  	v0 =	vld.idx.msk [tilespmem:v0+s3+$0x0], $0xffff;
	_ =	sdelay $0x4  }
0x83: {  	v2 =	vld [tilespmem:s21+$0x187E0];
	[tilespmem:s21+$0x1C7C0] =	vst v0  }
0x84: {  	v0 =	vld.idx.msk [tilespmem:v1+s3+$0x0], $0xffff;
	_ =	sdelay $0x4  }
0x85: {  	[tilespmem:s21+$0x1C7D0] =	vst v0;
	v0 =	vld [tilespmem:s21+$0x187F0];
	_ =	sdelay $0x1  }
0x86: {  	v1 =	vld.idx.msk [tilespmem:v2+s3+$0x0], $0xffff;
	_ =	sdelay $0x3  }
0x87: {  	s23 =	simm.s32 $0x100;
	s22 =	simm.s32 $0x800  }
.LBB2_5:
0x88: {  	p0 =	sne.s32 s22, $0x7C00;
	v2 =	vld [tilespmem:s23+$0x18700];
	[tilespmem:s21+$0x1C7E0] =	vst v1  }
0x89: {  	v0 =	vld.idx.msk [tilespmem:v0+s3+$0x0], $0xffff;
	_ =	sdelay $0x5  }
0x8a: {  	v1 =	vld [tilespmem:s23+$0x18710];
	[tilespmem:s21+$0x1C7F0] =	vst v0;
	s21 =	smov.u32 s23  }
0x8b: {  	v0 =	vld.idx.msk [tilespmem:v2+s3+$0x0], $0xffff;
	_ =	sdelay $0x5  }
0x8c: {  	[tilespmem:s21+$0x1C700] =	vst v0;
	v0 =	vld [tilespmem:s21+$0x18720]  }
0x8d: {  	v1 =	vld.idx.msk [tilespmem:v1+s3+$0x0], $0xffff;
	_ =	sdelay $0x5  }
0x8e: {  	[tilespmem:s21+$0x1C710] =	vst v1;
	v1 =	vld [tilespmem:s21+$0x18730]  }
0x8f: {  	v0 =	vld.idx.msk [tilespmem:v0+s3+$0x0], $0xffff;
	_ =	sdelay $0x5  }
0x90: {  	[tilespmem:s21+$0x1C720] =	vst v0;
	v0 =	vld [tilespmem:s21+$0x18740]  }
0x91: {  	v1 =	vld.idx.msk [tilespmem:v1+s3+$0x0], $0xffff;
	_ =	sdelay $0x5  }
0x92: {  	[tilespmem:s21+$0x1C730] =	vst v1;
	v1 =	vld [tilespmem:s21+$0x18750]  }
0x93: {  	v0 =	vld.idx.msk [tilespmem:v0+s3+$0x0], $0xffff;
	_ =	sdelay $0x5  }
0x94: {  	[tilespmem:s21+$0x1C740] =	vst v0;
	v0 =	vld [tilespmem:s21+$0x18760]  }
0x95: {  	v1 =	vld.idx.msk [tilespmem:v1+s3+$0x0], $0xffff;
	_ =	sdelay $0x5  }
0x96: {  	[tilespmem:s21+$0x1C750] =	vst v1;
	v1 =	vld [tilespmem:s21+$0x18770]  }
0x97: {  	v0 =	vld.idx.msk [tilespmem:v0+s3+$0x0], $0xffff;
	_ =	sdelay $0x5  }
0x98: {  	[tilespmem:s21+$0x1C760] =	vst v0;
	v0 =	vld [tilespmem:s21+$0x18780]  }
0x99: {  	v1 =	vld.idx.msk [tilespmem:v1+s3+$0x0], $0xffff;
	_ =	sdelay $0x5  }
0x9a: {  	[tilespmem:s21+$0x1C770] =	vst v1;
	v1 =	vld [tilespmem:s21+$0x18790]  }
0x9b: {  	v0 =	vld.idx.msk [tilespmem:v0+s3+$0x0], $0xffff;
	_ =	sdelay $0x5  }
0x9c: {  	[tilespmem:s21+$0x1C780] =	vst v0;
	v0 =	vld [tilespmem:s21+$0x187A0]  }
0x9d: {  	v1 =	vld.idx.msk [tilespmem:v1+s3+$0x0], $0xffff;
	_ =	sdelay $0x5  }
0x9e: {  	[tilespmem:s21+$0x1C790] =	vst v1;
	v1 =	vld [tilespmem:s21+$0x187B0]  }
0x9f: {  	v0 =	vld.idx.msk [tilespmem:v0+s3+$0x0], $0xffff;
	_ =	sdelay $0x5  }
0xa0: {  	[tilespmem:s21+$0x1C7A0] =	vst v0;
	v0 =	vld [tilespmem:s21+$0x187C0]  }
0xa1: {  	v1 =	vld.idx.msk [tilespmem:v1+s3+$0x0], $0xffff;
	_ =	sdelay $0x5  }
0xa2: {  	[tilespmem:s21+$0x1C7B0] =	vst v1;
	v1 =	vld [tilespmem:s21+$0x187D0]  }
0xa3: {  	v0 =	vld.idx.msk [tilespmem:v0+s3+$0x0], $0xffff;
	_ =	sdelay $0x5  }
0xa4: {  	[tilespmem:s21+$0x1C7C0] =	vst v0;
	v2 =	vld [tilespmem:s21+$0x187E0]  }
0xa5: {  	v0 =	vld.idx.msk [tilespmem:v1+s3+$0x0], $0xffff;
	_ =	sdelay $0x5  }
0xa6: {  	[tilespmem:s21+$0x1C7D0] =	vst v0;
	v0 =	vld [tilespmem:s21+$0x187F0]  }
0xa7: {  	v1 =	vld.idx.msk [tilespmem:v2+s3+$0x0], $0xffff  }
.Ltmp7:
0xa8: {  	(pc) =	sbr.rel @p0 .LBB2_5-.Ltmp7, $2  }
0xa9: {  	_ =	sdelay $0x2  }
0xaa: {  	s23 =	sshra.s32 s22, $0x2;
	s22 =	sadd.s32 $0x400, s22  }
0xab: {  	_ =	sdelay $0x1  }
0xac: {  	v2 =	vld [tilespmem:s23+$0x18700]  }
0xad: {  	[tilespmem:s21+$0x1C7E0] =	vst v1  }
0xae: {  	v0 =	vld.idx.msk [tilespmem:v0+s3+$0x0], $0xffff;
	_ =	sdelay $0x3  }
0xaf: {  	v1 =	vld [tilespmem:s23+$0x18710]  }
0xb0: {  	[tilespmem:s21+$0x1C7F0] =	vst v0  }
0xb1: {  	v0 =	vld.idx.msk [tilespmem:v2+s3+$0x0], $0xffff;
	_ =	sdelay $0x4  }
0xb2: {  	[tilespmem:s23+$0x1C700] =	vst v0;
	v0 =	vld [tilespmem:s23+$0x18720]  }
0xb3: {  	v1 =	vld.idx.msk [tilespmem:v1+s3+$0x0], $0xffff;
	_ =	sdelay $0x4  }
0xb4: {  	[tilespmem:s23+$0x1C710] =	vst v1;
	v1 =	vld [tilespmem:s23+$0x18730];
	_ =	sdelay $0x1  }
0xb5: {  	v0 =	vld.idx.msk [tilespmem:v0+s3+$0x0], $0xffff;
	_ =	sdelay $0x4  }
0xb6: {  	[tilespmem:s23+$0x1C720] =	vst v0;
	v0 =	vld [tilespmem:s23+$0x18740]  }
0xb7: {  	v1 =	vld.idx.msk [tilespmem:v1+s3+$0x0], $0xffff;
	_ =	sdelay $0x4  }
0xb8: {  	[tilespmem:s23+$0x1C730] =	vst v1;
	v1 =	vld [tilespmem:s23+$0x18750];
	_ =	sdelay $0x1  }
0xb9: {  	v0 =	vld.idx.msk [tilespmem:v0+s3+$0x0], $0xffff;
	_ =	sdelay $0x4  }
0xba: {  	[tilespmem:s23+$0x1C740] =	vst v0;
	v0 =	vld [tilespmem:s23+$0x18760]  }
0xbb: {  	v1 =	vld.idx.msk [tilespmem:v1+s3+$0x0], $0xffff;
	_ =	sdelay $0x4  }
0xbc: {  	[tilespmem:s23+$0x1C750] =	vst v1;
	v1 =	vld [tilespmem:s23+$0x18770];
	_ =	sdelay $0x1  }
0xbd: {  	v0 =	vld.idx.msk [tilespmem:v0+s3+$0x0], $0xffff;
	_ =	sdelay $0x4  }
0xbe: {  	[tilespmem:s23+$0x1C760] =	vst v0;
	v0 =	vld [tilespmem:s23+$0x18780]  }
0xbf: {  	v1 =	vld.idx.msk [tilespmem:v1+s3+$0x0], $0xffff;
	_ =	sdelay $0x4  }
0xc0: {  	[tilespmem:s23+$0x1C770] =	vst v1;
	v1 =	vld [tilespmem:s23+$0x18790];
	_ =	sdelay $0x1  }
0xc1: {  	v0 =	vld.idx.msk [tilespmem:v0+s3+$0x0], $0xffff;
	_ =	sdelay $0x4  }
0xc2: {  	[tilespmem:s23+$0x1C780] =	vst v0;
	v0 =	vld [tilespmem:s23+$0x187A0]  }
0xc3: {  	v1 =	vld.idx.msk [tilespmem:v1+s3+$0x0], $0xffff;
	_ =	sdelay $0x4  }
0xc4: {  	[tilespmem:s23+$0x1C790] =	vst v1;
	v1 =	vld [tilespmem:s23+$0x187B0];
	_ =	sdelay $0x1  }
0xc5: {  	v0 =	vld.idx.msk [tilespmem:v0+s3+$0x0], $0xffff;
	_ =	sdelay $0x4  }
0xc6: {  	[tilespmem:s23+$0x1C7A0] =	vst v0;
	v0 =	vld [tilespmem:s23+$0x187C0]  }
0xc7: {  	v1 =	vld.idx.msk [tilespmem:v1+s3+$0x0], $0xffff;
	_ =	sdelay $0x4  }
0xc8: {  	[tilespmem:s23+$0x1C7B0] =	vst v1;
	v1 =	vld [tilespmem:s23+$0x187D0];
	_ =	sdelay $0x1  }
0xc9: {  	v0 =	vld.idx.msk [tilespmem:v0+s3+$0x0], $0xffff;
	_ =	sdelay $0x4  }
0xca: {  	[tilespmem:s23+$0x1C7C0] =	vst v0;
	v0 =	vld [tilespmem:s23+$0x187E0]  }
0xcb: {  	v1 =	vld.idx.msk [tilespmem:v1+s3+$0x0], $0xffff;
	_ =	sdelay $0x4  }
0xcc: {  	[tilespmem:s23+$0x1C7D0] =	vst v1;
	v1 =	vld [tilespmem:s23+$0x187F0];
	_ =	sdelay $0x1  }
0xcd: {  	v0 =	vld.idx.msk [tilespmem:v0+s3+$0x0], $0xffff;
	_ =	sdelay $0x4  }
0xce: {  	[tilespmem:s23+$0x1C7E0] =	vst v0  }
0xcf: {  	v0 =	vld.idx.msk [tilespmem:v1+s3+$0x0], $0xffff;
	_ =	sdelay $0x2  }
0xd0: {  	s20 =	sshll.u32 s20, $0xB  }
0xd1: {  	s20 =	sand.u32 $0x3C000, s20  }
0xd2: {  	s20 =	sadd.s32 s20, s19;
	[tilespmem:s23+$0x1C7F0] =	vst v0  }
0xd3: {  	[hbm4b:s20+s11] =	stream.strided.scatter [tilespmem:s14], [sflag:$0x2], $0x2000, s12, s11, $0x38;
	[tilespmem:$0x1E700] =	vst v63  }
0xd4: {  	_ =	swait.ge [sflag:s13], $0x2000  }
0xd5: {  	[sflag:s13] =	ssyncset.done $0x0  }
0xd6: {  	s21 =	simm.s32 $0x0;
	[sflag:s13] =	ssyncadd.s32 $0xFFFFE000  }
0xd7: {  	v0 =	vld [tilespmem:s21+$0x1A700];
	_ =	sdelay $0x5  }
0xd8: {  	v1 =	vld [tilespmem:s21+$0x1A710];
	_ =	sdelay $0x1  }
0xd9: {  	v0 =	vld.idx.msk [tilespmem:v0+s3+$0x0], $0xffff;
	_ =	sdelay $0x4  }
0xda: {  	[tilespmem:s21+$0x1C700] =	vst v0;
	v0 =	vld [tilespmem:s21+$0x1A720]  }
0xdb: {  	v1 =	vld.idx.msk [tilespmem:v1+s3+$0x0], $0xffff;
	_ =	sdelay $0x4  }
0xdc: {  	[tilespmem:s21+$0x1C710] =	vst v1;
	v1 =	vld [tilespmem:s21+$0x1A730];
	_ =	sdelay $0x1  }
0xdd: {  	v0 =	vld.idx.msk [tilespmem:v0+s3+$0x0], $0xffff;
	_ =	sdelay $0x4  }
0xde: {  	[tilespmem:s21+$0x1C720] =	vst v0;
	v0 =	vld [tilespmem:s21+$0x1A740]  }
0xdf: {  	v1 =	vld.idx.msk [tilespmem:v1+s3+$0x0], $0xffff;
	_ =	sdelay $0x4  }
0xe0: {  	[tilespmem:s21+$0x1C730] =	vst v1;
	v1 =	vld [tilespmem:s21+$0x1A750];
	_ =	sdelay $0x1  }
0xe1: {  	v0 =	vld.idx.msk [tilespmem:v0+s3+$0x0], $0xffff;
	_ =	sdelay $0x4  }
0xe2: {  	[tilespmem:s21+$0x1C740] =	vst v0;
	v0 =	vld [tilespmem:s21+$0x1A760]  }
0xe3: {  	v1 =	vld.idx.msk [tilespmem:v1+s3+$0x0], $0xffff;
	_ =	sdelay $0x4  }
0xe4: {  	[tilespmem:s21+$0x1C750] =	vst v1;
	v1 =	vld [tilespmem:s21+$0x1A770];
	_ =	sdelay $0x1  }
0xe5: {  	v0 =	vld.idx.msk [tilespmem:v0+s3+$0x0], $0xffff;
	_ =	sdelay $0x4  }
0xe6: {  	[tilespmem:s21+$0x1C760] =	vst v0;
	v0 =	vld [tilespmem:s21+$0x1A780]  }
0xe7: {  	v1 =	vld.idx.msk [tilespmem:v1+s3+$0x0], $0xffff;
	_ =	sdelay $0x4  }
0xe8: {  	[tilespmem:s21+$0x1C770] =	vst v1;
	v1 =	vld [tilespmem:s21+$0x1A790];
	_ =	sdelay $0x1  }
0xe9: {  	v0 =	vld.idx.msk [tilespmem:v0+s3+$0x0], $0xffff;
	_ =	sdelay $0x4  }
0xea: {  	[tilespmem:s21+$0x1C780] =	vst v0;
	v0 =	vld [tilespmem:s21+$0x1A7A0]  }
0xeb: {  	v1 =	vld.idx.msk [tilespmem:v1+s3+$0x0], $0xffff;
	_ =	sdelay $0x4  }
0xec: {  	[tilespmem:s21+$0x1C790] =	vst v1;
	v1 =	vld [tilespmem:s21+$0x1A7B0];
	_ =	sdelay $0x1  }
0xed: {  	v0 =	vld.idx.msk [tilespmem:v0+s3+$0x0], $0xffff;
	_ =	sdelay $0x4  }
0xee: {  	[tilespmem:s21+$0x1C7A0] =	vst v0;
	v0 =	vld [tilespmem:s21+$0x1A7C0]  }
0xef: {  	v1 =	vld.idx.msk [tilespmem:v1+s3+$0x0], $0xffff;
	_ =	sdelay $0x4  }
0xf0: {  	[tilespmem:s21+$0x1C7B0] =	vst v1;
	v1 =	vld [tilespmem:s21+$0x1A7D0];
	_ =	sdelay $0x1  }
0xf1: {  	v0 =	vld.idx.msk [tilespmem:v0+s3+$0x0], $0xffff;
	_ =	sdelay $0x4  }
0xf2: {  	v2 =	vld [tilespmem:s21+$0x1A7E0];
	[tilespmem:s21+$0x1C7C0] =	vst v0  }
0xf3: {  	v0 =	vld.idx.msk [tilespmem:v1+s3+$0x0], $0xffff;
	_ =	sdelay $0x4  }
0xf4: {  	[tilespmem:s21+$0x1C7D0] =	vst v0;
	v0 =	vld [tilespmem:s21+$0x1A7F0];
	_ =	sdelay $0x1  }
0xf5: {  	v1 =	vld.idx.msk [tilespmem:v2+s3+$0x0], $0xffff;
	_ =	sdelay $0x3  }
0xf6: {  	s22 =	simm.s32 $0x800;
	s23 =	simm.s32 $0x100  }
.LBB2_7:
0xf7: {  	p0 =	sne.s32 s22, $0x7C00;
	v2 =	vld [tilespmem:s23+$0x1A700];
	[tilespmem:s21+$0x1C7E0] =	vst v1  }
0xf8: {  	v0 =	vld.idx.msk [tilespmem:v0+s3+$0x0], $0xffff;
	_ =	sdelay $0x5  }
0xf9: {  	v1 =	vld [tilespmem:s23+$0x1A710];
	[tilespmem:s21+$0x1C7F0] =	vst v0;
	s21 =	smov.u32 s23  }
0xfa: {  	v0 =	vld.idx.msk [tilespmem:v2+s3+$0x0], $0xffff;
	_ =	sdelay $0x5  }
0xfb: {  	[tilespmem:s21+$0x1C700] =	vst v0;
	v0 =	vld [tilespmem:s21+$0x1A720]  }
0xfc: {  	v1 =	vld.idx.msk [tilespmem:v1+s3+$0x0], $0xffff;
	_ =	sdelay $0x5  }
0xfd: {  	[tilespmem:s21+$0x1C710] =	vst v1;
	v1 =	vld [tilespmem:s21+$0x1A730]  }
0xfe: {  	v0 =	vld.idx.msk [tilespmem:v0+s3+$0x0], $0xffff;
	_ =	sdelay $0x5  }
0xff: {  	[tilespmem:s21+$0x1C720] =	vst v0;
	v0 =	vld [tilespmem:s21+$0x1A740]  }
0x100: {  	v1 =	vld.idx.msk [tilespmem:v1+s3+$0x0], $0xffff;
	_ =	sdelay $0x5  }
0x101: {  	[tilespmem:s21+$0x1C730] =	vst v1;
	v1 =	vld [tilespmem:s21+$0x1A750]  }
0x102: {  	v0 =	vld.idx.msk [tilespmem:v0+s3+$0x0], $0xffff;
	_ =	sdelay $0x5  }
0x103: {  	[tilespmem:s21+$0x1C740] =	vst v0;
	v0 =	vld [tilespmem:s21+$0x1A760]  }
0x104: {  	v1 =	vld.idx.msk [tilespmem:v1+s3+$0x0], $0xffff;
	_ =	sdelay $0x5  }
0x105: {  	[tilespmem:s21+$0x1C750] =	vst v1;
	v1 =	vld [tilespmem:s21+$0x1A770]  }
0x106: {  	v0 =	vld.idx.msk [tilespmem:v0+s3+$0x0], $0xffff;
	_ =	sdelay $0x5  }
0x107: {  	[tilespmem:s21+$0x1C760] =	vst v0;
	v0 =	vld [tilespmem:s21+$0x1A780]  }
0x108: {  	v1 =	vld.idx.msk [tilespmem:v1+s3+$0x0], $0xffff;
	_ =	sdelay $0x5  }
0x109: {  	[tilespmem:s21+$0x1C770] =	vst v1;
	v1 =	vld [tilespmem:s21+$0x1A790]  }
0x10a: {  	v0 =	vld.idx.msk [tilespmem:v0+s3+$0x0], $0xffff;
	_ =	sdelay $0x5  }
0x10b: {  	[tilespmem:s21+$0x1C780] =	vst v0;
	v0 =	vld [tilespmem:s21+$0x1A7A0]  }
0x10c: {  	v1 =	vld.idx.msk [tilespmem:v1+s3+$0x0], $0xffff;
	_ =	sdelay $0x5  }
0x10d: {  	[tilespmem:s21+$0x1C790] =	vst v1;
	v1 =	vld [tilespmem:s21+$0x1A7B0]  }
0x10e: {  	v0 =	vld.idx.msk [tilespmem:v0+s3+$0x0], $0xffff;
	_ =	sdelay $0x5  }
0x10f: {  	[tilespmem:s21+$0x1C7A0] =	vst v0;
	v0 =	vld [tilespmem:s21+$0x1A7C0]  }
0x110: {  	v1 =	vld.idx.msk [tilespmem:v1+s3+$0x0], $0xffff;
	_ =	sdelay $0x5  }
0x111: {  	[tilespmem:s21+$0x1C7B0] =	vst v1;
	v1 =	vld [tilespmem:s21+$0x1A7D0]  }
0x112: {  	v0 =	vld.idx.msk [tilespmem:v0+s3+$0x0], $0xffff;
	_ =	sdelay $0x5  }
0x113: {  	[tilespmem:s21+$0x1C7C0] =	vst v0;
	v2 =	vld [tilespmem:s21+$0x1A7E0]  }
0x114: {  	v0 =	vld.idx.msk [tilespmem:v1+s3+$0x0], $0xffff;
	_ =	sdelay $0x5  }
0x115: {  	[tilespmem:s21+$0x1C7D0] =	vst v0;
	v0 =	vld [tilespmem:s21+$0x1A7F0]  }
0x116: {  	v1 =	vld.idx.msk [tilespmem:v2+s3+$0x0], $0xffff  }
.Ltmp8:
0x117: {  	(pc) =	sbr.rel @p0 .LBB2_7-.Ltmp8, $2  }
0x118: {  	_ =	sdelay $0x2  }
0x119: {  	s23 =	sshra.s32 s22, $0x2;
	s22 =	sadd.s32 $0x400, s22  }
.Ltmp9:
0x11a: {  	_ = 	snop;
	(pc) =	sbr.rel .LBB2_8-.Ltmp9, $1  }
0x11b: {  	_ =	sdelay $0x3  }
.LBB2_12:
0x11c: {  	_ =	sfence.sel $0x180000  }
0x11d: {  	[bflag:$0x0] =	sbarrier.arrive $0xFFFF  }
0x11e: {  	p0 =	sne.s32 s2, $0x0;
	_ =	strace $0x90000047  }
0x11f: {  	s0 =	sadd.s32 @!p0 $0x100000, s0;
	[bflag:$0x2] =	sbarrier.arrive $0xFFFF  }
0x120: {  	[sflag:s0] =	ssyncadd.tile.s32 @!p0 $0x1;
	_ =	shalt  }
.Lfunc_end2:
_tile_overlayer_lowered:
.L_overlay_start_2:
0x121: {  	(tag) =	ssettag $0x2  }
0x122: {  	s0 =	rddreg [dreg:$0x0];
	s2 =	stileid.u32  }
0x123: {  	s1 =	rddreg [dreg:$0x1];
	p0 =	sne.s32 s2, $0x0  }
0x124: {  	s3 =	rddreg [dreg:$0x2];
	[bflag:$0x3] =	sbarrier.arrive $0xFFFF;
	s2 =	simm.s32 @!p0 $0x1C01  }
0x125: {  	[timem:s3], [sflag:s2] =	dma.local @!p0 [hbm:s0], s1  }
0x126: {  	s0 =	simm.s32 @!p0 $0x1  }
0x127: {  	_ =	swait.ge @!p0 [sflag:s0], s1  }
0x128: {  	s1 =	ssub.s32 @!p0 $0x0, s1;
	[sflag:s0] =	ssyncset.done @!p0 $0x0  }
0x129: {  	[sflag:s0] =	ssyncadd.s32 @!p0 s1  }
0x12a: {  	[bflag:$0x3] =	sbarrier.arrive $0xFFFF  }
0x12b: {  	_ =	shalt  }

</sc_bundles>
